<compile_context>
chip_gen: v7x
topology: tpu7x:2x2x1
jax: 0.10.2.dev20260603
libtpu: 0.0.44.dev20260713+nightly
codegen_flags: <defaults>
</compile_context>

<pallas_src>
import functools
import math

import jax
import jax.numpy as jnp
from jax import lax
from jax.experimental import pallas as pl
from jax.experimental.pallas import tpu as pltpu
from jax.experimental.pallas import tpu_sc as plsc

_NUM_PROJS = 7
_NBUCKET = 1 << _NUM_PROJS
_BLOCK = 32

_B, _S, _H, _D = 1, 2048, 12, 128
_ROWS = _S * _H
_NB = _S // _BLOCK
_PER_BLK = _ROWS // _NB
_R128 = _ROWS // 128

_BQ = 1024
_BK = 1024
_NQ = _S // _BQ

_NC, _NS = 2, 16
_NW = _NC * _NS
_RPW = _ROWS // _NW
_CH = 128
_NCHUNK = _RPW // _CH


def _cumsum_rows(x):
    n = x.shape[0]
    k = 1
    while k < n:
        shifted = jnp.concatenate(
            [jnp.zeros((k, x.shape[1]), x.dtype), x[:-k]], axis=0)
        x = x + shifted
        k *= 2
    return x


def _cumsum_lanes(x):
    n = x.shape[1]
    k = 1
    while k < n:
        shifted = jnp.concatenate(
            [jnp.zeros((x.shape[0], k), x.dtype), x[:, :-k]], axis=1)
        x = x + shifted
        k *= 2
    return x


def _hash_col(x, pd, enc_col):
    m = jnp.dot(x, pd, preferred_element_type=jnp.float32)
    bits = (m > 0).astype(jnp.float32)
    binf = jnp.dot(bits, enc_col, preferred_element_type=jnp.float32)
    bini = binf.astype(jnp.int32)
    return (bini ^ (bini >> 1)).astype(jnp.float32)


def _hashes_body(q_ref, k_ref, pd_ref, qh_ref, kh_ref):
    enc_i = lax.broadcasted_iota(jnp.int32, (8, 1), 0)
    enc_col = jnp.where(enc_i < _NUM_PROJS, 1 << enc_i, 0).astype(jnp.float32)
    pd = pd_ref[...]
    qh = _hash_col(q_ref[...], pd, enc_col)
    kh = _hash_col(k_ref[...], pd, enc_col)
    qh_ref[...] = jnp.reshape(qh, (1, 1, _S))
    kh_ref[...] = jnp.reshape(kh, (1, 1, _S))


def _hashes_call(qflat, kflat, pd8):
    return pl.pallas_call(
        _hashes_body,
        grid=(_H,),
        in_specs=[
            pl.BlockSpec((_S, _D), lambda c: (c, 0)),
            pl.BlockSpec((_S, _D), lambda c: (c, 0)),
            pl.BlockSpec((_D, 8), lambda c: (0, 0)),
        ],
        out_specs=[
            pl.BlockSpec((1, 1, _S), lambda c: (c, 0, 0)),
            pl.BlockSpec((1, 1, _S), lambda c: (c, 0, 0)),
        ],
        out_shape=[
            jax.ShapeDtypeStruct((_H, 1, _S), jnp.float32),
            jax.ShapeDtypeStruct((_H, 1, _S), jnp.float32),
        ],
    )(qflat, kflat, pd8)


def _sort_body(qh_ref, kh_ref, kmask_ref, dest_ref):
    lanes = lax.broadcasted_iota(jnp.int32, (1, _NBUCKET), 1).astype(
        jnp.float32)
    ones_col = jnp.full((_NBUCKET, 1), 1.0, jnp.float32)
    r_iota = lax.broadcasted_iota(jnp.int32, (_S, 1), 0).astype(jnp.float32)
    eq_rows = []
    dest_cols = []
    for h in range(_H):
        qh = jnp.transpose(qh_ref[h:h + 1, :])
        kh_row = kh_ref[h:h + 1, :]
        oh = (qh == lanes).astype(jnp.float32)
        counts = jnp.sum(oh, axis=0, keepdims=True)
        cnt_incl = _cumsum_lanes(counts)
        off_excl = cnt_incl - counts
        csum = _cumsum_rows(oh)
        rank = jnp.sum((off_excl + csum - 1.0) * oh, axis=1,
                       keepdims=True)
        qhs = jnp.dot((cnt_incl <= r_iota).astype(jnp.float32), ones_col,
                      preferred_element_type=jnp.float32)
        eq = (jnp.transpose(qhs) == kh_row).astype(jnp.float32)
        eq_rows.append(eq)
        dest_cols.append(rank + float(h * _S))
    eqm = jnp.concatenate(eq_rows, axis=0)
    dest = jnp.concatenate(dest_cols, axis=1)
    dest_ref[...] = dest.astype(jnp.int32)

    e192 = jnp.reshape(eqm, (_R128, 128))
    rowsum = jnp.sum(e192, axis=1, keepdims=True)
    ra = lax.broadcasted_iota(jnp.int32, (_NB, _R128), 0)
    ca = lax.broadcasted_iota(jnp.int32, (_NB, _R128), 1)
    seg_a = ((ca >= 3 * ra) & (ca < 3 * ra + 3)).astype(jnp.float32)
    rb = lax.broadcasted_iota(jnp.int32, (_R128, _NB), 0)
    cb = lax.broadcasted_iota(jnp.int32, (_R128, _NB), 1)
    seg_b = ((rb >= 3 * cb) & (rb < 3 * cb + 3)).astype(jnp.float32)
    blksum = jnp.dot(seg_a, rowsum,
                     preferred_element_type=jnp.float32)
    keep = (blksum > 0).astype(jnp.float32)
    km192 = jnp.dot(seg_b, keep,
                    preferred_element_type=jnp.float32)
    km = jnp.broadcast_to(km192, (_R128, 128))
    kmask_ref[...] = jnp.reshape(km, (_H, 1, _S))


def _sort_call(qhT, khT):
    return pl.pallas_call(
        _sort_body,
        out_shape=[
            jax.ShapeDtypeStruct((_H, 1, _S), jnp.float32),
            jax.ShapeDtypeStruct((_S, _H), jnp.int32),
        ],
    )(qhT, khT)


def _sc_scatter(qflat, dest3):
    mesh = plsc.VectorSubcoreMesh(
        core_axis_name="c", subcore_axis_name="s",
        num_cores=_NC, num_subcores=_NS)

    @functools.partial(
        pl.kernel, mesh=mesh,
        out_type=jax.ShapeDtypeStruct((_ROWS, _D), jnp.float32),
        scratch_types=[
            pltpu.VMEM((_NCHUNK, _CH), jnp.int32),
            pltpu.VMEM((_RPW, _D), jnp.float32),
            pltpu.SemaphoreType.DMA,
        ],
    )
    def sc_scatter_kernel(q_hbm, d_hbm, out_hbm, idx_v, rows_v, sem):
        wid = lax.axis_index("s") * _NC + lax.axis_index("c")
        base = wid * _RPW
        pltpu.sync_copy(d_hbm.at[wid], idx_v)
        pltpu.sync_copy(q_hbm.at[pl.ds(base, _RPW)], rows_v)
        copies = [pltpu.async_copy(rows_v.at[pl.ds(j * _CH, _CH)],
                                   out_hbm.at[idx_v.at[j]], sem)
                  for j in range(_NCHUNK)]
        for c in copies:
            c.wait()

    return sc_scatter_kernel(qflat, dest3)


def _sc_gather(aflat, dest3):
    mesh = plsc.VectorSubcoreMesh(
        core_axis_name="c", subcore_axis_name="s",
        num_cores=_NC, num_subcores=_NS)

    @functools.partial(
        pl.kernel, mesh=mesh,
        out_type=jax.ShapeDtypeStruct((_ROWS, _D), jnp.float32),
        scratch_types=[
            pltpu.VMEM((_NCHUNK, _CH), jnp.int32),
            pltpu.VMEM((_RPW, _D), jnp.float32),
            pltpu.SemaphoreType.DMA,
        ],
    )
    def sc_gather_kernel(a_hbm, d_hbm, out_hbm, idx_v, rows_v, sem):
        wid = lax.axis_index("s") * _NC + lax.axis_index("c")
        base = wid * _RPW
        pltpu.sync_copy(d_hbm.at[wid], idx_v)
        copies = [pltpu.async_copy(a_hbm.at[idx_v.at[j]],
                                   rows_v.at[pl.ds(j * _CH, _CH)], sem)
                  for j in range(_NCHUNK)]
        for c in copies:
            c.wait()
        pltpu.sync_copy(rows_v, out_hbm.at[pl.ds(base, _RPW)])

    return sc_gather_kernel(aflat, dest3)


def _attn_body(q_ref, k_ref, v_ref, m_ref, o_ref):
    qi = pl.program_id(1)
    scale = 1.0 / math.sqrt(float(_D))
    q = (q_ref[...] * scale).astype(jnp.bfloat16)
    rows = lax.broadcasted_iota(jnp.int32, (_BQ, _BK), 0)
    cols = lax.broadcasted_iota(jnp.int32, (_BQ, _BK), 1)

    log2e = 1.4426950408889634
    diag = qi
    off = 0

    def step(kj, carry):
        l, acc = carry
        kb = k_ref[pl.ds(kj * _BK, _BK), :]
        vb = v_ref[pl.ds(kj * _BK, _BK), :]
        s = lax.dot_general(q, kb, (((1,), (1,)), ((), ())),
                            preferred_element_type=jnp.float32)
        kml = m_ref[0, :, pl.ds(kj * _BK, _BK)] * log2e
        p = jnp.exp2(s * kml).astype(jnp.bfloat16)
        p = lax.cond(
            kj == diag,
            lambda x: jnp.where(rows + off >= cols, x, jnp.bfloat16(0.0)),
            lambda x: x, p)
        l_new = l + jnp.sum(p, axis=1, keepdims=True).astype(jnp.float32)
        acc_new = acc + lax.dot_general(
            p, vb, (((1,), (0,)), ((), ())),
            preferred_element_type=jnp.float32)
        return l_new, acc_new

    l0 = jnp.zeros((_BQ, 1), jnp.float32)
    a0 = jnp.zeros((_BQ, _D), jnp.float32)
    l, acc = lax.fori_loop(0, diag + 1, step, (l0, a0))
    o_ref[...] = acc / l


def _attn_call(qs, k2, v2, kmask3):
    return pl.pallas_call(
        _attn_body,
        grid=(_H, _NQ),
        in_specs=[
            pl.BlockSpec((_BQ, _D), lambda h, qi: (h * _NQ + qi, 0)),
            pl.BlockSpec((_S, _D), lambda h, qi: (0, h)),
            pl.BlockSpec((_S, _D), lambda h, qi: (0, h)),
            pl.BlockSpec((1, 1, _S), lambda h, qi: (h, 0, 0)),
        ],
        out_specs=pl.BlockSpec((_BQ, _D), lambda h, qi: (h * _NQ + qi, 0)),
        out_shape=jax.ShapeDtypeStruct((_ROWS, _D), jnp.float32),
    )(qs, k2, v2, kmask3)


def kernel(q, k, v, is_causal, mask, proj_dir):
    B, S, H, D = q.shape
    k2b = k.reshape(S, H * D).astype(jnp.bfloat16)
    v2b = v.reshape(S, H * D).astype(jnp.bfloat16)
    pd8 = jnp.pad(proj_dir[0, 0], ((0, 0), (0, 1)))

    qflat = q.reshape(S * H, D)
    kflat = k.reshape(S * H, D)
    qh3, kh3 = _hashes_call(qflat, kflat, pd8)
    qhT = jnp.transpose(qh3.reshape(S, H))
    khT = jnp.transpose(kh3.reshape(S, H))
    kmask3, dest2d = _sort_call(qhT, khT)
    dest3 = dest2d.reshape(_NW, _NCHUNK, _CH)

    qs = _sc_scatter(qflat, dest3)
    oa = _attn_call(qs, k2b, v2b, kmask3)
    out = _sc_gather(oa, dest3)
    return out.reshape(B, S, H, D)

# --- scband reference (transcript-rebuilt; emitter-appended) ---
"""Pipeline reference for scband-prefill-qattention-37108517437826 (READ-ONLY COPY).

The authoritative reference and input builder live on the scoring server;
editing this copy changes nothing except your own understanding.
"""

import jax, jax.numpy as jnp
import numpy as np

LSH_NUM_PROJS = 7
BLOCK_SIZE = 32


def _unit_hamming_distance_array(size_n):
    a = np.array([0, 1], dtype=np.int32)
    for i in range(1, size_n):
        a = np.concatenate([a, a[::-1] + 2 ** i])
    return a


def _lsh_hash(mat, proj_dir, perm, enc_vec):
    # mat: [b, h, s, d]; proj_dir: [1, 1, d, num_projs]
    m = jnp.einsum('...nd,...dr->...nr', mat, proj_dir)
    bits = (m > 0).astype(jnp.int32)
    bin_ids = (bits * enc_vec).sum(-1)
    return perm[bin_ids]  # gray-code permuted hash buckets, [b, h, s]


def _attn(q, k, v):
    # q, k, v: [b, s, h, d]; causal softmax attention (xformers_attn with LowerTriangularMask)
    b, sq, h, d = q.shape
    qh = jnp.transpose(q, (0, 2, 1, 3))
    kh = jnp.transpose(k, (0, 2, 1, 3))
    vh = jnp.transpose(v, (0, 2, 1, 3))
    scores = jnp.einsum('bhqd,bhkd->bhqk', qh, kh) / jnp.sqrt(jnp.float32(d))
    causal = jnp.tril(jnp.ones((sq, k.shape[1]), dtype=bool))
    scores = jnp.where(causal[None, None], scores, -jnp.inf)
    w = jax.nn.softmax(scores, axis=-1)
    out = jnp.einsum('bhqk,bhkd->bhqd', w, vh)
    return jnp.transpose(out, (0, 2, 1, 3))


def _indexing(x, indices):
    # x: [b, h, s, d]; indices: [b, h, s] -> gather along seq dim (seq divisible by block, no pad)
    return jnp.take_along_axis(x, indices[..., None], axis=2)


def _forward(q, k, v, proj_dir):
    b, s, h, d = q.shape
    nb = s // BLOCK_SIZE
    perm = jnp.asarray(_unit_hamming_distance_array(LSH_NUM_PROJS))
    enc = (2 ** jnp.arange(LSH_NUM_PROJS, dtype=jnp.int32)).reshape(1, 1, 1, -1)
    qt = jnp.transpose(q, (0, 2, 1, 3))  # [b, h, s, d]
    kt = jnp.transpose(k, (0, 2, 1, 3))
    q_hash = _lsh_hash(qt, proj_dir, perm, enc)
    sort_idx = jnp.argsort(q_hash, axis=2, stable=True)
    q_hash_sort = jnp.take_along_axis(q_hash, sort_idx, axis=2)
    sort_idx_inv = jnp.argsort(sort_idx, axis=2, stable=True)
    q_sorted = _indexing(qt, sort_idx)  # [b, h, s, d]
    k_hash = _lsh_hash(kt, proj_dir, perm, enc)
    # torch: view(seq_len, -1) on contiguous [b,h,s] -> (s, b*h); row-major reshape matches
    eq = (q_hash_sort.reshape(s, -1) == k_hash.reshape(s, -1)).reshape(nb, -1)
    keep = eq.sum(axis=1) > 0  # block kept iff any hash match in its 32-row slab
    K_split = kt.reshape(b, nb, -1, d)
    K_split = jnp.where(keep[None, :, None, None], K_split, jnp.float32(0.0))
    k_critical = K_split.reshape(kt.shape)  # [b, h, s, d]; (torch mutates k in-place here)
    q_crit = jnp.transpose(q_sorted, (0, 2, 1, 3))  # [b, s, h, d]
    k_crit = jnp.transpose(k_critical, (0, 2, 1, 3))
    out_critical = _attn(q_crit, k_crit, v)  # v_critical == v (V blocks never zeroed)
    out_critical = _indexing(jnp.transpose(out_critical, (0, 2, 1, 3)), sort_idx_inv)
    return jnp.transpose(out_critical, (0, 2, 1, 3))  # [b, s, h, d]


def setup_inputs(seed: int = 0):
    key = jax.random.key(seed)
    k1, k2, k3, k4 = jax.random.split(key, 4)
    B, S, H, D = 1, 2048, 12, 128
    return {
        'q': jax.random.normal(k1, (B, S, H, D), dtype=jnp.float32),
        'k': jax.random.normal(k2, (B, S, H, D), dtype=jnp.float32),
        'v': jax.random.normal(k3, (B, S, H, D), dtype=jnp.float32),
        'is_causal': 1,
        'mask': jnp.zeros((S, S), dtype=jnp.float32),
        'proj_dir': jax.random.normal(k4, (1, 1, D, LSH_NUM_PROJS), dtype=jnp.float32),
    }


def reference(q, k, v, is_causal, mask, proj_dir):
    # is_causal always True in the original forward; mask is passed through to
    # xformers_attn but superseded by the causal bias (unused).
    return _forward(q, k, v, proj_dir)

if __name__ == "__main__":
    import jax
    _d = setup_inputs()
    print(jax.jit(kernel)(*tuple(_d.values())))

</pallas_src>

<mosaic_0001>
#map = affine_map<(d0, d1) -> (0, 0)>
#map1 = affine_map<(d0, d1) -> (0, 0, 0)>
module attributes {stable_mosaic.version = 14 : i64} {
  func.func @sc_gather_kernel(%arg0: i32, %arg1: i32, %arg2: memref<24576x128xf32, #tpu.memory_space<hbm>>, %arg3: memref<32x6x128xi32, #tpu.memory_space<hbm>>, %arg4: memref<24576x128xf32, #tpu.memory_space<hbm>>, %arg5: memref<6x128xi32, #tpu.memory_space<vmem>>, %arg6: memref<768x128xf32, #tpu.memory_space<vmem>>, %arg7: memref<!tpu.dma_semaphore, #tpu.memory_space<semaphore_mem>>) attributes {dimension_semantics = [#tpu.dimension_semantics<core_parallel>, #tpu.dimension_semantics<subcore_parallel>], iteration_bounds = array<i64: 2, 16>, scalar_prefetch = 0 : i64, scratch_operands = 3 : i64, tpu.core_type = #tpu.core_type<sc_vector_subcore>, window_params = [{transform_indices = #map}, {transform_indices = #map1}, {transform_indices = #map}]} {
    %mul3A = arith.constant 2 : i32
    %mul3A_0 = arith.muli %arg1, %mul3A : i32
    %add3A = arith.addi %mul3A_0, %arg0 : i32
    %mul3A_1 = arith.constant 768 : i32
    %mul3A_2 = arith.muli %add3A, %mul3A_1 : i32
    "tpu.region"() ({
      %run_scoped3A = tpu.sem_alloc : memref<!tpu.dma_semaphore, #tpu.memory_space<semaphore_mem>>
      %dma_start3A_121 = arith.constant 0 : i32
      %dma_start3A_122 = arith.constant 0 : i32
      %dma_start3A_123 = tpu.memref_slice %arg3[%add3A, %dma_start3A_121, %dma_start3A_122] : memref<32x6x128xi32, #tpu.memory_space<hbm>> -> memref<1x6x128xi32, #tpu.memory_space<hbm>>
      %dma_start3A_124 = tpu.memref_squeeze %dma_start3A_123 : memref<1x6x128xi32, #tpu.memory_space<hbm>> -> memref<6x128xi32, #tpu.memory_space<hbm>>
      %dma_start3A_125 = arith.constant 0 : i32
      %dma_start3A_126 = arith.constant 0 : i32
      %dma_start3A_127 = tpu.memref_slice %arg3[%add3A, %dma_start3A_125, %dma_start3A_126] : memref<32x6x128xi32, #tpu.memory_space<hbm>> -> memref<1x6x128xi32, #tpu.memory_space<hbm>>
      %dma_start3A_128 = tpu.memref_squeeze %dma_start3A_127 : memref<1x6x128xi32, #tpu.memory_space<hbm>> -> memref<6x128xi32, #tpu.memory_space<hbm>>
      tpu.enqueue_dma source(%dma_start3A_128 : memref<6x128xi32, #tpu.memory_space<hbm>>) target(%arg5 : memref<6x128xi32, #tpu.memory_space<vmem>>) target_semaphore(%run_scoped3A : memref<!tpu.dma_semaphore, #tpu.memory_space<semaphore_mem>>)
      %dma_wait3A_129 = arith.constant 0 : i32
      %dma_wait3A_130 = arith.constant 0 : i32
      %dma_wait3A_131 = tpu.memref_slice %arg3[%add3A, %dma_wait3A_129, %dma_wait3A_130] : memref<32x6x128xi32, #tpu.memory_space<hbm>> -> memref<1x6x128xi32, #tpu.memory_space<hbm>>
      %dma_wait3A_132 = tpu.memref_squeeze %dma_wait3A_131 : memref<1x6x128xi32, #tpu.memory_space<hbm>> -> memref<6x128xi32, #tpu.memory_space<hbm>>
      %dma_wait3A_133 = arith.constant 0 : i32
      %dma_wait3A_134 = arith.constant 0 : i32
      %dma_wait3A_135 = tpu.memref_slice %arg3[%add3A, %dma_wait3A_133, %dma_wait3A_134] : memref<32x6x128xi32, #tpu.memory_space<hbm>> -> memref<1x6x128xi32, #tpu.memory_space<hbm>>
      %dma_wait3A_136 = tpu.memref_squeeze %dma_wait3A_135 : memref<1x6x128xi32, #tpu.memory_space<hbm>> -> memref<6x128xi32, #tpu.memory_space<hbm>>
      tpu.wait_dma2 semaphore(%run_scoped3A : memref<!tpu.dma_semaphore, #tpu.memory_space<semaphore_mem>>) src(%dma_wait3A_136 : memref<6x128xi32, #tpu.memory_space<hbm>>) dst(%arg5 : memref<6x128xi32, #tpu.memory_space<vmem>>)
      tpu.yield
    }) : () -> ()
    %dma_start3A = arith.constant 0 : i32
    %dma_start3A_3 = arith.constant 0 : i32
    %dma_start3A_4 = arith.constant 0 : i32
    %dma_start3A_5 = tpu.memref_slice %arg6[%dma_start3A_3, %dma_start3A_4] : memref<768x128xf32, #tpu.memory_space<vmem>> -> memref<128x128xf32, #tpu.memory_space<vmem>>
    %dma_start3A_6 = arith.constant 0 : i32
    %dma_start3A_7 = tpu.memref_slice %arg5[%dma_start3A, %dma_start3A_6] : memref<6x128xi32, #tpu.memory_space<vmem>> -> memref<1x128xi32, #tpu.memory_space<vmem>>
    %dma_start3A_8 = tpu.memref_squeeze %dma_start3A_7 : memref<1x128xi32, #tpu.memory_space<vmem>> -> memref<128xi32, #tpu.memory_space<vmem>>
    %dma_start3A_9 = arith.constant 0 : i32
    %dma_start3A_10 = arith.constant 0 : i32
    %dma_start3A_11 = tpu.memref_slice %arg2[%dma_start3A_9, %dma_start3A_10] : memref<24576x128xf32, #tpu.memory_space<hbm>> -> memref<24576x128xf32, #tpu.memory_space<hbm>>
    tpu.enqueue_indirect_dma source(%dma_start3A_11 : memref<24576x128xf32, #tpu.memory_space<hbm>>) target(%dma_start3A_5 : memref<128x128xf32, #tpu.memory_space<vmem>>) offsets(%dma_start3A_8 : memref<128xi32, #tpu.memory_space<vmem>>) semaphore(%arg7 : memref<!tpu.dma_semaphore, #tpu.memory_space<semaphore_mem>>)
    %dma_start3A_12 = arith.constant 1 : i32
    %dma_start3A_13 = arith.constant 128 : i32
    %dma_start3A_14 = arith.constant 0 : i32
    %dma_start3A_15 = tpu.memref_slice %arg6[%dma_start3A_13, %dma_start3A_14] : memref<768x128xf32, #tpu.memory_space<vmem>> -> memref<128x128xf32, #tpu.memory_space<vmem>>
    %dma_start3A_16 = arith.constant 0 : i32
    %dma_start3A_17 = tpu.memref_slice %arg5[%dma_start3A_12, %dma_start3A_16] : memref<6x128xi32, #tpu.memory_space<vmem>> -> memref<1x128xi32, #tpu.memory_space<vmem>>
    %dma_start3A_18 = tpu.memref_squeeze %dma_start3A_17 : memref<1x128xi32, #tpu.memory_space<vmem>> -> memref<128xi32, #tpu.memory_space<vmem>>
    %dma_start3A_19 = arith.constant 0 : i32
    %dma_start3A_20 = arith.constant 0 : i32
    %dma_start3A_21 = tpu.memref_slice %arg2[%dma_start3A_19, %dma_start3A_20] : memref<24576x128xf32, #tpu.memory_space<hbm>> -> memref<24576x128xf32, #tpu.memory_space<hbm>>
    tpu.enqueue_indirect_dma source(%dma_start3A_21 : memref<24576x128xf32, #tpu.memory_space<hbm>>) target(%dma_start3A_15 : memref<128x128xf32, #tpu.memory_space<vmem>>) offsets(%dma_start3A_18 : memref<128xi32, #tpu.memory_space<vmem>>) semaphore(%arg7 : memref<!tpu.dma_semaphore, #tpu.memory_space<semaphore_mem>>)
    %dma_start3A_22 = arith.constant 2 : i32
    %dma_start3A_23 = arith.constant 256 : i32
    %dma_start3A_24 = arith.constant 0 : i32
    %dma_start3A_25 = tpu.memref_slice %arg6[%dma_start3A_23, %dma_start3A_24] : memref<768x128xf32, #tpu.memory_space<vmem>> -> memref<128x128xf32, #tpu.memory_space<vmem>>
    %dma_start3A_26 = arith.constant 0 : i32
    %dma_start3A_27 = tpu.memref_slice %arg5[%dma_start3A_22, %dma_start3A_26] : memref<6x128xi32, #tpu.memory_space<vmem>> -> memref<1x128xi32, #tpu.memory_space<vmem>>
    %dma_start3A_28 = tpu.memref_squeeze %dma_start3A_27 : memref<1x128xi32, #tpu.memory_space<vmem>> -> memref<128xi32, #tpu.memory_space<vmem>>
    %dma_start3A_29 = arith.constant 0 : i32
    %dma_start3A_30 = arith.constant 0 : i32
    %dma_start3A_31 = tpu.memref_slice %arg2[%dma_start3A_29, %dma_start3A_30] : memref<24576x128xf32, #tpu.memory_space<hbm>> -> memref<24576x128xf32, #tpu.memory_space<hbm>>
    tpu.enqueue_indirect_dma source(%dma_start3A_31 : memref<24576x128xf32, #tpu.memory_space<hbm>>) target(%dma_start3A_25 : memref<128x128xf32, #tpu.memory_space<vmem>>) offsets(%dma_start3A_28 : memref<128xi32, #tpu.memory_space<vmem>>) semaphore(%arg7 : memref<!tpu.dma_semaphore, #tpu.memory_space<semaphore_mem>>)
    %dma_start3A_32 = arith.constant 3 : i32
    %dma_start3A_33 = arith.constant 384 : i32
    %dma_start3A_34 = arith.constant 0 : i32
    %dma_start3A_35 = tpu.memref_slice %arg6[%dma_start3A_33, %dma_start3A_34] : memref<768x128xf32, #tpu.memory_space<vmem>> -> memref<128x128xf32, #tpu.memory_space<vmem>>
    %dma_start3A_36 = arith.constant 0 : i32
    %dma_start3A_37 = tpu.memref_slice %arg5[%dma_start3A_32, %dma_start3A_36] : memref<6x128xi32, #tpu.memory_space<vmem>> -> memref<1x128xi32, #tpu.memory_space<vmem>>
    %dma_start3A_38 = tpu.memref_squeeze %dma_start3A_37 : memref<1x128xi32, #tpu.memory_space<vmem>> -> memref<128xi32, #tpu.memory_space<vmem>>
    %dma_start3A_39 = arith.constant 0 : i32
    %dma_start3A_40 = arith.constant 0 : i32
    %dma_start3A_41 = tpu.memref_slice %arg2[%dma_start3A_39, %dma_start3A_40] : memref<24576x128xf32, #tpu.memory_space<hbm>> -> memref<24576x128xf32, #tpu.memory_space<hbm>>
    tpu.enqueue_indirect_dma source(%dma_start3A_41 : memref<24576x128xf32, #tpu.memory_space<hbm>>) target(%dma_start3A_35 : memref<128x128xf32, #tpu.memory_space<vmem>>) offsets(%dma_start3A_38 : memref<128xi32, #tpu.memory_space<vmem>>) semaphore(%arg7 : memref<!tpu.dma_semaphore, #tpu.memory_space<semaphore_mem>>)
    %dma_start3A_42 = arith.constant 4 : i32
    %dma_start3A_43 = arith.constant 512 : i32
    %dma_start3A_44 = arith.constant 0 : i32
    %dma_start3A_45 = tpu.memref_slice %arg6[%dma_start3A_43, %dma_start3A_44] : memref<768x128xf32, #tpu.memory_space<vmem>> -> memref<128x128xf32, #tpu.memory_space<vmem>>
    %dma_start3A_46 = arith.constant 0 : i32
    %dma_start3A_47 = tpu.memref_slice %arg5[%dma_start3A_42, %dma_start3A_46] : memref<6x128xi32, #tpu.memory_space<vmem>> -> memref<1x128xi32, #tpu.memory_space<vmem>>
    %dma_start3A_48 = tpu.memref_squeeze %dma_start3A_47 : memref<1x128xi32, #tpu.memory_space<vmem>> -> memref<128xi32, #tpu.memory_space<vmem>>
    %dma_start3A_49 = arith.constant 0 : i32
    %dma_start3A_50 = arith.constant 0 : i32
    %dma_start3A_51 = tpu.memref_slice %arg2[%dma_start3A_49, %dma_start3A_50] : memref<24576x128xf32, #tpu.memory_space<hbm>> -> memref<24576x128xf32, #tpu.memory_space<hbm>>
    tpu.enqueue_indirect_dma source(%dma_start3A_51 : memref<24576x128xf32, #tpu.memory_space<hbm>>) target(%dma_start3A_45 : memref<128x128xf32, #tpu.memory_space<vmem>>) offsets(%dma_start3A_48 : memref<128xi32, #tpu.memory_space<vmem>>) semaphore(%arg7 : memref<!tpu.dma_semaphore, #tpu.memory_space<semaphore_mem>>)
    %dma_start3A_52 = arith.constant 5 : i32
    %dma_start3A_53 = arith.constant 640 : i32
    %dma_start3A_54 = arith.constant 0 : i32
    %dma_start3A_55 = tpu.memref_slice %arg6[%dma_start3A_53, %dma_start3A_54] : memref<768x128xf32, #tpu.memory_space<vmem>> -> memref<128x128xf32, #tpu.memory_space<vmem>>
    %dma_start3A_56 = arith.constant 0 : i32
    %dma_start3A_57 = tpu.memref_slice %arg5[%dma_start3A_52, %dma_start3A_56] : memref<6x128xi32, #tpu.memory_space<vmem>> -> memref<1x128xi32, #tpu.memory_space<vmem>>
    %dma_start3A_58 = tpu.memref_squeeze %dma_start3A_57 : memref<1x128xi32, #tpu.memory_space<vmem>> -> memref<128xi32, #tpu.memory_space<vmem>>
    %dma_start3A_59 = arith.constant 0 : i32
    %dma_start3A_60 = arith.constant 0 : i32
    %dma_start3A_61 = tpu.memref_slice %arg2[%dma_start3A_59, %dma_start3A_60] : memref<24576x128xf32, #tpu.memory_space<hbm>> -> memref<24576x128xf32, #tpu.memory_space<hbm>>
    tpu.enqueue_indirect_dma source(%dma_start3A_61 : memref<24576x128xf32, #tpu.memory_space<hbm>>) target(%dma_start3A_55 : memref<128x128xf32, #tpu.memory_space<vmem>>) offsets(%dma_start3A_58 : memref<128xi32, #tpu.memory_space<vmem>>) semaphore(%arg7 : memref<!tpu.dma_semaphore, #tpu.memory_space<semaphore_mem>>)
    %dma_wait3A = arith.constant 0 : i32
    %dma_wait3A_62 = arith.constant 0 : i32
    %dma_wait3A_63 = arith.constant 0 : i32
    %dma_wait3A_64 = tpu.memref_slice %arg6[%dma_wait3A_62, %dma_wait3A_63] : memref<768x128xf32, #tpu.memory_space<vmem>> -> memref<128x128xf32, #tpu.memory_space<vmem>>
    %dma_wait3A_65 = arith.constant 0 : i32
    %dma_wait3A_66 = tpu.memref_slice %arg5[%dma_wait3A, %dma_wait3A_65] : memref<6x128xi32, #tpu.memory_space<vmem>> -> memref<1x128xi32, #tpu.memory_space<vmem>>
    %dma_wait3A_67 = tpu.memref_squeeze %dma_wait3A_66 : memref<1x128xi32, #tpu.memory_space<vmem>> -> memref<128xi32, #tpu.memory_space<vmem>>
    %dma_wait3A_68 = arith.constant 0 : i32
    %dma_wait3A_69 = arith.constant 0 : i32
    %dma_wait3A_70 = tpu.memref_slice %arg2[%dma_wait3A_68, %dma_wait3A_69] : memref<24576x128xf32, #tpu.memory_space<hbm>> -> memref<24576x128xf32, #tpu.memory_space<hbm>>
    tpu.wait_indirect_dma semaphore(%arg7 : memref<!tpu.dma_semaphore, #tpu.memory_space<semaphore_mem>>) src(%dma_wait3A_70 : memref<24576x128xf32, #tpu.memory_space<hbm>>) dst(%dma_wait3A_64 : memref<128x128xf32, #tpu.memory_space<vmem>>)
    %dma_wait3A_71 = arith.constant 1 : i32
    %dma_wait3A_72 = arith.constant 128 : i32
    %dma_wait3A_73 = arith.constant 0 : i32
    %dma_wait3A_74 = tpu.memref_slice %arg6[%dma_wait3A_72, %dma_wait3A_73] : memref<768x128xf32, #tpu.memory_space<vmem>> -> memref<128x128xf32, #tpu.memory_space<vmem>>
    %dma_wait3A_75 = arith.constant 0 : i32
    %dma_wait3A_76 = tpu.memref_slice %arg5[%dma_wait3A_71, %dma_wait3A_75] : memref<6x128xi32, #tpu.memory_space<vmem>> -> memref<1x128xi32, #tpu.memory_space<vmem>>
    %dma_wait3A_77 = tpu.memref_squeeze %dma_wait3A_76 : memref<1x128xi32, #tpu.memory_space<vmem>> -> memref<128xi32, #tpu.memory_space<vmem>>
    %dma_wait3A_78 = arith.constant 0 : i32
    %dma_wait3A_79 = arith.constant 0 : i32
    %dma_wait3A_80 = tpu.memref_slice %arg2[%dma_wait3A_78, %dma_wait3A_79] : memref<24576x128xf32, #tpu.memory_space<hbm>> -> memref<24576x128xf32, #tpu.memory_space<hbm>>
    tpu.wait_indirect_dma semaphore(%arg7 : memref<!tpu.dma_semaphore, #tpu.memory_space<semaphore_mem>>) src(%dma_wait3A_80 : memref<24576x128xf32, #tpu.memory_space<hbm>>) dst(%dma_wait3A_74 : memref<128x128xf32, #tpu.memory_space<vmem>>)
    %dma_wait3A_81 = arith.constant 2 : i32
    %dma_wait3A_82 = arith.constant 256 : i32
    %dma_wait3A_83 = arith.constant 0 : i32
    %dma_wait3A_84 = tpu.memref_slice %arg6[%dma_wait3A_82, %dma_wait3A_83] : memref<768x128xf32, #tpu.memory_space<vmem>> -> memref<128x128xf32, #tpu.memory_space<vmem>>
    %dma_wait3A_85 = arith.constant 0 : i32
    %dma_wait3A_86 = tpu.memref_slice %arg5[%dma_wait3A_81, %dma_wait3A_85] : memref<6x128xi32, #tpu.memory_space<vmem>> -> memref<1x128xi32, #tpu.memory_space<vmem>>
    %dma_wait3A_87 = tpu.memref_squeeze %dma_wait3A_86 : memref<1x128xi32, #tpu.memory_space<vmem>> -> memref<128xi32, #tpu.memory_space<vmem>>
    %dma_wait3A_88 = arith.constant 0 : i32
    %dma_wait3A_89 = arith.constant 0 : i32
    %dma_wait3A_90 = tpu.memref_slice %arg2[%dma_wait3A_88, %dma_wait3A_89] : memref<24576x128xf32, #tpu.memory_space<hbm>> -> memref<24576x128xf32, #tpu.memory_space<hbm>>
    tpu.wait_indirect_dma semaphore(%arg7 : memref<!tpu.dma_semaphore, #tpu.memory_space<semaphore_mem>>) src(%dma_wait3A_90 : memref<24576x128xf32, #tpu.memory_space<hbm>>) dst(%dma_wait3A_84 : memref<128x128xf32, #tpu.memory_space<vmem>>)
    %dma_wait3A_91 = arith.constant 3 : i32
    %dma_wait3A_92 = arith.constant 384 : i32
    %dma_wait3A_93 = arith.constant 0 : i32
    %dma_wait3A_94 = tpu.memref_slice %arg6[%dma_wait3A_92, %dma_wait3A_93] : memref<768x128xf32, #tpu.memory_space<vmem>> -> memref<128x128xf32, #tpu.memory_space<vmem>>
    %dma_wait3A_95 = arith.constant 0 : i32
    %dma_wait3A_96 = tpu.memref_slice %arg5[%dma_wait3A_91, %dma_wait3A_95] : memref<6x128xi32, #tpu.memory_space<vmem>> -> memref<1x128xi32, #tpu.memory_space<vmem>>
    %dma_wait3A_97 = tpu.memref_squeeze %dma_wait3A_96 : memref<1x128xi32, #tpu.memory_space<vmem>> -> memref<128xi32, #tpu.memory_space<vmem>>
    %dma_wait3A_98 = arith.constant 0 : i32
    %dma_wait3A_99 = arith.constant 0 : i32
    %dma_wait3A_100 = tpu.memref_slice %arg2[%dma_wait3A_98, %dma_wait3A_99] : memref<24576x128xf32, #tpu.memory_space<hbm>> -> memref<24576x128xf32, #tpu.memory_space<hbm>>
    tpu.wait_indirect_dma semaphore(%arg7 : memref<!tpu.dma_semaphore, #tpu.memory_space<semaphore_mem>>) src(%dma_wait3A_100 : memref<24576x128xf32, #tpu.memory_space<hbm>>) dst(%dma_wait3A_94 : memref<128x128xf32, #tpu.memory_space<vmem>>)
    %dma_wait3A_101 = arith.constant 4 : i32
    %dma_wait3A_102 = arith.constant 512 : i32
    %dma_wait3A_103 = arith.constant 0 : i32
    %dma_wait3A_104 = tpu.memref_slice %arg6[%dma_wait3A_102, %dma_wait3A_103] : memref<768x128xf32, #tpu.memory_space<vmem>> -> memref<128x128xf32, #tpu.memory_space<vmem>>
    %dma_wait3A_105 = arith.constant 0 : i32
    %dma_wait3A_106 = tpu.memref_slice %arg5[%dma_wait3A_101, %dma_wait3A_105] : memref<6x128xi32, #tpu.memory_space<vmem>> -> memref<1x128xi32, #tpu.memory_space<vmem>>
    %dma_wait3A_107 = tpu.memref_squeeze %dma_wait3A_106 : memref<1x128xi32, #tpu.memory_space<vmem>> -> memref<128xi32, #tpu.memory_space<vmem>>
    %dma_wait3A_108 = arith.constant 0 : i32
    %dma_wait3A_109 = arith.constant 0 : i32
    %dma_wait3A_110 = tpu.memref_slice %arg2[%dma_wait3A_108, %dma_wait3A_109] : memref<24576x128xf32, #tpu.memory_space<hbm>> -> memref<24576x128xf32, #tpu.memory_space<hbm>>
    tpu.wait_indirect_dma semaphore(%arg7 : memref<!tpu.dma_semaphore, #tpu.memory_space<semaphore_mem>>) src(%dma_wait3A_110 : memref<24576x128xf32, #tpu.memory_space<hbm>>) dst(%dma_wait3A_104 : memref<128x128xf32, #tpu.memory_space<vmem>>)
    %dma_wait3A_111 = arith.constant 5 : i32
    %dma_wait3A_112 = arith.constant 640 : i32
    %dma_wait3A_113 = arith.constant 0 : i32
    %dma_wait3A_114 = tpu.memref_slice %arg6[%dma_wait3A_112, %dma_wait3A_113] : memref<768x128xf32, #tpu.memory_space<vmem>> -> memref<128x128xf32, #tpu.memory_space<vmem>>
    %dma_wait3A_115 = arith.constant 0 : i32
    %dma_wait3A_116 = tpu.memref_slice %arg5[%dma_wait3A_111, %dma_wait3A_115] : memref<6x128xi32, #tpu.memory_space<vmem>> -> memref<1x128xi32, #tpu.memory_space<vmem>>
    %dma_wait3A_117 = tpu.memref_squeeze %dma_wait3A_116 : memref<1x128xi32, #tpu.memory_space<vmem>> -> memref<128xi32, #tpu.memory_space<vmem>>
    %dma_wait3A_118 = arith.constant 0 : i32
    %dma_wait3A_119 = arith.constant 0 : i32
    %dma_wait3A_120 = tpu.memref_slice %arg2[%dma_wait3A_118, %dma_wait3A_119] : memref<24576x128xf32, #tpu.memory_space<hbm>> -> memref<24576x128xf32, #tpu.memory_space<hbm>>
    tpu.wait_indirect_dma semaphore(%arg7 : memref<!tpu.dma_semaphore, #tpu.memory_space<semaphore_mem>>) src(%dma_wait3A_120 : memref<24576x128xf32, #tpu.memory_space<hbm>>) dst(%dma_wait3A_114 : memref<128x128xf32, #tpu.memory_space<vmem>>)
    "tpu.region"() ({
      %run_scoped3A = tpu.sem_alloc : memref<!tpu.dma_semaphore, #tpu.memory_space<semaphore_mem>>
      %dma_start3A_121 = arith.constant 0 : i32
      %dma_start3A_122 = tpu.memref_slice %arg4[%mul3A_2, %dma_start3A_121] : memref<24576x128xf32, #tpu.memory_space<hbm>> -> memref<768x128xf32, #tpu.memory_space<hbm>>
      %dma_start3A_123 = arith.constant 0 : i32
      %dma_start3A_124 = tpu.memref_slice %arg4[%mul3A_2, %dma_start3A_123] : memref<24576x128xf32, #tpu.memory_space<hbm>> -> memref<768x128xf32, #tpu.memory_space<hbm>>
      tpu.enqueue_dma source(%arg6 : memref<768x128xf32, #tpu.memory_space<vmem>>) target(%dma_start3A_124 : memref<768x128xf32, #tpu.memory_space<hbm>>) target_semaphore(%run_scoped3A : memref<!tpu.dma_semaphore, #tpu.memory_space<semaphore_mem>>)
      %dma_wait3A_125 = arith.constant 0 : i32
      %dma_wait3A_126 = tpu.memref_slice %arg4[%mul3A_2, %dma_wait3A_125] : memref<24576x128xf32, #tpu.memory_space<hbm>> -> memref<768x128xf32, #tpu.memory_space<hbm>>
      %dma_wait3A_127 = arith.constant 0 : i32
      %dma_wait3A_128 = tpu.memref_slice %arg4[%mul3A_2, %dma_wait3A_127] : memref<24576x128xf32, #tpu.memory_space<hbm>> -> memref<768x128xf32, #tpu.memory_space<hbm>>
      tpu.wait_dma2 semaphore(%run_scoped3A : memref<!tpu.dma_semaphore, #tpu.memory_space<semaphore_mem>>) src(%arg6 : memref<768x128xf32, #tpu.memory_space<vmem>>) dst(%dma_wait3A_128 : memref<768x128xf32, #tpu.memory_space<hbm>>)
      tpu.yield
    }) : () -> ()
    return
  }
}

#map = affine_map<(d0, d1) -> (0, 0)>
#map1 = affine_map<(d0, d1) -> (0, 0, 0)>
module attributes {stable_mosaic.version = 14 : i64} {
  func.func @sc_scatter_kernel(%arg0: i32, %arg1: i32, %arg2: memref<24576x128xf32, #tpu.memory_space<hbm>>, %arg3: memref<32x6x128xi32, #tpu.memory_space<hbm>>, %arg4: memref<24576x128xf32, #tpu.memory_space<hbm>>, %arg5: memref<6x128xi32, #tpu.memory_space<vmem>>, %arg6: memref<768x128xf32, #tpu.memory_space<vmem>>, %arg7: memref<!tpu.dma_semaphore, #tpu.memory_space<semaphore_mem>>) attributes {dimension_semantics = [#tpu.dimension_semantics<core_parallel>, #tpu.dimension_semantics<subcore_parallel>], iteration_bounds = array<i64: 2, 16>, scalar_prefetch = 0 : i64, scratch_operands = 3 : i64, tpu.core_type = #tpu.core_type<sc_vector_subcore>, window_params = [{transform_indices = #map}, {transform_indices = #map1}, {transform_indices = #map}]} {
    %mul3A = arith.constant 2 : i32
    %mul3A_0 = arith.muli %arg1, %mul3A : i32
    %add3A = arith.addi %mul3A_0, %arg0 : i32
    %mul3A_1 = arith.constant 768 : i32
    %mul3A_2 = arith.muli %add3A, %mul3A_1 : i32
    "tpu.region"() ({
      %run_scoped3A = tpu.sem_alloc : memref<!tpu.dma_semaphore, #tpu.memory_space<semaphore_mem>>
      %dma_start3A_121 = arith.constant 0 : i32
      %dma_start3A_122 = arith.constant 0 : i32
      %dma_start3A_123 = tpu.memref_slice %arg3[%add3A, %dma_start3A_121, %dma_start3A_122] : memref<32x6x128xi32, #tpu.memory_space<hbm>> -> memref<1x6x128xi32, #tpu.memory_space<hbm>>
      %dma_start3A_124 = tpu.memref_squeeze %dma_start3A_123 : memref<1x6x128xi32, #tpu.memory_space<hbm>> -> memref<6x128xi32, #tpu.memory_space<hbm>>
      %dma_start3A_125 = arith.constant 0 : i32
      %dma_start3A_126 = arith.constant 0 : i32
      %dma_start3A_127 = tpu.memref_slice %arg3[%add3A, %dma_start3A_125, %dma_start3A_126] : memref<32x6x128xi32, #tpu.memory_space<hbm>> -> memref<1x6x128xi32, #tpu.memory_space<hbm>>
      %dma_start3A_128 = tpu.memref_squeeze %dma_start3A_127 : memref<1x6x128xi32, #tpu.memory_space<hbm>> -> memref<6x128xi32, #tpu.memory_space<hbm>>
      tpu.enqueue_dma source(%dma_start3A_128 : memref<6x128xi32, #tpu.memory_space<hbm>>) target(%arg5 : memref<6x128xi32, #tpu.memory_space<vmem>>) target_semaphore(%run_scoped3A : memref<!tpu.dma_semaphore, #tpu.memory_space<semaphore_mem>>)
      %dma_wait3A_129 = arith.constant 0 : i32
      %dma_wait3A_130 = arith.constant 0 : i32
      %dma_wait3A_131 = tpu.memref_slice %arg3[%add3A, %dma_wait3A_129, %dma_wait3A_130] : memref<32x6x128xi32, #tpu.memory_space<hbm>> -> memref<1x6x128xi32, #tpu.memory_space<hbm>>
      %dma_wait3A_132 = tpu.memref_squeeze %dma_wait3A_131 : memref<1x6x128xi32, #tpu.memory_space<hbm>> -> memref<6x128xi32, #tpu.memory_space<hbm>>
      %dma_wait3A_133 = arith.constant 0 : i32
      %dma_wait3A_134 = arith.constant 0 : i32
      %dma_wait3A_135 = tpu.memref_slice %arg3[%add3A, %dma_wait3A_133, %dma_wait3A_134] : memref<32x6x128xi32, #tpu.memory_space<hbm>> -> memref<1x6x128xi32, #tpu.memory_space<hbm>>
      %dma_wait3A_136 = tpu.memref_squeeze %dma_wait3A_135 : memref<1x6x128xi32, #tpu.memory_space<hbm>> -> memref<6x128xi32, #tpu.memory_space<hbm>>
      tpu.wait_dma2 semaphore(%run_scoped3A : memref<!tpu.dma_semaphore, #tpu.memory_space<semaphore_mem>>) src(%dma_wait3A_136 : memref<6x128xi32, #tpu.memory_space<hbm>>) dst(%arg5 : memref<6x128xi32, #tpu.memory_space<vmem>>)
      tpu.yield
    }) : () -> ()
    "tpu.region"() ({
      %run_scoped3A = tpu.sem_alloc : memref<!tpu.dma_semaphore, #tpu.memory_space<semaphore_mem>>
      %dma_start3A_121 = arith.constant 0 : i32
      %dma_start3A_122 = tpu.memref_slice %arg2[%mul3A_2, %dma_start3A_121] : memref<24576x128xf32, #tpu.memory_space<hbm>> -> memref<768x128xf32, #tpu.memory_space<hbm>>
      %dma_start3A_123 = arith.constant 0 : i32
      %dma_start3A_124 = tpu.memref_slice %arg2[%mul3A_2, %dma_start3A_123] : memref<24576x128xf32, #tpu.memory_space<hbm>> -> memref<768x128xf32, #tpu.memory_space<hbm>>
      tpu.enqueue_dma source(%dma_start3A_124 : memref<768x128xf32, #tpu.memory_space<hbm>>) target(%arg6 : memref<768x128xf32, #tpu.memory_space<vmem>>) target_semaphore(%run_scoped3A : memref<!tpu.dma_semaphore, #tpu.memory_space<semaphore_mem>>)
      %dma_wait3A_125 = arith.constant 0 : i32
      %dma_wait3A_126 = tpu.memref_slice %arg2[%mul3A_2, %dma_wait3A_125] : memref<24576x128xf32, #tpu.memory_space<hbm>> -> memref<768x128xf32, #tpu.memory_space<hbm>>
      %dma_wait3A_127 = arith.constant 0 : i32
      %dma_wait3A_128 = tpu.memref_slice %arg2[%mul3A_2, %dma_wait3A_127] : memref<24576x128xf32, #tpu.memory_space<hbm>> -> memref<768x128xf32, #tpu.memory_space<hbm>>
      tpu.wait_dma2 semaphore(%run_scoped3A : memref<!tpu.dma_semaphore, #tpu.memory_space<semaphore_mem>>) src(%dma_wait3A_128 : memref<768x128xf32, #tpu.memory_space<hbm>>) dst(%arg6 : memref<768x128xf32, #tpu.memory_space<vmem>>)
      tpu.yield
    }) : () -> ()
    %dma_start3A = arith.constant 0 : i32
    %dma_start3A_3 = arith.constant 0 : i32
    %dma_start3A_4 = arith.constant 0 : i32
    %dma_start3A_5 = tpu.memref_slice %arg6[%dma_start3A_3, %dma_start3A_4] : memref<768x128xf32, #tpu.memory_space<vmem>> -> memref<128x128xf32, #tpu.memory_space<vmem>>
    %dma_start3A_6 = arith.constant 0 : i32
    %dma_start3A_7 = tpu.memref_slice %arg5[%dma_start3A, %dma_start3A_6] : memref<6x128xi32, #tpu.memory_space<vmem>> -> memref<1x128xi32, #tpu.memory_space<vmem>>
    %dma_start3A_8 = tpu.memref_squeeze %dma_start3A_7 : memref<1x128xi32, #tpu.memory_space<vmem>> -> memref<128xi32, #tpu.memory_space<vmem>>
    %dma_start3A_9 = arith.constant 0 : i32
    %dma_start3A_10 = arith.constant 0 : i32
    %dma_start3A_11 = tpu.memref_slice %arg4[%dma_start3A_9, %dma_start3A_10] : memref<24576x128xf32, #tpu.memory_space<hbm>> -> memref<24576x128xf32, #tpu.memory_space<hbm>>
    tpu.enqueue_indirect_dma source(%dma_start3A_5 : memref<128x128xf32, #tpu.memory_space<vmem>>) target(%dma_start3A_11 : memref<24576x128xf32, #tpu.memory_space<hbm>>) offsets(%dma_start3A_8 : memref<128xi32, #tpu.memory_space<vmem>>) semaphore(%arg7 : memref<!tpu.dma_semaphore, #tpu.memory_space<semaphore_mem>>)
    %dma_start3A_12 = arith.constant 1 : i32
    %dma_start3A_13 = arith.constant 128 : i32
    %dma_start3A_14 = arith.constant 0 : i32
    %dma_start3A_15 = tpu.memref_slice %arg6[%dma_start3A_13, %dma_start3A_14] : memref<768x128xf32, #tpu.memory_space<vmem>> -> memref<128x128xf32, #tpu.memory_space<vmem>>
    %dma_start3A_16 = arith.constant 0 : i32
    %dma_start3A_17 = tpu.memref_slice %arg5[%dma_start3A_12, %dma_start3A_16] : memref<6x128xi32, #tpu.memory_space<vmem>> -> memref<1x128xi32, #tpu.memory_space<vmem>>
    %dma_start3A_18 = tpu.memref_squeeze %dma_start3A_17 : memref<1x128xi32, #tpu.memory_space<vmem>> -> memref<128xi32, #tpu.memory_space<vmem>>
    %dma_start3A_19 = arith.constant 0 : i32
    %dma_start3A_20 = arith.constant 0 : i32
    %dma_start3A_21 = tpu.memref_slice %arg4[%dma_start3A_19, %dma_start3A_20] : memref<24576x128xf32, #tpu.memory_space<hbm>> -> memref<24576x128xf32, #tpu.memory_space<hbm>>
    tpu.enqueue_indirect_dma source(%dma_start3A_15 : memref<128x128xf32, #tpu.memory_space<vmem>>) target(%dma_start3A_21 : memref<24576x128xf32, #tpu.memory_space<hbm>>) offsets(%dma_start3A_18 : memref<128xi32, #tpu.memory_space<vmem>>) semaphore(%arg7 : memref<!tpu.dma_semaphore, #tpu.memory_space<semaphore_mem>>)
    %dma_start3A_22 = arith.constant 2 : i32
    %dma_start3A_23 = arith.constant 256 : i32
    %dma_start3A_24 = arith.constant 0 : i32
    %dma_start3A_25 = tpu.memref_slice %arg6[%dma_start3A_23, %dma_start3A_24] : memref<768x128xf32, #tpu.memory_space<vmem>> -> memref<128x128xf32, #tpu.memory_space<vmem>>
    %dma_start3A_26 = arith.constant 0 : i32
    %dma_start3A_27 = tpu.memref_slice %arg5[%dma_start3A_22, %dma_start3A_26] : memref<6x128xi32, #tpu.memory_space<vmem>> -> memref<1x128xi32, #tpu.memory_space<vmem>>
    %dma_start3A_28 = tpu.memref_squeeze %dma_start3A_27 : memref<1x128xi32, #tpu.memory_space<vmem>> -> memref<128xi32, #tpu.memory_space<vmem>>
    %dma_start3A_29 = arith.constant 0 : i32
    %dma_start3A_30 = arith.constant 0 : i32
    %dma_start3A_31 = tpu.memref_slice %arg4[%dma_start3A_29, %dma_start3A_30] : memref<24576x128xf32, #tpu.memory_space<hbm>> -> memref<24576x128xf32, #tpu.memory_space<hbm>>
    tpu.enqueue_indirect_dma source(%dma_start3A_25 : memref<128x128xf32, #tpu.memory_space<vmem>>) target(%dma_start3A_31 : memref<24576x128xf32, #tpu.memory_space<hbm>>) offsets(%dma_start3A_28 : memref<128xi32, #tpu.memory_space<vmem>>) semaphore(%arg7 : memref<!tpu.dma_semaphore, #tpu.memory_space<semaphore_mem>>)
    %dma_start3A_32 = arith.constant 3 : i32
    %dma_start3A_33 = arith.constant 384 : i32
    %dma_start3A_34 = arith.constant 0 : i32
    %dma_start3A_35 = tpu.memref_slice %arg6[%dma_start3A_33, %dma_start3A_34] : memref<768x128xf32, #tpu.memory_space<vmem>> -> memref<128x128xf32, #tpu.memory_space<vmem>>
    %dma_start3A_36 = arith.constant 0 : i32
    %dma_start3A_37 = tpu.memref_slice %arg5[%dma_start3A_32, %dma_start3A_36] : memref<6x128xi32, #tpu.memory_space<vmem>> -> memref<1x128xi32, #tpu.memory_space<vmem>>
    %dma_start3A_38 = tpu.memref_squeeze %dma_start3A_37 : memref<1x128xi32, #tpu.memory_space<vmem>> -> memref<128xi32, #tpu.memory_space<vmem>>
    %dma_start3A_39 = arith.constant 0 : i32
    %dma_start3A_40 = arith.constant 0 : i32
    %dma_start3A_41 = tpu.memref_slice %arg4[%dma_start3A_39, %dma_start3A_40] : memref<24576x128xf32, #tpu.memory_space<hbm>> -> memref<24576x128xf32, #tpu.memory_space<hbm>>
    tpu.enqueue_indirect_dma source(%dma_start3A_35 : memref<128x128xf32, #tpu.memory_space<vmem>>) target(%dma_start3A_41 : memref<24576x128xf32, #tpu.memory_space<hbm>>) offsets(%dma_start3A_38 : memref<128xi32, #tpu.memory_space<vmem>>) semaphore(%arg7 : memref<!tpu.dma_semaphore, #tpu.memory_space<semaphore_mem>>)
    %dma_start3A_42 = arith.constant 4 : i32
    %dma_start3A_43 = arith.constant 512 : i32
    %dma_start3A_44 = arith.constant 0 : i32
    %dma_start3A_45 = tpu.memref_slice %arg6[%dma_start3A_43, %dma_start3A_44] : memref<768x128xf32, #tpu.memory_space<vmem>> -> memref<128x128xf32, #tpu.memory_space<vmem>>
    %dma_start3A_46 = arith.constant 0 : i32
    %dma_start3A_47 = tpu.memref_slice %arg5[%dma_start3A_42, %dma_start3A_46] : memref<6x128xi32, #tpu.memory_space<vmem>> -> memref<1x128xi32, #tpu.memory_space<vmem>>
    %dma_start3A_48 = tpu.memref_squeeze %dma_start3A_47 : memref<1x128xi32, #tpu.memory_space<vmem>> -> memref<128xi32, #tpu.memory_space<vmem>>
    %dma_start3A_49 = arith.constant 0 : i32
    %dma_start3A_50 = arith.constant 0 : i32
    %dma_start3A_51 = tpu.memref_slice %arg4[%dma_start3A_49, %dma_start3A_50] : memref<24576x128xf32, #tpu.memory_space<hbm>> -> memref<24576x128xf32, #tpu.memory_space<hbm>>
    tpu.enqueue_indirect_dma source(%dma_start3A_45 : memref<128x128xf32, #tpu.memory_space<vmem>>) target(%dma_start3A_51 : memref<24576x128xf32, #tpu.memory_space<hbm>>) offsets(%dma_start3A_48 : memref<128xi32, #tpu.memory_space<vmem>>) semaphore(%arg7 : memref<!tpu.dma_semaphore, #tpu.memory_space<semaphore_mem>>)
    %dma_start3A_52 = arith.constant 5 : i32
    %dma_start3A_53 = arith.constant 640 : i32
    %dma_start3A_54 = arith.constant 0 : i32
    %dma_start3A_55 = tpu.memref_slice %arg6[%dma_start3A_53, %dma_start3A_54] : memref<768x128xf32, #tpu.memory_space<vmem>> -> memref<128x128xf32, #tpu.memory_space<vmem>>
    %dma_start3A_56 = arith.constant 0 : i32
    %dma_start3A_57 = tpu.memref_slice %arg5[%dma_start3A_52, %dma_start3A_56] : memref<6x128xi32, #tpu.memory_space<vmem>> -> memref<1x128xi32, #tpu.memory_space<vmem>>
    %dma_start3A_58 = tpu.memref_squeeze %dma_start3A_57 : memref<1x128xi32, #tpu.memory_space<vmem>> -> memref<128xi32, #tpu.memory_space<vmem>>
    %dma_start3A_59 = arith.constant 0 : i32
    %dma_start3A_60 = arith.constant 0 : i32
    %dma_start3A_61 = tpu.memref_slice %arg4[%dma_start3A_59, %dma_start3A_60] : memref<24576x128xf32, #tpu.memory_space<hbm>> -> memref<24576x128xf32, #tpu.memory_space<hbm>>
    tpu.enqueue_indirect_dma source(%dma_start3A_55 : memref<128x128xf32, #tpu.memory_space<vmem>>) target(%dma_start3A_61 : memref<24576x128xf32, #tpu.memory_space<hbm>>) offsets(%dma_start3A_58 : memref<128xi32, #tpu.memory_space<vmem>>) semaphore(%arg7 : memref<!tpu.dma_semaphore, #tpu.memory_space<semaphore_mem>>)
    %dma_wait3A = arith.constant 0 : i32
    %dma_wait3A_62 = arith.constant 0 : i32
    %dma_wait3A_63 = arith.constant 0 : i32
    %dma_wait3A_64 = tpu.memref_slice %arg6[%dma_wait3A_62, %dma_wait3A_63] : memref<768x128xf32, #tpu.memory_space<vmem>> -> memref<128x128xf32, #tpu.memory_space<vmem>>
    %dma_wait3A_65 = arith.constant 0 : i32
    %dma_wait3A_66 = tpu.memref_slice %arg5[%dma_wait3A, %dma_wait3A_65] : memref<6x128xi32, #tpu.memory_space<vmem>> -> memref<1x128xi32, #tpu.memory_space<vmem>>
    %dma_wait3A_67 = tpu.memref_squeeze %dma_wait3A_66 : memref<1x128xi32, #tpu.memory_space<vmem>> -> memref<128xi32, #tpu.memory_space<vmem>>
    %dma_wait3A_68 = arith.constant 0 : i32
    %dma_wait3A_69 = arith.constant 0 : i32
    %dma_wait3A_70 = tpu.memref_slice %arg4[%dma_wait3A_68, %dma_wait3A_69] : memref<24576x128xf32, #tpu.memory_space<hbm>> -> memref<24576x128xf32, #tpu.memory_space<hbm>>
    tpu.wait_indirect_dma semaphore(%arg7 : memref<!tpu.dma_semaphore, #tpu.memory_space<semaphore_mem>>) src(%dma_wait3A_64 : memref<128x128xf32, #tpu.memory_space<vmem>>) dst(%dma_wait3A_70 : memref<24576x128xf32, #tpu.memory_space<hbm>>)
    %dma_wait3A_71 = arith.constant 1 : i32
    %dma_wait3A_72 = arith.constant 128 : i32
    %dma_wait3A_73 = arith.constant 0 : i32
    %dma_wait3A_74 = tpu.memref_slice %arg6[%dma_wait3A_72, %dma_wait3A_73] : memref<768x128xf32, #tpu.memory_space<vmem>> -> memref<128x128xf32, #tpu.memory_space<vmem>>
    %dma_wait3A_75 = arith.constant 0 : i32
    %dma_wait3A_76 = tpu.memref_slice %arg5[%dma_wait3A_71, %dma_wait3A_75] : memref<6x128xi32, #tpu.memory_space<vmem>> -> memref<1x128xi32, #tpu.memory_space<vmem>>
    %dma_wait3A_77 = tpu.memref_squeeze %dma_wait3A_76 : memref<1x128xi32, #tpu.memory_space<vmem>> -> memref<128xi32, #tpu.memory_space<vmem>>
    %dma_wait3A_78 = arith.constant 0 : i32
    %dma_wait3A_79 = arith.constant 0 : i32
    %dma_wait3A_80 = tpu.memref_slice %arg4[%dma_wait3A_78, %dma_wait3A_79] : memref<24576x128xf32, #tpu.memory_space<hbm>> -> memref<24576x128xf32, #tpu.memory_space<hbm>>
    tpu.wait_indirect_dma semaphore(%arg7 : memref<!tpu.dma_semaphore, #tpu.memory_space<semaphore_mem>>) src(%dma_wait3A_74 : memref<128x128xf32, #tpu.memory_space<vmem>>) dst(%dma_wait3A_80 : memref<24576x128xf32, #tpu.memory_space<hbm>>)
    %dma_wait3A_81 = arith.constant 2 : i32
    %dma_wait3A_82 = arith.constant 256 : i32
    %dma_wait3A_83 = arith.constant 0 : i32
    %dma_wait3A_84 = tpu.memref_slice %arg6[%dma_wait3A_82, %dma_wait3A_83] : memref<768x128xf32, #tpu.memory_space<vmem>> -> memref<128x128xf32, #tpu.memory_space<vmem>>
    %dma_wait3A_85 = arith.constant 0 : i32
    %dma_wait3A_86 = tpu.memref_slice %arg5[%dma_wait3A_81, %dma_wait3A_85] : memref<6x128xi32, #tpu.memory_space<vmem>> -> memref<1x128xi32, #tpu.memory_space<vmem>>
    %dma_wait3A_87 = tpu.memref_squeeze %dma_wait3A_86 : memref<1x128xi32, #tpu.memory_space<vmem>> -> memref<128xi32, #tpu.memory_space<vmem>>
    %dma_wait3A_88 = arith.constant 0 : i32
    %dma_wait3A_89 = arith.constant 0 : i32
    %dma_wait3A_90 = tpu.memref_slice %arg4[%dma_wait3A_88, %dma_wait3A_89] : memref<24576x128xf32, #tpu.memory_space<hbm>> -> memref<24576x128xf32, #tpu.memory_space<hbm>>
    tpu.wait_indirect_dma semaphore(%arg7 : memref<!tpu.dma_semaphore, #tpu.memory_space<semaphore_mem>>) src(%dma_wait3A_84 : memref<128x128xf32, #tpu.memory_space<vmem>>) dst(%dma_wait3A_90 : memref<24576x128xf32, #tpu.memory_space<hbm>>)
    %dma_wait3A_91 = arith.constant 3 : i32
    %dma_wait3A_92 = arith.constant 384 : i32
    %dma_wait3A_93 = arith.constant 0 : i32
    %dma_wait3A_94 = tpu.memref_slice %arg6[%dma_wait3A_92, %dma_wait3A_93] : memref<768x128xf32, #tpu.memory_space<vmem>> -> memref<128x128xf32, #tpu.memory_space<vmem>>
    %dma_wait3A_95 = arith.constant 0 : i32
    %dma_wait3A_96 = tpu.memref_slice %arg5[%dma_wait3A_91, %dma_wait3A_95] : memref<6x128xi32, #tpu.memory_space<vmem>> -> memref<1x128xi32, #tpu.memory_space<vmem>>
    %dma_wait3A_97 = tpu.memref_squeeze %dma_wait3A_96 : memref<1x128xi32, #tpu.memory_space<vmem>> -> memref<128xi32, #tpu.memory_space<vmem>>
    %dma_wait3A_98 = arith.constant 0 : i32
    %dma_wait3A_99 = arith.constant 0 : i32
    %dma_wait3A_100 = tpu.memref_slice %arg4[%dma_wait3A_98, %dma_wait3A_99] : memref<24576x128xf32, #tpu.memory_space<hbm>> -> memref<24576x128xf32, #tpu.memory_space<hbm>>
    tpu.wait_indirect_dma semaphore(%arg7 : memref<!tpu.dma_semaphore, #tpu.memory_space<semaphore_mem>>) src(%dma_wait3A_94 : memref<128x128xf32, #tpu.memory_space<vmem>>) dst(%dma_wait3A_100 : memref<24576x128xf32, #tpu.memory_space<hbm>>)
    %dma_wait3A_101 = arith.constant 4 : i32
    %dma_wait3A_102 = arith.constant 512 : i32
    %dma_wait3A_103 = arith.constant 0 : i32
    %dma_wait3A_104 = tpu.memref_slice %arg6[%dma_wait3A_102, %dma_wait3A_103] : memref<768x128xf32, #tpu.memory_space<vmem>> -> memref<128x128xf32, #tpu.memory_space<vmem>>
    %dma_wait3A_105 = arith.constant 0 : i32
    %dma_wait3A_106 = tpu.memref_slice %arg5[%dma_wait3A_101, %dma_wait3A_105] : memref<6x128xi32, #tpu.memory_space<vmem>> -> memref<1x128xi32, #tpu.memory_space<vmem>>
    %dma_wait3A_107 = tpu.memref_squeeze %dma_wait3A_106 : memref<1x128xi32, #tpu.memory_space<vmem>> -> memref<128xi32, #tpu.memory_space<vmem>>
    %dma_wait3A_108 = arith.constant 0 : i32
    %dma_wait3A_109 = arith.constant 0 : i32
    %dma_wait3A_110 = tpu.memref_slice %arg4[%dma_wait3A_108, %dma_wait3A_109] : memref<24576x128xf32, #tpu.memory_space<hbm>> -> memref<24576x128xf32, #tpu.memory_space<hbm>>
    tpu.wait_indirect_dma semaphore(%arg7 : memref<!tpu.dma_semaphore, #tpu.memory_space<semaphore_mem>>) src(%dma_wait3A_104 : memref<128x128xf32, #tpu.memory_space<vmem>>) dst(%dma_wait3A_110 : memref<24576x128xf32, #tpu.memory_space<hbm>>)
    %dma_wait3A_111 = arith.constant 5 : i32
    %dma_wait3A_112 = arith.constant 640 : i32
    %dma_wait3A_113 = arith.constant 0 : i32
    %dma_wait3A_114 = tpu.memref_slice %arg6[%dma_wait3A_112, %dma_wait3A_113] : memref<768x128xf32, #tpu.memory_space<vmem>> -> memref<128x128xf32, #tpu.memory_space<vmem>>
    %dma_wait3A_115 = arith.constant 0 : i32
    %dma_wait3A_116 = tpu.memref_slice %arg5[%dma_wait3A_111, %dma_wait3A_115] : memref<6x128xi32, #tpu.memory_space<vmem>> -> memref<1x128xi32, #tpu.memory_space<vmem>>
    %dma_wait3A_117 = tpu.memref_squeeze %dma_wait3A_116 : memref<1x128xi32, #tpu.memory_space<vmem>> -> memref<128xi32, #tpu.memory_space<vmem>>
    %dma_wait3A_118 = arith.constant 0 : i32
    %dma_wait3A_119 = arith.constant 0 : i32
    %dma_wait3A_120 = tpu.memref_slice %arg4[%dma_wait3A_118, %dma_wait3A_119] : memref<24576x128xf32, #tpu.memory_space<hbm>> -> memref<24576x128xf32, #tpu.memory_space<hbm>>
    tpu.wait_indirect_dma semaphore(%arg7 : memref<!tpu.dma_semaphore, #tpu.memory_space<semaphore_mem>>) src(%dma_wait3A_114 : memref<128x128xf32, #tpu.memory_space<vmem>>) dst(%dma_wait3A_120 : memref<24576x128xf32, #tpu.memory_space<hbm>>)
    return
  }
}

module attributes {stable_mosaic.version = 14 : i64} {
  func.func @_hashes_body(%arg0: i32, %arg1: memref<2048x128xf32, #tpu.memory_space<vmem>>, %arg2: memref<2048x128xf32, #tpu.memory_space<vmem>>, %arg3: memref<128x8xf32, #tpu.memory_space<vmem>>, %arg4: memref<1x1x2048xf32, #tpu.memory_space<vmem>>, %arg5: memref<1x1x2048xf32, #tpu.memory_space<vmem>>) attributes {dimension_semantics = [#tpu.dimension_semantics<arbitrary>], iteration_bounds = array<i64: 12>, scalar_prefetch = 0 : i64, scratch_operands = 0 : i64, tpu.core_type = #tpu.core_type<tc>, window_params = [{transform_indices = @transform_0, window_bounds = array<i64: 2048, 128>}, {transform_indices = @transform_1, window_bounds = array<i64: 2048, 128>}, {pipeline_mode = #tpu.pipeline_mode<synchronous>, transform_indices = @transform_2, window_bounds = array<i64: 128, 8>}, {transform_indices = @transform_3, window_bounds = array<i64: 1, 1, 2048>}, {transform_indices = @transform_4, window_bounds = array<i64: 1, 1, 2048>}]} {
    %iota3A = tpu.iota {dimensions = array<i32: 0>} : vector<8x1xi32>
    %lt3A = arith.constant 7 : i32
    %lt3A_0 = vector.broadcast %lt3A : i32 to vector<8x1xi32>
    %lt3A_1 = arith.cmpi slt, %iota3A, %lt3A_0 : vector<8x1xi32>
    %shift_left3A = arith.constant 1 : i32
    %shift_left3A_2 = vector.broadcast %shift_left3A : i32 to vector<8x1xi32>
    %shift_left3A_3 = arith.shli %shift_left3A_2, %iota3A : vector<8x1xi32>
    %jit3A = arith.constant 0 : i32
    %broadcast_in_dim3A = vector.broadcast %jit3A : i32 to vector<8x1xi32>
    %select_n3A = arith.select %lt3A_1, %shift_left3A_3, %broadcast_in_dim3A : vector<8x1xi1>, vector<8x1xi32>
    %convert_element_type3A = arith.sitofp %select_n3A : vector<8x1xi32> to vector<8x1xf32>
    %get3A = arith.constant 0 : index
    %get3A_4 = arith.constant 0 : index
    %get3A_5 = vector.load %arg3[%get3A, %get3A_4] : memref<128x8xf32, #tpu.memory_space<vmem>>, vector<128x8xf32>
    %get3A_6 = arith.constant 0 : index
    %get3A_7 = arith.constant 0 : index
    %get3A_8 = vector.load %arg1[%get3A_6, %get3A_7] : memref<2048x128xf32, #tpu.memory_space<vmem>>, vector<2048x128xf32>
    %dot_general3A = arith.constant dense<0.000000e+00> : vector<2048x8xf32>
    %dot_general3A_9 = tpu.matmul %get3A_8, %get3A_5, %dot_general3A {dimension_numbers = #tpu.dot_dimension_numbers<[1], [0], [0], [1], [0, 0, 1, 1], [], []>, transpose_lhs_hint = false} : vector<2048x128xf32>, vector<128x8xf32>, vector<2048x8xf32> -> vector<2048x8xf32>
    %gt3A = arith.constant 0.000000e+00 : f32
    %gt3A_10 = vector.broadcast %gt3A : f32 to vector<2048x8xf32>
    %gt3A_11 = arith.cmpf ogt, %dot_general3A_9, %gt3A_10 : vector<2048x8xf32>
    %convert_element_type3A_12 = arith.extui %gt3A_11 : vector<2048x8xi1> to vector<2048x8xi32>
    %convert_element_type3A_13 = arith.sitofp %convert_element_type3A_12 : vector<2048x8xi32> to vector<2048x8xf32>
    %dot_general3A_14 = arith.constant dense<0.000000e+00> : vector<2048x1xf32>
    %dot_general3A_15 = tpu.matmul %convert_element_type3A_13, %convert_element_type3A, %dot_general3A_14 {dimension_numbers = #tpu.dot_dimension_numbers<[1], [0], [0], [1], [0, 0, 1, 1], [], []>, transpose_lhs_hint = false} : vector<2048x8xf32>, vector<8x1xf32>, vector<2048x1xf32> -> vector<2048x1xf32>
    %convert_element_type3A_16 = arith.fptosi %dot_general3A_15 : vector<2048x1xf32> to vector<2048x1xi32>
    %shift_right_arithmetic3A = arith.constant 1 : i32
    %shift_right_arithmetic3A_17 = vector.broadcast %shift_right_arithmetic3A : i32 to vector<2048x1xi32>
    %shift_right_arithmetic3A_18 = arith.shrsi %convert_element_type3A_16, %shift_right_arithmetic3A_17 : vector<2048x1xi32>
    %xor3A = arith.xori %convert_element_type3A_16, %shift_right_arithmetic3A_18 : vector<2048x1xi32>
    %convert_element_type3A_19 = arith.sitofp %xor3A : vector<2048x1xi32> to vector<2048x1xf32>
    %get3A_20 = arith.constant 0 : index
    %get3A_21 = arith.constant 0 : index
    %get3A_22 = vector.load %arg2[%get3A_20, %get3A_21] : memref<2048x128xf32, #tpu.memory_space<vmem>>, vector<2048x128xf32>
    %dot_general3A_23 = arith.constant dense<0.000000e+00> : vector<2048x8xf32>
    %dot_general3A_24 = tpu.matmul %get3A_22, %get3A_5, %dot_general3A_23 {dimension_numbers = #tpu.dot_dimension_numbers<[1], [0], [0], [1], [0, 0, 1, 1], [], []>, transpose_lhs_hint = false} : vector<2048x128xf32>, vector<128x8xf32>, vector<2048x8xf32> -> vector<2048x8xf32>
    %gt3A_25 = arith.constant 0.000000e+00 : f32
    %gt3A_26 = vector.broadcast %gt3A_25 : f32 to vector<2048x8xf32>
    %gt3A_27 = arith.cmpf ogt, %dot_general3A_24, %gt3A_26 : vector<2048x8xf32>
    %convert_element_type3A_28 = arith.extui %gt3A_27 : vector<2048x8xi1> to vector<2048x8xi32>
    %convert_element_type3A_29 = arith.sitofp %convert_element_type3A_28 : vector<2048x8xi32> to vector<2048x8xf32>
    %dot_general3A_30 = arith.constant dense<0.000000e+00> : vector<2048x1xf32>
    %dot_general3A_31 = tpu.matmul %convert_element_type3A_29, %convert_element_type3A, %dot_general3A_30 {dimension_numbers = #tpu.dot_dimension_numbers<[1], [0], [0], [1], [0, 0, 1, 1], [], []>, transpose_lhs_hint = false} : vector<2048x8xf32>, vector<8x1xf32>, vector<2048x1xf32> -> vector<2048x1xf32>
    %convert_element_type3A_32 = arith.fptosi %dot_general3A_31 : vector<2048x1xf32> to vector<2048x1xi32>
    %shift_right_arithmetic3A_33 = arith.constant 1 : i32
    %shift_right_arithmetic3A_34 = vector.broadcast %shift_right_arithmetic3A_33 : i32 to vector<2048x1xi32>
    %shift_right_arithmetic3A_35 = arith.shrsi %convert_element_type3A_32, %shift_right_arithmetic3A_34 : vector<2048x1xi32>
    %xor3A_36 = arith.xori %convert_element_type3A_32, %shift_right_arithmetic3A_35 : vector<2048x1xi32>
    %convert_element_type3A_37 = arith.sitofp %xor3A_36 : vector<2048x1xi32> to vector<2048x1xf32>
    %reshape3A = vector.shape_cast %convert_element_type3A_19 : vector<2048x1xf32> to vector<1x1x2048xf32>
    %swap3A = arith.constant 0 : index
    %swap3A_38 = arith.constant 0 : index
    %swap3A_39 = arith.constant 0 : index
    %swap3A_40 = vector.load %arg4[%swap3A, %swap3A_38, %swap3A_39] : memref<1x1x2048xf32, #tpu.memory_space<vmem>>, vector<1x1x2048xf32>
    tpu.vector_store %arg4[%swap3A, %swap3A_38, %swap3A_39], %reshape3A {strides = array<i32>} : memref<1x1x2048xf32, #tpu.memory_space<vmem>>, vector<1x1x2048xf32>,
    %reshape3A_41 = vector.shape_cast %convert_element_type3A_37 : vector<2048x1xf32> to vector<1x1x2048xf32>
    %swap3A_42 = arith.constant 0 : index
    %swap3A_43 = arith.constant 0 : index
    %swap3A_44 = arith.constant 0 : index
    %swap3A_45 = vector.load %arg5[%swap3A_42, %swap3A_43, %swap3A_44] : memref<1x1x2048xf32, #tpu.memory_space<vmem>>, vector<1x1x2048xf32>
    tpu.vector_store %arg5[%swap3A_42, %swap3A_43, %swap3A_44], %reshape3A_41 {strides = array<i32>} : memref<1x1x2048xf32, #tpu.memory_space<vmem>>, vector<1x1x2048xf32>,
    return
  }
  func.func @transform_0(%arg0: i32) -> (i32, i32) {
    %c0_i32 = arith.constant 0 : i32
    %c0_i32_0 = arith.constant 0 : i32
    return %arg0, %c0_i32 : i32, i32
  }
  func.func @transform_1(%arg0: i32) -> (i32, i32) {
    %c0_i32 = arith.constant 0 : i32
    %c0_i32_0 = arith.constant 0 : i32
    return %arg0, %c0_i32 : i32, i32
  }
  func.func @transform_2(%arg0: i32) -> (i32, i32) {
    %c0_i32 = arith.constant 0 : i32
    %c0_i32_0 = arith.constant 0 : i32
    %c0_i32_1 = arith.constant 0 : i32
    return %c0_i32, %c0_i32_0 : i32, i32
  }
  func.func @transform_3(%arg0: i32) -> (i32, i32, i32) {
    %c0_i32 = arith.constant 0 : i32
    %c0_i32_0 = arith.constant 0 : i32
    %c0_i32_1 = arith.constant 0 : i32
    return %arg0, %c0_i32, %c0_i32_0 : i32, i32, i32
  }
  func.func @transform_4(%arg0: i32) -> (i32, i32, i32) {
    %c0_i32 = arith.constant 0 : i32
    %c0_i32_0 = arith.constant 0 : i32
    %c0_i32_1 = arith.constant 0 : i32
    return %arg0, %c0_i32, %c0_i32_0 : i32, i32, i32
  }
}

module attributes {stable_mosaic.version = 14 : i64} {
  func.func @_sort_body(%arg0: memref<12x2048xf32, #tpu.memory_space<vmem>>, %arg1: memref<12x2048xf32, #tpu.memory_space<vmem>>, %arg2: memref<12x1x2048xf32, #tpu.memory_space<vmem>>, %arg3: memref<2048x12xi32, #tpu.memory_space<vmem>>) attributes {dimension_semantics = [], scalar_prefetch = 0 : i64, scratch_operands = 0 : i64, tpu.core_type = #tpu.core_type<tc>} {
    %iota3A = tpu.iota {dimensions = array<i32: 1>} : vector<1x128xi32>
    %convert_element_type3A = arith.sitofp %iota3A : vector<1x128xi32> to vector<1x128xf32>
    %broadcast_in_dim3A = arith.constant 1.000000e+00 : f32
    %broadcast_in_dim3A_0 = vector.broadcast %broadcast_in_dim3A : f32 to vector<128x1xf32>
    %iota3A_1 = tpu.iota {dimensions = array<i32: 0>} : vector<2048x1xi32>
    %convert_element_type3A_2 = arith.sitofp %iota3A_1 : vector<2048x1xi32> to vector<2048x1xf32>
    %get3A = arith.constant 0 : index
    %get3A_3 = arith.constant 0 : index
    %get3A_4 = vector.load %arg0[%get3A, %get3A_3] : memref<12x2048xf32, #tpu.memory_space<vmem>>, vector<1x2048xf32>
    %transpose3A = tpu.transpose %get3A_4, [1, 0] : vector<1x2048xf32> -> vector<2048x1xf32>
    %get3A_5 = arith.constant 0 : index
    %get3A_6 = arith.constant 0 : index
    %get3A_7 = vector.load %arg1[%get3A_5, %get3A_6] : memref<12x2048xf32, #tpu.memory_space<vmem>>, vector<1x2048xf32>
    %eq3A = vector.broadcast %transpose3A : vector<2048x1xf32> to vector<2048x128xf32>
    %eq3A_8 = vector.broadcast %convert_element_type3A : vector<1x128xf32> to vector<2048x128xf32>
    %eq3A_9 = arith.cmpf oeq, %eq3A, %eq3A_8 : vector<2048x128xf32>
    %convert_element_type3A_10 = arith.extui %eq3A_9 : vector<2048x128xi1> to vector<2048x128xi32>
    %convert_element_type3A_11 = arith.sitofp %convert_element_type3A_10 : vector<2048x128xi32> to vector<2048x128xf32>
    %reduce_sum3A = arith.constant dense<0.000000e+00> : vector<128xf32>
    %reduce_sum3A_12 = vector.multi_reduction <add>, %convert_element_type3A_11, %reduce_sum3A [0] : vector<2048x128xf32> to vector<128xf32>
    %broadcast_in_dim3A_13 = vector.shape_cast %reduce_sum3A_12 : vector<128xf32> to vector<1x128xf32>
    %broadcast_in_dim3A_14 = arith.constant 0.000000e+00 : f32
    %broadcast_in_dim3A_15 = vector.broadcast %broadcast_in_dim3A_14 : f32 to vector<1x1xf32>
    %slice3A = vector.extract_strided_slice %broadcast_in_dim3A_13 {offsets = [0, 0], sizes = [1, 127], strides = [1, 1]} : vector<1x128xf32> to vector<1x127xf32>
    %concatenate3A = tpu.concatenate %broadcast_in_dim3A_15, %slice3A in 1 : vector<1x1xf32>, vector<1x127xf32> -> vector<1x128xf32>
    %add3A = arith.addf %broadcast_in_dim3A_13, %concatenate3A : vector<1x128xf32>
    %broadcast_in_dim3A_16 = arith.constant 0.000000e+00 : f32
    %broadcast_in_dim3A_17 = vector.broadcast %broadcast_in_dim3A_16 : f32 to vector<1x2xf32>
    %slice3A_18 = vector.extract_strided_slice %add3A {offsets = [0, 0], sizes = [1, 126], strides = [1, 1]} : vector<1x128xf32> to vector<1x126xf32>
    %concatenate3A_19 = tpu.concatenate %broadcast_in_dim3A_17, %slice3A_18 in 1 : vector<1x2xf32>, vector<1x126xf32> -> vector<1x128xf32>
    %add3A_20 = arith.addf %add3A, %concatenate3A_19 : vector<1x128xf32>
    %broadcast_in_dim3A_21 = arith.constant 0.000000e+00 : f32
    %broadcast_in_dim3A_22 = vector.broadcast %broadcast_in_dim3A_21 : f32 to vector<1x4xf32>
    %slice3A_23 = vector.extract_strided_slice %add3A_20 {offsets = [0, 0], sizes = [1, 124], strides = [1, 1]} : vector<1x128xf32> to vector<1x124xf32>
    %concatenate3A_24 = tpu.concatenate %broadcast_in_dim3A_22, %slice3A_23 in 1 : vector<1x4xf32>, vector<1x124xf32> -> vector<1x128xf32>
    %add3A_25 = arith.addf %add3A_20, %concatenate3A_24 : vector<1x128xf32>
    %broadcast_in_dim3A_26 = arith.constant 0.000000e+00 : f32
    %broadcast_in_dim3A_27 = vector.broadcast %broadcast_in_dim3A_26 : f32 to vector<1x8xf32>
    %slice3A_28 = vector.extract_strided_slice %add3A_25 {offsets = [0, 0], sizes = [1, 120], strides = [1, 1]} : vector<1x128xf32> to vector<1x120xf32>
    %concatenate3A_29 = tpu.concatenate %broadcast_in_dim3A_27, %slice3A_28 in 1 : vector<1x8xf32>, vector<1x120xf32> -> vector<1x128xf32>
    %add3A_30 = arith.addf %add3A_25, %concatenate3A_29 : vector<1x128xf32>
    %broadcast_in_dim3A_31 = arith.constant 0.000000e+00 : f32
    %broadcast_in_dim3A_32 = vector.broadcast %broadcast_in_dim3A_31 : f32 to vector<1x16xf32>
    %slice3A_33 = vector.extract_strided_slice %add3A_30 {offsets = [0, 0], sizes = [1, 112], strides = [1, 1]} : vector<1x128xf32> to vector<1x112xf32>
    %concatenate3A_34 = tpu.concatenate %broadcast_in_dim3A_32, %slice3A_33 in 1 : vector<1x16xf32>, vector<1x112xf32> -> vector<1x128xf32>
    %add3A_35 = arith.addf %add3A_30, %concatenate3A_34 : vector<1x128xf32>
    %broadcast_in_dim3A_36 = arith.constant 0.000000e+00 : f32
    %broadcast_in_dim3A_37 = vector.broadcast %broadcast_in_dim3A_36 : f32 to vector<1x32xf32>
    %slice3A_38 = vector.extract_strided_slice %add3A_35 {offsets = [0, 0], sizes = [1, 96], strides = [1, 1]} : vector<1x128xf32> to vector<1x96xf32>
    %concatenate3A_39 = tpu.concatenate %broadcast_in_dim3A_37, %slice3A_38 in 1 : vector<1x32xf32>, vector<1x96xf32> -> vector<1x128xf32>
    %add3A_40 = arith.addf %add3A_35, %concatenate3A_39 : vector<1x128xf32>
    %broadcast_in_dim3A_41 = arith.constant 0.000000e+00 : f32
    %broadcast_in_dim3A_42 = vector.broadcast %broadcast_in_dim3A_41 : f32 to vector<1x64xf32>
    %slice3A_43 = vector.extract_strided_slice %add3A_40 {offsets = [0, 0], sizes = [1, 64], strides = [1, 1]} : vector<1x128xf32> to vector<1x64xf32>
    %concatenate3A_44 = tpu.concatenate %broadcast_in_dim3A_42, %slice3A_43 in 1 : vector<1x64xf32>, vector<1x64xf32> -> vector<1x128xf32>
    %add3A_45 = arith.addf %add3A_40, %concatenate3A_44 : vector<1x128xf32>
    %sub3A = arith.subf %add3A_45, %broadcast_in_dim3A_13 : vector<1x128xf32>
    %broadcast_in_dim3A_46 = arith.constant 0.000000e+00 : f32
    %broadcast_in_dim3A_47 = vector.broadcast %broadcast_in_dim3A_46 : f32 to vector<1x128xf32>
    %slice3A_48 = vector.extract_strided_slice %convert_element_type3A_11 {offsets = [0, 0], sizes = [2047, 128], strides = [1, 1]} : vector<2048x128xf32> to vector<2047x128xf32>
    %concatenate3A_49 = tpu.concatenate %broadcast_in_dim3A_47, %slice3A_48 in 0 : vector<1x128xf32>, vector<2047x128xf32> -> vector<2048x128xf32>
    %add3A_50 = arith.addf %convert_element_type3A_11, %concatenate3A_49 : vector<2048x128xf32>
    %broadcast_in_dim3A_51 = arith.constant 0.000000e+00 : f32
    %broadcast_in_dim3A_52 = vector.broadcast %broadcast_in_dim3A_51 : f32 to vector<2x128xf32>
    %slice3A_53 = vector.extract_strided_slice %add3A_50 {offsets = [0, 0], sizes = [2046, 128], strides = [1, 1]} : vector<2048x128xf32> to vector<2046x128xf32>
    %concatenate3A_54 = tpu.concatenate %broadcast_in_dim3A_52, %slice3A_53 in 0 : vector<2x128xf32>, vector<2046x128xf32> -> vector<2048x128xf32>
    %add3A_55 = arith.addf %add3A_50, %concatenate3A_54 : vector<2048x128xf32>
    %broadcast_in_dim3A_56 = arith.constant 0.000000e+00 : f32
    %broadcast_in_dim3A_57 = vector.broadcast %broadcast_in_dim3A_56 : f32 to vector<4x128xf32>
    %slice3A_58 = vector.extract_strided_slice %add3A_55 {offsets = [0, 0], sizes = [2044, 128], strides = [1, 1]} : vector<2048x128xf32> to vector<2044x128xf32>
    %concatenate3A_59 = tpu.concatenate %broadcast_in_dim3A_57, %slice3A_58 in 0 : vector<4x128xf32>, vector<2044x128xf32> -> vector<2048x128xf32>
    %add3A_60 = arith.addf %add3A_55, %concatenate3A_59 : vector<2048x128xf32>
    %broadcast_in_dim3A_61 = arith.constant 0.000000e+00 : f32
    %broadcast_in_dim3A_62 = vector.broadcast %broadcast_in_dim3A_61 : f32 to vector<8x128xf32>
    %slice3A_63 = vector.extract_strided_slice %add3A_60 {offsets = [0, 0], sizes = [2040, 128], strides = [1, 1]} : vector<2048x128xf32> to vector<2040x128xf32>
    %concatenate3A_64 = tpu.concatenate %broadcast_in_dim3A_62, %slice3A_63 in 0 : vector<8x128xf32>, vector<2040x128xf32> -> vector<2048x128xf32>
    %add3A_65 = arith.addf %add3A_60, %concatenate3A_64 : vector<2048x128xf32>
    %broadcast_in_dim3A_66 = arith.constant 0.000000e+00 : f32
    %broadcast_in_dim3A_67 = vector.broadcast %broadcast_in_dim3A_66 : f32 to vector<16x128xf32>
    %slice3A_68 = vector.extract_strided_slice %add3A_65 {offsets = [0, 0], sizes = [2032, 128], strides = [1, 1]} : vector<2048x128xf32> to vector<2032x128xf32>
    %concatenate3A_69 = tpu.concatenate %broadcast_in_dim3A_67, %slice3A_68 in 0 : vector<16x128xf32>, vector<2032x128xf32> -> vector<2048x128xf32>
    %add3A_70 = arith.addf %add3A_65, %concatenate3A_69 : vector<2048x128xf32>
    %broadcast_in_dim3A_71 = arith.constant 0.000000e+00 : f32
    %broadcast_in_dim3A_72 = vector.broadcast %broadcast_in_dim3A_71 : f32 to vector<32x128xf32>
    %slice3A_73 = vector.extract_strided_slice %add3A_70 {offsets = [0, 0], sizes = [2016, 128], strides = [1, 1]} : vector<2048x128xf32> to vector<2016x128xf32>
    %concatenate3A_74 = tpu.concatenate %broadcast_in_dim3A_72, %slice3A_73 in 0 : vector<32x128xf32>, vector<2016x128xf32> -> vector<2048x128xf32>
    %add3A_75 = arith.addf %add3A_70, %concatenate3A_74 : vector<2048x128xf32>
    %broadcast_in_dim3A_76 = arith.constant 0.000000e+00 : f32
    %broadcast_in_dim3A_77 = vector.broadcast %broadcast_in_dim3A_76 : f32 to vector<64x128xf32>
    %slice3A_78 = vector.extract_strided_slice %add3A_75 {offsets = [0, 0], sizes = [1984, 128], strides = [1, 1]} : vector<2048x128xf32> to vector<1984x128xf32>
    %concatenate3A_79 = tpu.concatenate %broadcast_in_dim3A_77, %slice3A_78 in 0 : vector<64x128xf32>, vector<1984x128xf32> -> vector<2048x128xf32>
    %add3A_80 = arith.addf %add3A_75, %concatenate3A_79 : vector<2048x128xf32>
    %broadcast_in_dim3A_81 = arith.constant 0.000000e+00 : f32
    %broadcast_in_dim3A_82 = vector.broadcast %broadcast_in_dim3A_81 : f32 to vector<128x128xf32>
    %slice3A_83 = vector.extract_strided_slice %add3A_80 {offsets = [0, 0], sizes = [1920, 128], strides = [1, 1]} : vector<2048x128xf32> to vector<1920x128xf32>
    %concatenate3A_84 = tpu.concatenate %broadcast_in_dim3A_82, %slice3A_83 in 0 : vector<128x128xf32>, vector<1920x128xf32> -> vector<2048x128xf32>
    %add3A_85 = arith.addf %add3A_80, %concatenate3A_84 : vector<2048x128xf32>
    %broadcast_in_dim3A_86 = arith.constant 0.000000e+00 : f32
    %broadcast_in_dim3A_87 = vector.broadcast %broadcast_in_dim3A_86 : f32 to vector<256x128xf32>
    %slice3A_88 = vector.extract_strided_slice %add3A_85 {offsets = [0, 0], sizes = [1792, 128], strides = [1, 1]} : vector<2048x128xf32> to vector<1792x128xf32>
    %concatenate3A_89 = tpu.concatenate %broadcast_in_dim3A_87, %slice3A_88 in 0 : vector<256x128xf32>, vector<1792x128xf32> -> vector<2048x128xf32>
    %add3A_90 = arith.addf %add3A_85, %concatenate3A_89 : vector<2048x128xf32>
    %broadcast_in_dim3A_91 = arith.constant 0.000000e+00 : f32
    %broadcast_in_dim3A_92 = vector.broadcast %broadcast_in_dim3A_91 : f32 to vector<512x128xf32>
    %slice3A_93 = vector.extract_strided_slice %add3A_90 {offsets = [0, 0], sizes = [1536, 128], strides = [1, 1]} : vector<2048x128xf32> to vector<1536x128xf32>
    %concatenate3A_94 = tpu.concatenate %broadcast_in_dim3A_92, %slice3A_93 in 0 : vector<512x128xf32>, vector<1536x128xf32> -> vector<2048x128xf32>
    %add3A_95 = arith.addf %add3A_90, %concatenate3A_94 : vector<2048x128xf32>
    %broadcast_in_dim3A_96 = arith.constant 0.000000e+00 : f32
    %broadcast_in_dim3A_97 = vector.broadcast %broadcast_in_dim3A_96 : f32 to vector<1024x128xf32>
    %slice3A_98 = vector.extract_strided_slice %add3A_95 {offsets = [0, 0], sizes = [1024, 128], strides = [1, 1]} : vector<2048x128xf32> to vector<1024x128xf32>
    %concatenate3A_99 = tpu.concatenate %broadcast_in_dim3A_97, %slice3A_98 in 0 : vector<1024x128xf32>, vector<1024x128xf32> -> vector<2048x128xf32>
    %add3A_100 = arith.addf %add3A_95, %concatenate3A_99 : vector<2048x128xf32>
    %add3A_101 = vector.broadcast %sub3A : vector<1x128xf32> to vector<2048x128xf32>
    %add3A_102 = arith.addf %add3A_101, %add3A_100 : vector<2048x128xf32>
    %sub3A_103 = arith.constant 1.000000e+00 : f32
    %sub3A_104 = vector.broadcast %sub3A_103 : f32 to vector<2048x128xf32>
    %sub3A_105 = arith.subf %add3A_102, %sub3A_104 : vector<2048x128xf32>
    %mul3A = arith.mulf %sub3A_105, %convert_element_type3A_11 : vector<2048x128xf32>
    %reduce_sum3A_106 = arith.constant dense<0.000000e+00> : vector<2048xf32>
    %reduce_sum3A_107 = vector.multi_reduction <add>, %mul3A, %reduce_sum3A_106 [1] : vector<2048x128xf32> to vector<2048xf32>
    %broadcast_in_dim3A_108 = vector.shape_cast %reduce_sum3A_107 : vector<2048xf32> to vector<2048x1xf32>
    %le3A = vector.broadcast %add3A_45 : vector<1x128xf32> to vector<2048x128xf32>
    %le3A_109 = vector.broadcast %convert_element_type3A_2 : vector<2048x1xf32> to vector<2048x128xf32>
    %le3A_110 = arith.cmpf ole, %le3A, %le3A_109 : vector<2048x128xf32>
    %convert_element_type3A_111 = arith.extui %le3A_110 : vector<2048x128xi1> to vector<2048x128xi32>
    %convert_element_type3A_112 = arith.sitofp %convert_element_type3A_111 : vector<2048x128xi32> to vector<2048x128xf32>
    %dot_general3A = arith.constant dense<0.000000e+00> : vector<2048x1xf32>
    %dot_general3A_113 = tpu.matmul %convert_element_type3A_112, %broadcast_in_dim3A_0, %dot_general3A {dimension_numbers = #tpu.dot_dimension_numbers<[1], [0], [0], [1], [0, 0, 1, 1], [], []>, transpose_lhs_hint = false} : vector<2048x128xf32>, vector<128x1xf32>, vector<2048x1xf32> -> vector<2048x1xf32>
    %transpose3A_114 = tpu.transpose %dot_general3A_113, [1, 0] : vector<2048x1xf32> -> vector<1x2048xf32>
    %eq3A_115 = arith.cmpf oeq, %transpose3A_114, %get3A_7 : vector<1x2048xf32>
    %convert_element_type3A_116 = arith.extui %eq3A_115 : vector<1x2048xi1> to vector<1x2048xi32>
    %convert_element_type3A_117 = arith.sitofp %convert_element_type3A_116 : vector<1x2048xi32> to vector<1x2048xf32>
    %add3A_118 = arith.constant 0.000000e+00 : f32
    %add3A_119 = vector.broadcast %add3A_118 : f32 to vector<2048x1xf32>
    %add3A_120 = arith.addf %broadcast_in_dim3A_108, %add3A_119 : vector<2048x1xf32>
    %get3A_121 = arith.constant 1 : index
    %get3A_122 = arith.constant 0 : index
    %get3A_123 = vector.load %arg0[%get3A_121, %get3A_122] : memref<12x2048xf32, #tpu.memory_space<vmem>>, vector<1x2048xf32>
    %transpose3A_124 = tpu.transpose %get3A_123, [1, 0] : vector<1x2048xf32> -> vector<2048x1xf32>
    %get3A_125 = arith.constant 1 : index
    %get3A_126 = arith.constant 0 : index
    %get3A_127 = vector.load %arg1[%get3A_125, %get3A_126] : memref<12x2048xf32, #tpu.memory_space<vmem>>, vector<1x2048xf32>
    %eq3A_128 = vector.broadcast %transpose3A_124 : vector<2048x1xf32> to vector<2048x128xf32>
    %eq3A_129 = vector.broadcast %convert_element_type3A : vector<1x128xf32> to vector<2048x128xf32>
    %eq3A_130 = arith.cmpf oeq, %eq3A_128, %eq3A_129 : vector<2048x128xf32>
    %convert_element_type3A_131 = arith.extui %eq3A_130 : vector<2048x128xi1> to vector<2048x128xi32>
    %convert_element_type3A_132 = arith.sitofp %convert_element_type3A_131 : vector<2048x128xi32> to vector<2048x128xf32>
    %reduce_sum3A_133 = arith.constant dense<0.000000e+00> : vector<128xf32>
    %reduce_sum3A_134 = vector.multi_reduction <add>, %convert_element_type3A_132, %reduce_sum3A_133 [0] : vector<2048x128xf32> to vector<128xf32>
    %broadcast_in_dim3A_135 = vector.shape_cast %reduce_sum3A_134 : vector<128xf32> to vector<1x128xf32>
    %broadcast_in_dim3A_136 = arith.constant 0.000000e+00 : f32
    %broadcast_in_dim3A_137 = vector.broadcast %broadcast_in_dim3A_136 : f32 to vector<1x1xf32>
    %slice3A_138 = vector.extract_strided_slice %broadcast_in_dim3A_135 {offsets = [0, 0], sizes = [1, 127], strides = [1, 1]} : vector<1x128xf32> to vector<1x127xf32>
    %concatenate3A_139 = tpu.concatenate %broadcast_in_dim3A_137, %slice3A_138 in 1 : vector<1x1xf32>, vector<1x127xf32> -> vector<1x128xf32>
    %add3A_140 = arith.addf %broadcast_in_dim3A_135, %concatenate3A_139 : vector<1x128xf32>
    %broadcast_in_dim3A_141 = arith.constant 0.000000e+00 : f32
    %broadcast_in_dim3A_142 = vector.broadcast %broadcast_in_dim3A_141 : f32 to vector<1x2xf32>
    %slice3A_143 = vector.extract_strided_slice %add3A_140 {offsets = [0, 0], sizes = [1, 126], strides = [1, 1]} : vector<1x128xf32> to vector<1x126xf32>
    %concatenate3A_144 = tpu.concatenate %broadcast_in_dim3A_142, %slice3A_143 in 1 : vector<1x2xf32>, vector<1x126xf32> -> vector<1x128xf32>
    %add3A_145 = arith.addf %add3A_140, %concatenate3A_144 : vector<1x128xf32>
    %broadcast_in_dim3A_146 = arith.constant 0.000000e+00 : f32
    %broadcast_in_dim3A_147 = vector.broadcast %broadcast_in_dim3A_146 : f32 to vector<1x4xf32>
    %slice3A_148 = vector.extract_strided_slice %add3A_145 {offsets = [0, 0], sizes = [1, 124], strides = [1, 1]} : vector<1x128xf32> to vector<1x124xf32>
    %concatenate3A_149 = tpu.concatenate %broadcast_in_dim3A_147, %slice3A_148 in 1 : vector<1x4xf32>, vector<1x124xf32> -> vector<1x128xf32>
    %add3A_150 = arith.addf %add3A_145, %concatenate3A_149 : vector<1x128xf32>
    %broadcast_in_dim3A_151 = arith.constant 0.000000e+00 : f32
    %broadcast_in_dim3A_152 = vector.broadcast %broadcast_in_dim3A_151 : f32 to vector<1x8xf32>
    %slice3A_153 = vector.extract_strided_slice %add3A_150 {offsets = [0, 0], sizes = [1, 120], strides = [1, 1]} : vector<1x128xf32> to vector<1x120xf32>
    %concatenate3A_154 = tpu.concatenate %broadcast_in_dim3A_152, %slice3A_153 in 1 : vector<1x8xf32>, vector<1x120xf32> -> vector<1x128xf32>
    %add3A_155 = arith.addf %add3A_150, %concatenate3A_154 : vector<1x128xf32>
    %broadcast_in_dim3A_156 = arith.constant 0.000000e+00 : f32
    %broadcast_in_dim3A_157 = vector.broadcast %broadcast_in_dim3A_156 : f32 to vector<1x16xf32>
    %slice3A_158 = vector.extract_strided_slice %add3A_155 {offsets = [0, 0], sizes = [1, 112], strides = [1, 1]} : vector<1x128xf32> to vector<1x112xf32>
    %concatenate3A_159 = tpu.concatenate %broadcast_in_dim3A_157, %slice3A_158 in 1 : vector<1x16xf32>, vector<1x112xf32> -> vector<1x128xf32>
    %add3A_160 = arith.addf %add3A_155, %concatenate3A_159 : vector<1x128xf32>
    %broadcast_in_dim3A_161 = arith.constant 0.000000e+00 : f32
    %broadcast_in_dim3A_162 = vector.broadcast %broadcast_in_dim3A_161 : f32 to vector<1x32xf32>
    %slice3A_163 = vector.extract_strided_slice %add3A_160 {offsets = [0, 0], sizes = [1, 96], strides = [1, 1]} : vector<1x128xf32> to vector<1x96xf32>
    %concatenate3A_164 = tpu.concatenate %broadcast_in_dim3A_162, %slice3A_163 in 1 : vector<1x32xf32>, vector<1x96xf32> -> vector<1x128xf32>
    %add3A_165 = arith.addf %add3A_160, %concatenate3A_164 : vector<1x128xf32>
    %broadcast_in_dim3A_166 = arith.constant 0.000000e+00 : f32
    %broadcast_in_dim3A_167 = vector.broadcast %broadcast_in_dim3A_166 : f32 to vector<1x64xf32>
    %slice3A_168 = vector.extract_strided_slice %add3A_165 {offsets = [0, 0], sizes = [1, 64], strides = [1, 1]} : vector<1x128xf32> to vector<1x64xf32>
    %concatenate3A_169 = tpu.concatenate %broadcast_in_dim3A_167, %slice3A_168 in 1 : vector<1x64xf32>, vector<1x64xf32> -> vector<1x128xf32>
    %add3A_170 = arith.addf %add3A_165, %concatenate3A_169 : vector<1x128xf32>
    %sub3A_171 = arith.subf %add3A_170, %broadcast_in_dim3A_135 : vector<1x128xf32>
    %broadcast_in_dim3A_172 = arith.constant 0.000000e+00 : f32
    %broadcast_in_dim3A_173 = vector.broadcast %broadcast_in_dim3A_172 : f32 to vector<1x128xf32>
    %slice3A_174 = vector.extract_strided_slice %convert_element_type3A_132 {offsets = [0, 0], sizes = [2047, 128], strides = [1, 1]} : vector<2048x128xf32> to vector<2047x128xf32>
    %concatenate3A_175 = tpu.concatenate %broadcast_in_dim3A_173, %slice3A_174 in 0 : vector<1x128xf32>, vector<2047x128xf32> -> vector<2048x128xf32>
    %add3A_176 = arith.addf %convert_element_type3A_132, %concatenate3A_175 : vector<2048x128xf32>
    %broadcast_in_dim3A_177 = arith.constant 0.000000e+00 : f32
    %broadcast_in_dim3A_178 = vector.broadcast %broadcast_in_dim3A_177 : f32 to vector<2x128xf32>
    %slice3A_179 = vector.extract_strided_slice %add3A_176 {offsets = [0, 0], sizes = [2046, 128], strides = [1, 1]} : vector<2048x128xf32> to vector<2046x128xf32>
    %concatenate3A_180 = tpu.concatenate %broadcast_in_dim3A_178, %slice3A_179 in 0 : vector<2x128xf32>, vector<2046x128xf32> -> vector<2048x128xf32>
    %add3A_181 = arith.addf %add3A_176, %concatenate3A_180 : vector<2048x128xf32>
    %broadcast_in_dim3A_182 = arith.constant 0.000000e+00 : f32
    %broadcast_in_dim3A_183 = vector.broadcast %broadcast_in_dim3A_182 : f32 to vector<4x128xf32>
    %slice3A_184 = vector.extract_strided_slice %add3A_181 {offsets = [0, 0], sizes = [2044, 128], strides = [1, 1]} : vector<2048x128xf32> to vector<2044x128xf32>
    %concatenate3A_185 = tpu.concatenate %broadcast_in_dim3A_183, %slice3A_184 in 0 : vector<4x128xf32>, vector<2044x128xf32> -> vector<2048x128xf32>
    %add3A_186 = arith.addf %add3A_181, %concatenate3A_185 : vector<2048x128xf32>
    %broadcast_in_dim3A_187 = arith.constant 0.000000e+00 : f32
    %broadcast_in_dim3A_188 = vector.broadcast %broadcast_in_dim3A_187 : f32 to vector<8x128xf32>
    %slice3A_189 = vector.extract_strided_slice %add3A_186 {offsets = [0, 0], sizes = [2040, 128], strides = [1, 1]} : vector<2048x128xf32> to vector<2040x128xf32>
    %concatenate3A_190 = tpu.concatenate %broadcast_in_dim3A_188, %slice3A_189 in 0 : vector<8x128xf32>, vector<2040x128xf32> -> vector<2048x128xf32>
    %add3A_191 = arith.addf %add3A_186, %concatenate3A_190 : vector<2048x128xf32>
    %broadcast_in_dim3A_192 = arith.constant 0.000000e+00 : f32
    %broadcast_in_dim3A_193 = vector.broadcast %broadcast_in_dim3A_192 : f32 to vector<16x128xf32>
    %slice3A_194 = vector.extract_strided_slice %add3A_191 {offsets = [0, 0], sizes = [2032, 128], strides = [1, 1]} : vector<2048x128xf32> to vector<2032x128xf32>
    %concatenate3A_195 = tpu.concatenate %broadcast_in_dim3A_193, %slice3A_194 in 0 : vector<16x128xf32>, vector<2032x128xf32> -> vector<2048x128xf32>
    %add3A_196 = arith.addf %add3A_191, %concatenate3A_195 : vector<2048x128xf32>
    %broadcast_in_dim3A_197 = arith.constant 0.000000e+00 : f32
    %broadcast_in_dim3A_198 = vector.broadcast %broadcast_in_dim3A_197 : f32 to vector<32x128xf32>
    %slice3A_199 = vector.extract_strided_slice %add3A_196 {offsets = [0, 0], sizes = [2016, 128], strides = [1, 1]} : vector<2048x128xf32> to vector<2016x128xf32>
    %concatenate3A_200 = tpu.concatenate %broadcast_in_dim3A_198, %slice3A_199 in 0 : vector<32x128xf32>, vector<2016x128xf32> -> vector<2048x128xf32>
    %add3A_201 = arith.addf %add3A_196, %concatenate3A_200 : vector<2048x128xf32>
    %broadcast_in_dim3A_202 = arith.constant 0.000000e+00 : f32
    %broadcast_in_dim3A_203 = vector.broadcast %broadcast_in_dim3A_202 : f32 to vector<64x128xf32>
    %slice3A_204 = vector.extract_strided_slice %add3A_201 {offsets = [0, 0], sizes = [1984, 128], strides = [1, 1]} : vector<2048x128xf32> to vector<1984x128xf32>
    %concatenate3A_205 = tpu.concatenate %broadcast_in_dim3A_203, %slice3A_204 in 0 : vector<64x128xf32>, vector<1984x128xf32> -> vector<2048x128xf32>
    %add3A_206 = arith.addf %add3A_201, %concatenate3A_205 : vector<2048x128xf32>
    %broadcast_in_dim3A_207 = arith.constant 0.000000e+00 : f32
    %broadcast_in_dim3A_208 = vector.broadcast %broadcast_in_dim3A_207 : f32 to vector<128x128xf32>
    %slice3A_209 = vector.extract_strided_slice %add3A_206 {offsets = [0, 0], sizes = [1920, 128], strides = [1, 1]} : vector<2048x128xf32> to vector<1920x128xf32>
    %concatenate3A_210 = tpu.concatenate %broadcast_in_dim3A_208, %slice3A_209 in 0 : vector<128x128xf32>, vector<1920x128xf32> -> vector<2048x128xf32>
    %add3A_211 = arith.addf %add3A_206, %concatenate3A_210 : vector<2048x128xf32>
    %broadcast_in_dim3A_212 = arith.constant 0.000000e+00 : f32
    %broadcast_in_dim3A_213 = vector.broadcast %broadcast_in_dim3A_212 : f32 to vector<256x128xf32>
    %slice3A_214 = vector.extract_strided_slice %add3A_211 {offsets = [0, 0], sizes = [1792, 128], strides = [1, 1]} : vector<2048x128xf32> to vector<1792x128xf32>
    %concatenate3A_215 = tpu.concatenate %broadcast_in_dim3A_213, %slice3A_214 in 0 : vector<256x128xf32>, vector<1792x128xf32> -> vector<2048x128xf32>
    %add3A_216 = arith.addf %add3A_211, %concatenate3A_215 : vector<2048x128xf32>
    %broadcast_in_dim3A_217 = arith.constant 0.000000e+00 : f32
    %broadcast_in_dim3A_218 = vector.broadcast %broadcast_in_dim3A_217 : f32 to vector<512x128xf32>
    %slice3A_219 = vector.extract_strided_slice %add3A_216 {offsets = [0, 0], sizes = [1536, 128], strides = [1, 1]} : vector<2048x128xf32> to vector<1536x128xf32>
    %concatenate3A_220 = tpu.concatenate %broadcast_in_dim3A_218, %slice3A_219 in 0 : vector<512x128xf32>, vector<1536x128xf32> -> vector<2048x128xf32>
    %add3A_221 = arith.addf %add3A_216, %concatenate3A_220 : vector<2048x128xf32>
    %broadcast_in_dim3A_222 = arith.constant 0.000000e+00 : f32
    %broadcast_in_dim3A_223 = vector.broadcast %broadcast_in_dim3A_222 : f32 to vector<1024x128xf32>
    %slice3A_224 = vector.extract_strided_slice %add3A_221 {offsets = [0, 0], sizes = [1024, 128], strides = [1, 1]} : vector<2048x128xf32> to vector<1024x128xf32>
    %concatenate3A_225 = tpu.concatenate %broadcast_in_dim3A_223, %slice3A_224 in 0 : vector<1024x128xf32>, vector<1024x128xf32> -> vector<2048x128xf32>
    %add3A_226 = arith.addf %add3A_221, %concatenate3A_225 : vector<2048x128xf32>
    %add3A_227 = vector.broadcast %sub3A_171 : vector<1x128xf32> to vector<2048x128xf32>
    %add3A_228 = arith.addf %add3A_227, %add3A_226 : vector<2048x128xf32>
    %sub3A_229 = arith.constant 1.000000e+00 : f32
    %sub3A_230 = vector.broadcast %sub3A_229 : f32 to vector<2048x128xf32>
    %sub3A_231 = arith.subf %add3A_228, %sub3A_230 : vector<2048x128xf32>
    %mul3A_232 = arith.mulf %sub3A_231, %convert_element_type3A_132 : vector<2048x128xf32>
    %reduce_sum3A_233 = arith.constant dense<0.000000e+00> : vector<2048xf32>
    %reduce_sum3A_234 = vector.multi_reduction <add>, %mul3A_232, %reduce_sum3A_233 [1] : vector<2048x128xf32> to vector<2048xf32>
    %broadcast_in_dim3A_235 = vector.shape_cast %reduce_sum3A_234 : vector<2048xf32> to vector<2048x1xf32>
    %le3A_236 = vector.broadcast %add3A_170 : vector<1x128xf32> to vector<2048x128xf32>
    %le3A_237 = vector.broadcast %convert_element_type3A_2 : vector<2048x1xf32> to vector<2048x128xf32>
    %le3A_238 = arith.cmpf ole, %le3A_236, %le3A_237 : vector<2048x128xf32>
    %convert_element_type3A_239 = arith.extui %le3A_238 : vector<2048x128xi1> to vector<2048x128xi32>
    %convert_element_type3A_240 = arith.sitofp %convert_element_type3A_239 : vector<2048x128xi32> to vector<2048x128xf32>
    %dot_general3A_241 = arith.constant dense<0.000000e+00> : vector<2048x1xf32>
    %dot_general3A_242 = tpu.matmul %convert_element_type3A_240, %broadcast_in_dim3A_0, %dot_general3A_241 {dimension_numbers = #tpu.dot_dimension_numbers<[1], [0], [0], [1], [0, 0, 1, 1], [], []>, transpose_lhs_hint = false} : vector<2048x128xf32>, vector<128x1xf32>, vector<2048x1xf32> -> vector<2048x1xf32>
    %transpose3A_243 = tpu.transpose %dot_general3A_242, [1, 0] : vector<2048x1xf32> -> vector<1x2048xf32>
    %eq3A_244 = arith.cmpf oeq, %transpose3A_243, %get3A_127 : vector<1x2048xf32>
    %convert_element_type3A_245 = arith.extui %eq3A_244 : vector<1x2048xi1> to vector<1x2048xi32>
    %convert_element_type3A_246 = arith.sitofp %convert_element_type3A_245 : vector<1x2048xi32> to vector<1x2048xf32>
    %add3A_247 = arith.constant 2.048000e+03 : f32
    %add3A_248 = vector.broadcast %add3A_247 : f32 to vector<2048x1xf32>
    %add3A_249 = arith.addf %broadcast_in_dim3A_235, %add3A_248 : vector<2048x1xf32>
    %get3A_250 = arith.constant 2 : index
    %get3A_251 = arith.constant 0 : index
    %get3A_252 = vector.load %arg0[%get3A_250, %get3A_251] : memref<12x2048xf32, #tpu.memory_space<vmem>>, vector<1x2048xf32>
    %transpose3A_253 = tpu.transpose %get3A_252, [1, 0] : vector<1x2048xf32> -> vector<2048x1xf32>
    %get3A_254 = arith.constant 2 : index
    %get3A_255 = arith.constant 0 : index
    %get3A_256 = vector.load %arg1[%get3A_254, %get3A_255] : memref<12x2048xf32, #tpu.memory_space<vmem>>, vector<1x2048xf32>
    %eq3A_257 = vector.broadcast %transpose3A_253 : vector<2048x1xf32> to vector<2048x128xf32>
    %eq3A_258 = vector.broadcast %convert_element_type3A : vector<1x128xf32> to vector<2048x128xf32>
    %eq3A_259 = arith.cmpf oeq, %eq3A_257, %eq3A_258 : vector<2048x128xf32>
    %convert_element_type3A_260 = arith.extui %eq3A_259 : vector<2048x128xi1> to vector<2048x128xi32>
    %convert_element_type3A_261 = arith.sitofp %convert_element_type3A_260 : vector<2048x128xi32> to vector<2048x128xf32>
    %reduce_sum3A_262 = arith.constant dense<0.000000e+00> : vector<128xf32>
    %reduce_sum3A_263 = vector.multi_reduction <add>, %convert_element_type3A_261, %reduce_sum3A_262 [0] : vector<2048x128xf32> to vector<128xf32>
    %broadcast_in_dim3A_264 = vector.shape_cast %reduce_sum3A_263 : vector<128xf32> to vector<1x128xf32>
    %broadcast_in_dim3A_265 = arith.constant 0.000000e+00 : f32
    %broadcast_in_dim3A_266 = vector.broadcast %broadcast_in_dim3A_265 : f32 to vector<1x1xf32>
    %slice3A_267 = vector.extract_strided_slice %broadcast_in_dim3A_264 {offsets = [0, 0], sizes = [1, 127], strides = [1, 1]} : vector<1x128xf32> to vector<1x127xf32>
    %concatenate3A_268 = tpu.concatenate %broadcast_in_dim3A_266, %slice3A_267 in 1 : vector<1x1xf32>, vector<1x127xf32> -> vector<1x128xf32>
    %add3A_269 = arith.addf %broadcast_in_dim3A_264, %concatenate3A_268 : vector<1x128xf32>
    %broadcast_in_dim3A_270 = arith.constant 0.000000e+00 : f32
    %broadcast_in_dim3A_271 = vector.broadcast %broadcast_in_dim3A_270 : f32 to vector<1x2xf32>
    %slice3A_272 = vector.extract_strided_slice %add3A_269 {offsets = [0, 0], sizes = [1, 126], strides = [1, 1]} : vector<1x128xf32> to vector<1x126xf32>
    %concatenate3A_273 = tpu.concatenate %broadcast_in_dim3A_271, %slice3A_272 in 1 : vector<1x2xf32>, vector<1x126xf32> -> vector<1x128xf32>
    %add3A_274 = arith.addf %add3A_269, %concatenate3A_273 : vector<1x128xf32>
    %broadcast_in_dim3A_275 = arith.constant 0.000000e+00 : f32
    %broadcast_in_dim3A_276 = vector.broadcast %broadcast_in_dim3A_275 : f32 to vector<1x4xf32>
    %slice3A_277 = vector.extract_strided_slice %add3A_274 {offsets = [0, 0], sizes = [1, 124], strides = [1, 1]} : vector<1x128xf32> to vector<1x124xf32>
    %concatenate3A_278 = tpu.concatenate %broadcast_in_dim3A_276, %slice3A_277 in 1 : vector<1x4xf32>, vector<1x124xf32> -> vector<1x128xf32>
    %add3A_279 = arith.addf %add3A_274, %concatenate3A_278 : vector<1x128xf32>
    %broadcast_in_dim3A_280 = arith.constant 0.000000e+00 : f32
    %broadcast_in_dim3A_281 = vector.broadcast %broadcast_in_dim3A_280 : f32 to vector<1x8xf32>
    %slice3A_282 = vector.extract_strided_slice %add3A_279 {offsets = [0, 0], sizes = [1, 120], strides = [1, 1]} : vector<1x128xf32> to vector<1x120xf32>
    %concatenate3A_283 = tpu.concatenate %broadcast_in_dim3A_281, %slice3A_282 in 1 : vector<1x8xf32>, vector<1x120xf32> -> vector<1x128xf32>
    %add3A_284 = arith.addf %add3A_279, %concatenate3A_283 : vector<1x128xf32>
    %broadcast_in_dim3A_285 = arith.constant 0.000000e+00 : f32
    %broadcast_in_dim3A_286 = vector.broadcast %broadcast_in_dim3A_285 : f32 to vector<1x16xf32>
    %slice3A_287 = vector.extract_strided_slice %add3A_284 {offsets = [0, 0], sizes = [1, 112], strides = [1, 1]} : vector<1x128xf32> to vector<1x112xf32>
    %concatenate3A_288 = tpu.concatenate %broadcast_in_dim3A_286, %slice3A_287 in 1 : vector<1x16xf32>, vector<1x112xf32> -> vector<1x128xf32>
    %add3A_289 = arith.addf %add3A_284, %concatenate3A_288 : vector<1x128xf32>
    %broadcast_in_dim3A_290 = arith.constant 0.000000e+00 : f32
    %broadcast_in_dim3A_291 = vector.broadcast %broadcast_in_dim3A_290 : f32 to vector<1x32xf32>
    %slice3A_292 = vector.extract_strided_slice %add3A_289 {offsets = [0, 0], sizes = [1, 96], strides = [1, 1]} : vector<1x128xf32> to vector<1x96xf32>
    %concatenate3A_293 = tpu.concatenate %broadcast_in_dim3A_291, %slice3A_292 in 1 : vector<1x32xf32>, vector<1x96xf32> -> vector<1x128xf32>
    %add3A_294 = arith.addf %add3A_289, %concatenate3A_293 : vector<1x128xf32>
    %broadcast_in_dim3A_295 = arith.constant 0.000000e+00 : f32
    %broadcast_in_dim3A_296 = vector.broadcast %broadcast_in_dim3A_295 : f32 to vector<1x64xf32>
    %slice3A_297 = vector.extract_strided_slice %add3A_294 {offsets = [0, 0], sizes = [1, 64], strides = [1, 1]} : vector<1x128xf32> to vector<1x64xf32>
    %concatenate3A_298 = tpu.concatenate %broadcast_in_dim3A_296, %slice3A_297 in 1 : vector<1x64xf32>, vector<1x64xf32> -> vector<1x128xf32>
    %add3A_299 = arith.addf %add3A_294, %concatenate3A_298 : vector<1x128xf32>
    %sub3A_300 = arith.subf %add3A_299, %broadcast_in_dim3A_264 : vector<1x128xf32>
    %broadcast_in_dim3A_301 = arith.constant 0.000000e+00 : f32
    %broadcast_in_dim3A_302 = vector.broadcast %broadcast_in_dim3A_301 : f32 to vector<1x128xf32>
    %slice3A_303 = vector.extract_strided_slice %convert_element_type3A_261 {offsets = [0, 0], sizes = [2047, 128], strides = [1, 1]} : vector<2048x128xf32> to vector<2047x128xf32>
    %concatenate3A_304 = tpu.concatenate %broadcast_in_dim3A_302, %slice3A_303 in 0 : vector<1x128xf32>, vector<2047x128xf32> -> vector<2048x128xf32>
    %add3A_305 = arith.addf %convert_element_type3A_261, %concatenate3A_304 : vector<2048x128xf32>
    %broadcast_in_dim3A_306 = arith.constant 0.000000e+00 : f32
    %broadcast_in_dim3A_307 = vector.broadcast %broadcast_in_dim3A_306 : f32 to vector<2x128xf32>
    %slice3A_308 = vector.extract_strided_slice %add3A_305 {offsets = [0, 0], sizes = [2046, 128], strides = [1, 1]} : vector<2048x128xf32> to vector<2046x128xf32>
    %concatenate3A_309 = tpu.concatenate %broadcast_in_dim3A_307, %slice3A_308 in 0 : vector<2x128xf32>, vector<2046x128xf32> -> vector<2048x128xf32>
    %add3A_310 = arith.addf %add3A_305, %concatenate3A_309 : vector<2048x128xf32>
    %broadcast_in_dim3A_311 = arith.constant 0.000000e+00 : f32
    %broadcast_in_dim3A_312 = vector.broadcast %broadcast_in_dim3A_311 : f32 to vector<4x128xf32>
    %slice3A_313 = vector.extract_strided_slice %add3A_310 {offsets = [0, 0], sizes = [2044, 128], strides = [1, 1]} : vector<2048x128xf32> to vector<2044x128xf32>
    %concatenate3A_314 = tpu.concatenate %broadcast_in_dim3A_312, %slice3A_313 in 0 : vector<4x128xf32>, vector<2044x128xf32> -> vector<2048x128xf32>
    %add3A_315 = arith.addf %add3A_310, %concatenate3A_314 : vector<2048x128xf32>
    %broadcast_in_dim3A_316 = arith.constant 0.000000e+00 : f32
    %broadcast_in_dim3A_317 = vector.broadcast %broadcast_in_dim3A_316 : f32 to vector<8x128xf32>
    %slice3A_318 = vector.extract_strided_slice %add3A_315 {offsets = [0, 0], sizes = [2040, 128], strides = [1, 1]} : vector<2048x128xf32> to vector<2040x128xf32>
    %concatenate3A_319 = tpu.concatenate %broadcast_in_dim3A_317, %slice3A_318 in 0 : vector<8x128xf32>, vector<2040x128xf32> -> vector<2048x128xf32>
    %add3A_320 = arith.addf %add3A_315, %concatenate3A_319 : vector<2048x128xf32>
    %broadcast_in_dim3A_321 = arith.constant 0.000000e+00 : f32
    %broadcast_in_dim3A_322 = vector.broadcast %broadcast_in_dim3A_321 : f32 to vector<16x128xf32>
    %slice3A_323 = vector.extract_strided_slice %add3A_320 {offsets = [0, 0], sizes = [2032, 128], strides = [1, 1]} : vector<2048x128xf32> to vector<2032x128xf32>
    %concatenate3A_324 = tpu.concatenate %broadcast_in_dim3A_322, %slice3A_323 in 0 : vector<16x128xf32>, vector<2032x128xf32> -> vector<2048x128xf32>
    %add3A_325 = arith.addf %add3A_320, %concatenate3A_324 : vector<2048x128xf32>
    %broadcast_in_dim3A_326 = arith.constant 0.000000e+00 : f32
    %broadcast_in_dim3A_327 = vector.broadcast %broadcast_in_dim3A_326 : f32 to vector<32x128xf32>
    %slice3A_328 = vector.extract_strided_slice %add3A_325 {offsets = [0, 0], sizes = [2016, 128], strides = [1, 1]} : vector<2048x128xf32> to vector<2016x128xf32>
    %concatenate3A_329 = tpu.concatenate %broadcast_in_dim3A_327, %slice3A_328 in 0 : vector<32x128xf32>, vector<2016x128xf32> -> vector<2048x128xf32>
    %add3A_330 = arith.addf %add3A_325, %concatenate3A_329 : vector<2048x128xf32>
    %broadcast_in_dim3A_331 = arith.constant 0.000000e+00 : f32
    %broadcast_in_dim3A_332 = vector.broadcast %broadcast_in_dim3A_331 : f32 to vector<64x128xf32>
    %slice3A_333 = vector.extract_strided_slice %add3A_330 {offsets = [0, 0], sizes = [1984, 128], strides = [1, 1]} : vector<2048x128xf32> to vector<1984x128xf32>
    %concatenate3A_334 = tpu.concatenate %broadcast_in_dim3A_332, %slice3A_333 in 0 : vector<64x128xf32>, vector<1984x128xf32> -> vector<2048x128xf32>
    %add3A_335 = arith.addf %add3A_330, %concatenate3A_334 : vector<2048x128xf32>
    %broadcast_in_dim3A_336 = arith.constant 0.000000e+00 : f32
    %broadcast_in_dim3A_337 = vector.broadcast %broadcast_in_dim3A_336 : f32 to vector<128x128xf32>
    %slice3A_338 = vector.extract_strided_slice %add3A_335 {offsets = [0, 0], sizes = [1920, 128], strides = [1, 1]} : vector<2048x128xf32> to vector<1920x128xf32>
    %concatenate3A_339 = tpu.concatenate %broadcast_in_dim3A_337, %slice3A_338 in 0 : vector<128x128xf32>, vector<1920x128xf32> -> vector<2048x128xf32>
    %add3A_340 = arith.addf %add3A_335, %concatenate3A_339 : vector<2048x128xf32>
    %broadcast_in_dim3A_341 = arith.constant 0.000000e+00 : f32
    %broadcast_in_dim3A_342 = vector.broadcast %broadcast_in_dim3A_341 : f32 to vector<256x128xf32>
    %slice3A_343 = vector.extract_strided_slice %add3A_340 {offsets = [0, 0], sizes = [1792, 128], strides = [1, 1]} : vector<2048x128xf32> to vector<1792x128xf32>
    %concatenate3A_344 = tpu.concatenate %broadcast_in_dim3A_342, %slice3A_343 in 0 : vector<256x128xf32>, vector<1792x128xf32> -> vector<2048x128xf32>
    %add3A_345 = arith.addf %add3A_340, %concatenate3A_344 : vector<2048x128xf32>
    %broadcast_in_dim3A_346 = arith.constant 0.000000e+00 : f32
    %broadcast_in_dim3A_347 = vector.broadcast %broadcast_in_dim3A_346 : f32 to vector<512x128xf32>
    %slice3A_348 = vector.extract_strided_slice %add3A_345 {offsets = [0, 0], sizes = [1536, 128], strides = [1, 1]} : vector<2048x128xf32> to vector<1536x128xf32>
    %concatenate3A_349 = tpu.concatenate %broadcast_in_dim3A_347, %slice3A_348 in 0 : vector<512x128xf32>, vector<1536x128xf32> -> vector<2048x128xf32>
    %add3A_350 = arith.addf %add3A_345, %concatenate3A_349 : vector<2048x128xf32>
    %broadcast_in_dim3A_351 = arith.constant 0.000000e+00 : f32
    %broadcast_in_dim3A_352 = vector.broadcast %broadcast_in_dim3A_351 : f32 to vector<1024x128xf32>
    %slice3A_353 = vector.extract_strided_slice %add3A_350 {offsets = [0, 0], sizes = [1024, 128], strides = [1, 1]} : vector<2048x128xf32> to vector<1024x128xf32>
    %concatenate3A_354 = tpu.concatenate %broadcast_in_dim3A_352, %slice3A_353 in 0 : vector<1024x128xf32>, vector<1024x128xf32> -> vector<2048x128xf32>
    %add3A_355 = arith.addf %add3A_350, %concatenate3A_354 : vector<2048x128xf32>
    %add3A_356 = vector.broadcast %sub3A_300 : vector<1x128xf32> to vector<2048x128xf32>
    %add3A_357 = arith.addf %add3A_356, %add3A_355 : vector<2048x128xf32>
    %sub3A_358 = arith.constant 1.000000e+00 : f32
    %sub3A_359 = vector.broadcast %sub3A_358 : f32 to vector<2048x128xf32>
    %sub3A_360 = arith.subf %add3A_357, %sub3A_359 : vector<2048x128xf32>
    %mul3A_361 = arith.mulf %sub3A_360, %convert_element_type3A_261 : vector<2048x128xf32>
    %reduce_sum3A_362 = arith.constant dense<0.000000e+00> : vector<2048xf32>
    %reduce_sum3A_363 = vector.multi_reduction <add>, %mul3A_361, %reduce_sum3A_362 [1] : vector<2048x128xf32> to vector<2048xf32>
    %broadcast_in_dim3A_364 = vector.shape_cast %reduce_sum3A_363 : vector<2048xf32> to vector<2048x1xf32>
    %le3A_365 = vector.broadcast %add3A_299 : vector<1x128xf32> to vector<2048x128xf32>
    %le3A_366 = vector.broadcast %convert_element_type3A_2 : vector<2048x1xf32> to vector<2048x128xf32>
    %le3A_367 = arith.cmpf ole, %le3A_365, %le3A_366 : vector<2048x128xf32>
    %convert_element_type3A_368 = arith.extui %le3A_367 : vector<2048x128xi1> to vector<2048x128xi32>
    %convert_element_type3A_369 = arith.sitofp %convert_element_type3A_368 : vector<2048x128xi32> to vector<2048x128xf32>
    %dot_general3A_370 = arith.constant dense<0.000000e+00> : vector<2048x1xf32>
    %dot_general3A_371 = tpu.matmul %convert_element_type3A_369, %broadcast_in_dim3A_0, %dot_general3A_370 {dimension_numbers = #tpu.dot_dimension_numbers<[1], [0], [0], [1], [0, 0, 1, 1], [], []>, transpose_lhs_hint = false} : vector<2048x128xf32>, vector<128x1xf32>, vector<2048x1xf32> -> vector<2048x1xf32>
    %transpose3A_372 = tpu.transpose %dot_general3A_371, [1, 0] : vector<2048x1xf32> -> vector<1x2048xf32>
    %eq3A_373 = arith.cmpf oeq, %transpose3A_372, %get3A_256 : vector<1x2048xf32>
    %convert_element_type3A_374 = arith.extui %eq3A_373 : vector<1x2048xi1> to vector<1x2048xi32>
    %convert_element_type3A_375 = arith.sitofp %convert_element_type3A_374 : vector<1x2048xi32> to vector<1x2048xf32>
    %add3A_376 = arith.constant 4.096000e+03 : f32
    %add3A_377 = vector.broadcast %add3A_376 : f32 to vector<2048x1xf32>
    %add3A_378 = arith.addf %broadcast_in_dim3A_364, %add3A_377 : vector<2048x1xf32>
    %get3A_379 = arith.constant 3 : index
    %get3A_380 = arith.constant 0 : index
    %get3A_381 = vector.load %arg0[%get3A_379, %get3A_380] : memref<12x2048xf32, #tpu.memory_space<vmem>>, vector<1x2048xf32>
    %transpose3A_382 = tpu.transpose %get3A_381, [1, 0] : vector<1x2048xf32> -> vector<2048x1xf32>
    %get3A_383 = arith.constant 3 : index
    %get3A_384 = arith.constant 0 : index
    %get3A_385 = vector.load %arg1[%get3A_383, %get3A_384] : memref<12x2048xf32, #tpu.memory_space<vmem>>, vector<1x2048xf32>
    %eq3A_386 = vector.broadcast %transpose3A_382 : vector<2048x1xf32> to vector<2048x128xf32>
    %eq3A_387 = vector.broadcast %convert_element_type3A : vector<1x128xf32> to vector<2048x128xf32>
    %eq3A_388 = arith.cmpf oeq, %eq3A_386, %eq3A_387 : vector<2048x128xf32>
    %convert_element_type3A_389 = arith.extui %eq3A_388 : vector<2048x128xi1> to vector<2048x128xi32>
    %convert_element_type3A_390 = arith.sitofp %convert_element_type3A_389 : vector<2048x128xi32> to vector<2048x128xf32>
    %reduce_sum3A_391 = arith.constant dense<0.000000e+00> : vector<128xf32>
    %reduce_sum3A_392 = vector.multi_reduction <add>, %convert_element_type3A_390, %reduce_sum3A_391 [0] : vector<2048x128xf32> to vector<128xf32>
    %broadcast_in_dim3A_393 = vector.shape_cast %reduce_sum3A_392 : vector<128xf32> to vector<1x128xf32>
    %broadcast_in_dim3A_394 = arith.constant 0.000000e+00 : f32
    %broadcast_in_dim3A_395 = vector.broadcast %broadcast_in_dim3A_394 : f32 to vector<1x1xf32>
    %slice3A_396 = vector.extract_strided_slice %broadcast_in_dim3A_393 {offsets = [0, 0], sizes = [1, 127], strides = [1, 1]} : vector<1x128xf32> to vector<1x127xf32>
    %concatenate3A_397 = tpu.concatenate %broadcast_in_dim3A_395, %slice3A_396 in 1 : vector<1x1xf32>, vector<1x127xf32> -> vector<1x128xf32>
    %add3A_398 = arith.addf %broadcast_in_dim3A_393, %concatenate3A_397 : vector<1x128xf32>
    %broadcast_in_dim3A_399 = arith.constant 0.000000e+00 : f32
    %broadcast_in_dim3A_400 = vector.broadcast %broadcast_in_dim3A_399 : f32 to vector<1x2xf32>
    %slice3A_401 = vector.extract_strided_slice %add3A_398 {offsets = [0, 0], sizes = [1, 126], strides = [1, 1]} : vector<1x128xf32> to vector<1x126xf32>
    %concatenate3A_402 = tpu.concatenate %broadcast_in_dim3A_400, %slice3A_401 in 1 : vector<1x2xf32>, vector<1x126xf32> -> vector<1x128xf32>
    %add3A_403 = arith.addf %add3A_398, %concatenate3A_402 : vector<1x128xf32>
    %broadcast_in_dim3A_404 = arith.constant 0.000000e+00 : f32
    %broadcast_in_dim3A_405 = vector.broadcast %broadcast_in_dim3A_404 : f32 to vector<1x4xf32>
    %slice3A_406 = vector.extract_strided_slice %add3A_403 {offsets = [0, 0], sizes = [1, 124], strides = [1, 1]} : vector<1x128xf32> to vector<1x124xf32>
    %concatenate3A_407 = tpu.concatenate %broadcast_in_dim3A_405, %slice3A_406 in 1 : vector<1x4xf32>, vector<1x124xf32> -> vector<1x128xf32>
    %add3A_408 = arith.addf %add3A_403, %concatenate3A_407 : vector<1x128xf32>
    %broadcast_in_dim3A_409 = arith.constant 0.000000e+00 : f32
    %broadcast_in_dim3A_410 = vector.broadcast %broadcast_in_dim3A_409 : f32 to vector<1x8xf32>
    %slice3A_411 = vector.extract_strided_slice %add3A_408 {offsets = [0, 0], sizes = [1, 120], strides = [1, 1]} : vector<1x128xf32> to vector<1x120xf32>
    %concatenate3A_412 = tpu.concatenate %broadcast_in_dim3A_410, %slice3A_411 in 1 : vector<1x8xf32>, vector<1x120xf32> -> vector<1x128xf32>
    %add3A_413 = arith.addf %add3A_408, %concatenate3A_412 : vector<1x128xf32>
    %broadcast_in_dim3A_414 = arith.constant 0.000000e+00 : f32
    %broadcast_in_dim3A_415 = vector.broadcast %broadcast_in_dim3A_414 : f32 to vector<1x16xf32>
    %slice3A_416 = vector.extract_strided_slice %add3A_413 {offsets = [0, 0], sizes = [1, 112], strides = [1, 1]} : vector<1x128xf32> to vector<1x112xf32>
    %concatenate3A_417 = tpu.concatenate %broadcast_in_dim3A_415, %slice3A_416 in 1 : vector<1x16xf32>, vector<1x112xf32> -> vector<1x128xf32>
    %add3A_418 = arith.addf %add3A_413, %concatenate3A_417 : vector<1x128xf32>
    %broadcast_in_dim3A_419 = arith.constant 0.000000e+00 : f32
    %broadcast_in_dim3A_420 = vector.broadcast %broadcast_in_dim3A_419 : f32 to vector<1x32xf32>
    %slice3A_421 = vector.extract_strided_slice %add3A_418 {offsets = [0, 0], sizes = [1, 96], strides = [1, 1]} : vector<1x128xf32> to vector<1x96xf32>
    %concatenate3A_422 = tpu.concatenate %broadcast_in_dim3A_420, %slice3A_421 in 1 : vector<1x32xf32>, vector<1x96xf32> -> vector<1x128xf32>
    %add3A_423 = arith.addf %add3A_418, %concatenate3A_422 : vector<1x128xf32>
    %broadcast_in_dim3A_424 = arith.constant 0.000000e+00 : f32
    %broadcast_in_dim3A_425 = vector.broadcast %broadcast_in_dim3A_424 : f32 to vector<1x64xf32>
    %slice3A_426 = vector.extract_strided_slice %add3A_423 {offsets = [0, 0], sizes = [1, 64], strides = [1, 1]} : vector<1x128xf32> to vector<1x64xf32>
    %concatenate3A_427 = tpu.concatenate %broadcast_in_dim3A_425, %slice3A_426 in 1 : vector<1x64xf32>, vector<1x64xf32> -> vector<1x128xf32>
    %add3A_428 = arith.addf %add3A_423, %concatenate3A_427 : vector<1x128xf32>
    %sub3A_429 = arith.subf %add3A_428, %broadcast_in_dim3A_393 : vector<1x128xf32>
    %broadcast_in_dim3A_430 = arith.constant 0.000000e+00 : f32
    %broadcast_in_dim3A_431 = vector.broadcast %broadcast_in_dim3A_430 : f32 to vector<1x128xf32>
    %slice3A_432 = vector.extract_strided_slice %convert_element_type3A_390 {offsets = [0, 0], sizes = [2047, 128], strides = [1, 1]} : vector<2048x128xf32> to vector<2047x128xf32>
    %concatenate3A_433 = tpu.concatenate %broadcast_in_dim3A_431, %slice3A_432 in 0 : vector<1x128xf32>, vector<2047x128xf32> -> vector<2048x128xf32>
    %add3A_434 = arith.addf %convert_element_type3A_390, %concatenate3A_433 : vector<2048x128xf32>
    %broadcast_in_dim3A_435 = arith.constant 0.000000e+00 : f32
    %broadcast_in_dim3A_436 = vector.broadcast %broadcast_in_dim3A_435 : f32 to vector<2x128xf32>
    %slice3A_437 = vector.extract_strided_slice %add3A_434 {offsets = [0, 0], sizes = [2046, 128], strides = [1, 1]} : vector<2048x128xf32> to vector<2046x128xf32>
    %concatenate3A_438 = tpu.concatenate %broadcast_in_dim3A_436, %slice3A_437 in 0 : vector<2x128xf32>, vector<2046x128xf32> -> vector<2048x128xf32>
    %add3A_439 = arith.addf %add3A_434, %concatenate3A_438 : vector<2048x128xf32>
    %broadcast_in_dim3A_440 = arith.constant 0.000000e+00 : f32
    %broadcast_in_dim3A_441 = vector.broadcast %broadcast_in_dim3A_440 : f32 to vector<4x128xf32>
    %slice3A_442 = vector.extract_strided_slice %add3A_439 {offsets = [0, 0], sizes = [2044, 128], strides = [1, 1]} : vector<2048x128xf32> to vector<2044x128xf32>
    %concatenate3A_443 = tpu.concatenate %broadcast_in_dim3A_441, %slice3A_442 in 0 : vector<4x128xf32>, vector<2044x128xf32> -> vector<2048x128xf32>
    %add3A_444 = arith.addf %add3A_439, %concatenate3A_443 : vector<2048x128xf32>
    %broadcast_in_dim3A_445 = arith.constant 0.000000e+00 : f32
    %broadcast_in_dim3A_446 = vector.broadcast %broadcast_in_dim3A_445 : f32 to vector<8x128xf32>
    %slice3A_447 = vector.extract_strided_slice %add3A_444 {offsets = [0, 0], sizes = [2040, 128], strides = [1, 1]} : vector<2048x128xf32> to vector<2040x128xf32>
    %concatenate3A_448 = tpu.concatenate %broadcast_in_dim3A_446, %slice3A_447 in 0 : vector<8x128xf32>, vector<2040x128xf32> -> vector<2048x128xf32>
    %add3A_449 = arith.addf %add3A_444, %concatenate3A_448 : vector<2048x128xf32>
    %broadcast_in_dim3A_450 = arith.constant 0.000000e+00 : f32
    %broadcast_in_dim3A_451 = vector.broadcast %broadcast_in_dim3A_450 : f32 to vector<16x128xf32>
    %slice3A_452 = vector.extract_strided_slice %add3A_449 {offsets = [0, 0], sizes = [2032, 128], strides = [1, 1]} : vector<2048x128xf32> to vector<2032x128xf32>
    %concatenate3A_453 = tpu.concatenate %broadcast_in_dim3A_451, %slice3A_452 in 0 : vector<16x128xf32>, vector<2032x128xf32> -> vector<2048x128xf32>
    %add3A_454 = arith.addf %add3A_449, %concatenate3A_453 : vector<2048x128xf32>
    %broadcast_in_dim3A_455 = arith.constant 0.000000e+00 : f32
    %broadcast_in_dim3A_456 = vector.broadcast %broadcast_in_dim3A_455 : f32 to vector<32x128xf32>
    %slice3A_457 = vector.extract_strided_slice %add3A_454 {offsets = [0, 0], sizes = [2016, 128], strides = [1, 1]} : vector<2048x128xf32> to vector<2016x128xf32>
    %concatenate3A_458 = tpu.concatenate %broadcast_in_dim3A_456, %slice3A_457 in 0 : vector<32x128xf32>, vector<2016x128xf32> -> vector<2048x128xf32>
    %add3A_459 = arith.addf %add3A_454, %concatenate3A_458 : vector<2048x128xf32>
    %broadcast_in_dim3A_460 = arith.constant 0.000000e+00 : f32
    %broadcast_in_dim3A_461 = vector.broadcast %broadcast_in_dim3A_460 : f32 to vector<64x128xf32>
    %slice3A_462 = vector.extract_strided_slice %add3A_459 {offsets = [0, 0], sizes = [1984, 128], strides = [1, 1]} : vector<2048x128xf32> to vector<1984x128xf32>
    %concatenate3A_463 = tpu.concatenate %broadcast_in_dim3A_461, %slice3A_462 in 0 : vector<64x128xf32>, vector<1984x128xf32> -> vector<2048x128xf32>
    %add3A_464 = arith.addf %add3A_459, %concatenate3A_463 : vector<2048x128xf32>
    %broadcast_in_dim3A_465 = arith.constant 0.000000e+00 : f32
    %broadcast_in_dim3A_466 = vector.broadcast %broadcast_in_dim3A_465 : f32 to vector<128x128xf32>
    %slice3A_467 = vector.extract_strided_slice %add3A_464 {offsets = [0, 0], sizes = [1920, 128], strides = [1, 1]} : vector<2048x128xf32> to vector<1920x128xf32>
    %concatenate3A_468 = tpu.concatenate %broadcast_in_dim3A_466, %slice3A_467 in 0 : vector<128x128xf32>, vector<1920x128xf32> -> vector<2048x128xf32>
    %add3A_469 = arith.addf %add3A_464, %concatenate3A_468 : vector<2048x128xf32>
    %broadcast_in_dim3A_470 = arith.constant 0.000000e+00 : f32
    %broadcast_in_dim3A_471 = vector.broadcast %broadcast_in_dim3A_470 : f32 to vector<256x128xf32>
    %slice3A_472 = vector.extract_strided_slice %add3A_469 {offsets = [0, 0], sizes = [1792, 128], strides = [1, 1]} : vector<2048x128xf32> to vector<1792x128xf32>
    %concatenate3A_473 = tpu.concatenate %broadcast_in_dim3A_471, %slice3A_472 in 0 : vector<256x128xf32>, vector<1792x128xf32> -> vector<2048x128xf32>
    %add3A_474 = arith.addf %add3A_469, %concatenate3A_473 : vector<2048x128xf32>
    %broadcast_in_dim3A_475 = arith.constant 0.000000e+00 : f32
    %broadcast_in_dim3A_476 = vector.broadcast %broadcast_in_dim3A_475 : f32 to vector<512x128xf32>
    %slice3A_477 = vector.extract_strided_slice %add3A_474 {offsets = [0, 0], sizes = [1536, 128], strides = [1, 1]} : vector<2048x128xf32> to vector<1536x128xf32>
    %concatenate3A_478 = tpu.concatenate %broadcast_in_dim3A_476, %slice3A_477 in 0 : vector<512x128xf32>, vector<1536x128xf32> -> vector<2048x128xf32>
    %add3A_479 = arith.addf %add3A_474, %concatenate3A_478 : vector<2048x128xf32>
    %broadcast_in_dim3A_480 = arith.constant 0.000000e+00 : f32
    %broadcast_in_dim3A_481 = vector.broadcast %broadcast_in_dim3A_480 : f32 to vector<1024x128xf32>
    %slice3A_482 = vector.extract_strided_slice %add3A_479 {offsets = [0, 0], sizes = [1024, 128], strides = [1, 1]} : vector<2048x128xf32> to vector<1024x128xf32>
    %concatenate3A_483 = tpu.concatenate %broadcast_in_dim3A_481, %slice3A_482 in 0 : vector<1024x128xf32>, vector<1024x128xf32> -> vector<2048x128xf32>
    %add3A_484 = arith.addf %add3A_479, %concatenate3A_483 : vector<2048x128xf32>
    %add3A_485 = vector.broadcast %sub3A_429 : vector<1x128xf32> to vector<2048x128xf32>
    %add3A_486 = arith.addf %add3A_485, %add3A_484 : vector<2048x128xf32>
    %sub3A_487 = arith.constant 1.000000e+00 : f32
    %sub3A_488 = vector.broadcast %sub3A_487 : f32 to vector<2048x128xf32>
    %sub3A_489 = arith.subf %add3A_486, %sub3A_488 : vector<2048x128xf32>
    %mul3A_490 = arith.mulf %sub3A_489, %convert_element_type3A_390 : vector<2048x128xf32>
    %reduce_sum3A_491 = arith.constant dense<0.000000e+00> : vector<2048xf32>
    %reduce_sum3A_492 = vector.multi_reduction <add>, %mul3A_490, %reduce_sum3A_491 [1] : vector<2048x128xf32> to vector<2048xf32>
    %broadcast_in_dim3A_493 = vector.shape_cast %reduce_sum3A_492 : vector<2048xf32> to vector<2048x1xf32>
    %le3A_494 = vector.broadcast %add3A_428 : vector<1x128xf32> to vector<2048x128xf32>
    %le3A_495 = vector.broadcast %convert_element_type3A_2 : vector<2048x1xf32> to vector<2048x128xf32>
    %le3A_496 = arith.cmpf ole, %le3A_494, %le3A_495 : vector<2048x128xf32>
    %convert_element_type3A_497 = arith.extui %le3A_496 : vector<2048x128xi1> to vector<2048x128xi32>
    %convert_element_type3A_498 = arith.sitofp %convert_element_type3A_497 : vector<2048x128xi32> to vector<2048x128xf32>
    %dot_general3A_499 = arith.constant dense<0.000000e+00> : vector<2048x1xf32>
    %dot_general3A_500 = tpu.matmul %convert_element_type3A_498, %broadcast_in_dim3A_0, %dot_general3A_499 {dimension_numbers = #tpu.dot_dimension_numbers<[1], [0], [0], [1], [0, 0, 1, 1], [], []>, transpose_lhs_hint = false} : vector<2048x128xf32>, vector<128x1xf32>, vector<2048x1xf32> -> vector<2048x1xf32>
    %transpose3A_501 = tpu.transpose %dot_general3A_500, [1, 0] : vector<2048x1xf32> -> vector<1x2048xf32>
    %eq3A_502 = arith.cmpf oeq, %transpose3A_501, %get3A_385 : vector<1x2048xf32>
    %convert_element_type3A_503 = arith.extui %eq3A_502 : vector<1x2048xi1> to vector<1x2048xi32>
    %convert_element_type3A_504 = arith.sitofp %convert_element_type3A_503 : vector<1x2048xi32> to vector<1x2048xf32>
    %add3A_505 = arith.constant 6.144000e+03 : f32
    %add3A_506 = vector.broadcast %add3A_505 : f32 to vector<2048x1xf32>
    %add3A_507 = arith.addf %broadcast_in_dim3A_493, %add3A_506 : vector<2048x1xf32>
    %get3A_508 = arith.constant 4 : index
    %get3A_509 = arith.constant 0 : index
    %get3A_510 = vector.load %arg0[%get3A_508, %get3A_509] : memref<12x2048xf32, #tpu.memory_space<vmem>>, vector<1x2048xf32>
    %transpose3A_511 = tpu.transpose %get3A_510, [1, 0] : vector<1x2048xf32> -> vector<2048x1xf32>
    %get3A_512 = arith.constant 4 : index
    %get3A_513 = arith.constant 0 : index
    %get3A_514 = vector.load %arg1[%get3A_512, %get3A_513] : memref<12x2048xf32, #tpu.memory_space<vmem>>, vector<1x2048xf32>
    %eq3A_515 = vector.broadcast %transpose3A_511 : vector<2048x1xf32> to vector<2048x128xf32>
    %eq3A_516 = vector.broadcast %convert_element_type3A : vector<1x128xf32> to vector<2048x128xf32>
    %eq3A_517 = arith.cmpf oeq, %eq3A_515, %eq3A_516 : vector<2048x128xf32>
    %convert_element_type3A_518 = arith.extui %eq3A_517 : vector<2048x128xi1> to vector<2048x128xi32>
    %convert_element_type3A_519 = arith.sitofp %convert_element_type3A_518 : vector<2048x128xi32> to vector<2048x128xf32>
    %reduce_sum3A_520 = arith.constant dense<0.000000e+00> : vector<128xf32>
    %reduce_sum3A_521 = vector.multi_reduction <add>, %convert_element_type3A_519, %reduce_sum3A_520 [0] : vector<2048x128xf32> to vector<128xf32>
    %broadcast_in_dim3A_522 = vector.shape_cast %reduce_sum3A_521 : vector<128xf32> to vector<1x128xf32>
    %broadcast_in_dim3A_523 = arith.constant 0.000000e+00 : f32
    %broadcast_in_dim3A_524 = vector.broadcast %broadcast_in_dim3A_523 : f32 to vector<1x1xf32>
    %slice3A_525 = vector.extract_strided_slice %broadcast_in_dim3A_522 {offsets = [0, 0], sizes = [1, 127], strides = [1, 1]} : vector<1x128xf32> to vector<1x127xf32>
    %concatenate3A_526 = tpu.concatenate %broadcast_in_dim3A_524, %slice3A_525 in 1 : vector<1x1xf32>, vector<1x127xf32> -> vector<1x128xf32>
    %add3A_527 = arith.addf %broadcast_in_dim3A_522, %concatenate3A_526 : vector<1x128xf32>
    %broadcast_in_dim3A_528 = arith.constant 0.000000e+00 : f32
    %broadcast_in_dim3A_529 = vector.broadcast %broadcast_in_dim3A_528 : f32 to vector<1x2xf32>
    %slice3A_530 = vector.extract_strided_slice %add3A_527 {offsets = [0, 0], sizes = [1, 126], strides = [1, 1]} : vector<1x128xf32> to vector<1x126xf32>
    %concatenate3A_531 = tpu.concatenate %broadcast_in_dim3A_529, %slice3A_530 in 1 : vector<1x2xf32>, vector<1x126xf32> -> vector<1x128xf32>
    %add3A_532 = arith.addf %add3A_527, %concatenate3A_531 : vector<1x128xf32>
    %broadcast_in_dim3A_533 = arith.constant 0.000000e+00 : f32
    %broadcast_in_dim3A_534 = vector.broadcast %broadcast_in_dim3A_533 : f32 to vector<1x4xf32>
    %slice3A_535 = vector.extract_strided_slice %add3A_532 {offsets = [0, 0], sizes = [1, 124], strides = [1, 1]} : vector<1x128xf32> to vector<1x124xf32>
    %concatenate3A_536 = tpu.concatenate %broadcast_in_dim3A_534, %slice3A_535 in 1 : vector<1x4xf32>, vector<1x124xf32> -> vector<1x128xf32>
    %add3A_537 = arith.addf %add3A_532, %concatenate3A_536 : vector<1x128xf32>
    %broadcast_in_dim3A_538 = arith.constant 0.000000e+00 : f32
    %broadcast_in_dim3A_539 = vector.broadcast %broadcast_in_dim3A_538 : f32 to vector<1x8xf32>
    %slice3A_540 = vector.extract_strided_slice %add3A_537 {offsets = [0, 0], sizes = [1, 120], strides = [1, 1]} : vector<1x128xf32> to vector<1x120xf32>
    %concatenate3A_541 = tpu.concatenate %broadcast_in_dim3A_539, %slice3A_540 in 1 : vector<1x8xf32>, vector<1x120xf32> -> vector<1x128xf32>
    %add3A_542 = arith.addf %add3A_537, %concatenate3A_541 : vector<1x128xf32>
    %broadcast_in_dim3A_543 = arith.constant 0.000000e+00 : f32
    %broadcast_in_dim3A_544 = vector.broadcast %broadcast_in_dim3A_543 : f32 to vector<1x16xf32>
    %slice3A_545 = vector.extract_strided_slice %add3A_542 {offsets = [0, 0], sizes = [1, 112], strides = [1, 1]} : vector<1x128xf32> to vector<1x112xf32>
    %concatenate3A_546 = tpu.concatenate %broadcast_in_dim3A_544, %slice3A_545 in 1 : vector<1x16xf32>, vector<1x112xf32> -> vector<1x128xf32>
    %add3A_547 = arith.addf %add3A_542, %concatenate3A_546 : vector<1x128xf32>
    %broadcast_in_dim3A_548 = arith.constant 0.000000e+00 : f32
    %broadcast_in_dim3A_549 = vector.broadcast %broadcast_in_dim3A_548 : f32 to vector<1x32xf32>
    %slice3A_550 = vector.extract_strided_slice %add3A_547 {offsets = [0, 0], sizes = [1, 96], strides = [1, 1]} : vector<1x128xf32> to vector<1x96xf32>
    %concatenate3A_551 = tpu.concatenate %broadcast_in_dim3A_549, %slice3A_550 in 1 : vector<1x32xf32>, vector<1x96xf32> -> vector<1x128xf32>
    %add3A_552 = arith.addf %add3A_547, %concatenate3A_551 : vector<1x128xf32>
    %broadcast_in_dim3A_553 = arith.constant 0.000000e+00 : f32
    %broadcast_in_dim3A_554 = vector.broadcast %broadcast_in_dim3A_553 : f32 to vector<1x64xf32>
    %slice3A_555 = vector.extract_strided_slice %add3A_552 {offsets = [0, 0], sizes = [1, 64], strides = [1, 1]} : vector<1x128xf32> to vector<1x64xf32>
    %concatenate3A_556 = tpu.concatenate %broadcast_in_dim3A_554, %slice3A_555 in 1 : vector<1x64xf32>, vector<1x64xf32> -> vector<1x128xf32>
    %add3A_557 = arith.addf %add3A_552, %concatenate3A_556 : vector<1x128xf32>
    %sub3A_558 = arith.subf %add3A_557, %broadcast_in_dim3A_522 : vector<1x128xf32>
    %broadcast_in_dim3A_559 = arith.constant 0.000000e+00 : f32
    %broadcast_in_dim3A_560 = vector.broadcast %broadcast_in_dim3A_559 : f32 to vector<1x128xf32>
    %slice3A_561 = vector.extract_strided_slice %convert_element_type3A_519 {offsets = [0, 0], sizes = [2047, 128], strides = [1, 1]} : vector<2048x128xf32> to vector<2047x128xf32>
    %concatenate3A_562 = tpu.concatenate %broadcast_in_dim3A_560, %slice3A_561 in 0 : vector<1x128xf32>, vector<2047x128xf32> -> vector<2048x128xf32>
    %add3A_563 = arith.addf %convert_element_type3A_519, %concatenate3A_562 : vector<2048x128xf32>
    %broadcast_in_dim3A_564 = arith.constant 0.000000e+00 : f32
    %broadcast_in_dim3A_565 = vector.broadcast %broadcast_in_dim3A_564 : f32 to vector<2x128xf32>
    %slice3A_566 = vector.extract_strided_slice %add3A_563 {offsets = [0, 0], sizes = [2046, 128], strides = [1, 1]} : vector<2048x128xf32> to vector<2046x128xf32>
    %concatenate3A_567 = tpu.concatenate %broadcast_in_dim3A_565, %slice3A_566 in 0 : vector<2x128xf32>, vector<2046x128xf32> -> vector<2048x128xf32>
    %add3A_568 = arith.addf %add3A_563, %concatenate3A_567 : vector<2048x128xf32>
    %broadcast_in_dim3A_569 = arith.constant 0.000000e+00 : f32
    %broadcast_in_dim3A_570 = vector.broadcast %broadcast_in_dim3A_569 : f32 to vector<4x128xf32>
    %slice3A_571 = vector.extract_strided_slice %add3A_568 {offsets = [0, 0], sizes = [2044, 128], strides = [1, 1]} : vector<2048x128xf32> to vector<2044x128xf32>
    %concatenate3A_572 = tpu.concatenate %broadcast_in_dim3A_570, %slice3A_571 in 0 : vector<4x128xf32>, vector<2044x128xf32> -> vector<2048x128xf32>
    %add3A_573 = arith.addf %add3A_568, %concatenate3A_572 : vector<2048x128xf32>
    %broadcast_in_dim3A_574 = arith.constant 0.000000e+00 : f32
    %broadcast_in_dim3A_575 = vector.broadcast %broadcast_in_dim3A_574 : f32 to vector<8x128xf32>
    %slice3A_576 = vector.extract_strided_slice %add3A_573 {offsets = [0, 0], sizes = [2040, 128], strides = [1, 1]} : vector<2048x128xf32> to vector<2040x128xf32>
    %concatenate3A_577 = tpu.concatenate %broadcast_in_dim3A_575, %slice3A_576 in 0 : vector<8x128xf32>, vector<2040x128xf32> -> vector<2048x128xf32>
    %add3A_578 = arith.addf %add3A_573, %concatenate3A_577 : vector<2048x128xf32>
    %broadcast_in_dim3A_579 = arith.constant 0.000000e+00 : f32
    %broadcast_in_dim3A_580 = vector.broadcast %broadcast_in_dim3A_579 : f32 to vector<16x128xf32>
    %slice3A_581 = vector.extract_strided_slice %add3A_578 {offsets = [0, 0], sizes = [2032, 128], strides = [1, 1]} : vector<2048x128xf32> to vector<2032x128xf32>
    %concatenate3A_582 = tpu.concatenate %broadcast_in_dim3A_580, %slice3A_581 in 0 : vector<16x128xf32>, vector<2032x128xf32> -> vector<2048x128xf32>
    %add3A_583 = arith.addf %add3A_578, %concatenate3A_582 : vector<2048x128xf32>
    %broadcast_in_dim3A_584 = arith.constant 0.000000e+00 : f32
    %broadcast_in_dim3A_585 = vector.broadcast %broadcast_in_dim3A_584 : f32 to vector<32x128xf32>
    %slice3A_586 = vector.extract_strided_slice %add3A_583 {offsets = [0, 0], sizes = [2016, 128], strides = [1, 1]} : vector<2048x128xf32> to vector<2016x128xf32>
    %concatenate3A_587 = tpu.concatenate %broadcast_in_dim3A_585, %slice3A_586 in 0 : vector<32x128xf32>, vector<2016x128xf32> -> vector<2048x128xf32>
    %add3A_588 = arith.addf %add3A_583, %concatenate3A_587 : vector<2048x128xf32>
    %broadcast_in_dim3A_589 = arith.constant 0.000000e+00 : f32
    %broadcast_in_dim3A_590 = vector.broadcast %broadcast_in_dim3A_589 : f32 to vector<64x128xf32>
    %slice3A_591 = vector.extract_strided_slice %add3A_588 {offsets = [0, 0], sizes = [1984, 128], strides = [1, 1]} : vector<2048x128xf32> to vector<1984x128xf32>
    %concatenate3A_592 = tpu.concatenate %broadcast_in_dim3A_590, %slice3A_591 in 0 : vector<64x128xf32>, vector<1984x128xf32> -> vector<2048x128xf32>
    %add3A_593 = arith.addf %add3A_588, %concatenate3A_592 : vector<2048x128xf32>
    %broadcast_in_dim3A_594 = arith.constant 0.000000e+00 : f32
    %broadcast_in_dim3A_595 = vector.broadcast %broadcast_in_dim3A_594 : f32 to vector<128x128xf32>
    %slice3A_596 = vector.extract_strided_slice %add3A_593 {offsets = [0, 0], sizes = [1920, 128], strides = [1, 1]} : vector<2048x128xf32> to vector<1920x128xf32>
    %concatenate3A_597 = tpu.concatenate %broadcast_in_dim3A_595, %slice3A_596 in 0 : vector<128x128xf32>, vector<1920x128xf32> -> vector<2048x128xf32>
    %add3A_598 = arith.addf %add3A_593, %concatenate3A_597 : vector<2048x128xf32>
    %broadcast_in_dim3A_599 = arith.constant 0.000000e+00 : f32
    %broadcast_in_dim3A_600 = vector.broadcast %broadcast_in_dim3A_599 : f32 to vector<256x128xf32>
    %slice3A_601 = vector.extract_strided_slice %add3A_598 {offsets = [0, 0], sizes = [1792, 128], strides = [1, 1]} : vector<2048x128xf32> to vector<1792x128xf32>
    %concatenate3A_602 = tpu.concatenate %broadcast_in_dim3A_600, %slice3A_601 in 0 : vector<256x128xf32>, vector<1792x128xf32> -> vector<2048x128xf32>
    %add3A_603 = arith.addf %add3A_598, %concatenate3A_602 : vector<2048x128xf32>
    %broadcast_in_dim3A_604 = arith.constant 0.000000e+00 : f32
    %broadcast_in_dim3A_605 = vector.broadcast %broadcast_in_dim3A_604 : f32 to vector<512x128xf32>
    %slice3A_606 = vector.extract_strided_slice %add3A_603 {offsets = [0, 0], sizes = [1536, 128], strides = [1, 1]} : vector<2048x128xf32> to vector<1536x128xf32>
    %concatenate3A_607 = tpu.concatenate %broadcast_in_dim3A_605, %slice3A_606 in 0 : vector<512x128xf32>, vector<1536x128xf32> -> vector<2048x128xf32>
    %add3A_608 = arith.addf %add3A_603, %concatenate3A_607 : vector<2048x128xf32>
    %broadcast_in_dim3A_609 = arith.constant 0.000000e+00 : f32
    %broadcast_in_dim3A_610 = vector.broadcast %broadcast_in_dim3A_609 : f32 to vector<1024x128xf32>
    %slice3A_611 = vector.extract_strided_slice %add3A_608 {offsets = [0, 0], sizes = [1024, 128], strides = [1, 1]} : vector<2048x128xf32> to vector<1024x128xf32>
    %concatenate3A_612 = tpu.concatenate %broadcast_in_dim3A_610, %slice3A_611 in 0 : vector<1024x128xf32>, vector<1024x128xf32> -> vector<2048x128xf32>
    %add3A_613 = arith.addf %add3A_608, %concatenate3A_612 : vector<2048x128xf32>
    %add3A_614 = vector.broadcast %sub3A_558 : vector<1x128xf32> to vector<2048x128xf32>
    %add3A_615 = arith.addf %add3A_614, %add3A_613 : vector<2048x128xf32>
    %sub3A_616 = arith.constant 1.000000e+00 : f32
    %sub3A_617 = vector.broadcast %sub3A_616 : f32 to vector<2048x128xf32>
    %sub3A_618 = arith.subf %add3A_615, %sub3A_617 : vector<2048x128xf32>
    %mul3A_619 = arith.mulf %sub3A_618, %convert_element_type3A_519 : vector<2048x128xf32>
    %reduce_sum3A_620 = arith.constant dense<0.000000e+00> : vector<2048xf32>
    %reduce_sum3A_621 = vector.multi_reduction <add>, %mul3A_619, %reduce_sum3A_620 [1] : vector<2048x128xf32> to vector<2048xf32>
    %broadcast_in_dim3A_622 = vector.shape_cast %reduce_sum3A_621 : vector<2048xf32> to vector<2048x1xf32>
    %le3A_623 = vector.broadcast %add3A_557 : vector<1x128xf32> to vector<2048x128xf32>
    %le3A_624 = vector.broadcast %convert_element_type3A_2 : vector<2048x1xf32> to vector<2048x128xf32>
    %le3A_625 = arith.cmpf ole, %le3A_623, %le3A_624 : vector<2048x128xf32>
    %convert_element_type3A_626 = arith.extui %le3A_625 : vector<2048x128xi1> to vector<2048x128xi32>
    %convert_element_type3A_627 = arith.sitofp %convert_element_type3A_626 : vector<2048x128xi32> to vector<2048x128xf32>
    %dot_general3A_628 = arith.constant dense<0.000000e+00> : vector<2048x1xf32>
    %dot_general3A_629 = tpu.matmul %convert_element_type3A_627, %broadcast_in_dim3A_0, %dot_general3A_628 {dimension_numbers = #tpu.dot_dimension_numbers<[1], [0], [0], [1], [0, 0, 1, 1], [], []>, transpose_lhs_hint = false} : vector<2048x128xf32>, vector<128x1xf32>, vector<2048x1xf32> -> vector<2048x1xf32>
    %transpose3A_630 = tpu.transpose %dot_general3A_629, [1, 0] : vector<2048x1xf32> -> vector<1x2048xf32>
    %eq3A_631 = arith.cmpf oeq, %transpose3A_630, %get3A_514 : vector<1x2048xf32>
    %convert_element_type3A_632 = arith.extui %eq3A_631 : vector<1x2048xi1> to vector<1x2048xi32>
    %convert_element_type3A_633 = arith.sitofp %convert_element_type3A_632 : vector<1x2048xi32> to vector<1x2048xf32>
    %add3A_634 = arith.constant 8.192000e+03 : f32
    %add3A_635 = vector.broadcast %add3A_634 : f32 to vector<2048x1xf32>
    %add3A_636 = arith.addf %broadcast_in_dim3A_622, %add3A_635 : vector<2048x1xf32>
    %get3A_637 = arith.constant 5 : index
    %get3A_638 = arith.constant 0 : index
    %get3A_639 = vector.load %arg0[%get3A_637, %get3A_638] : memref<12x2048xf32, #tpu.memory_space<vmem>>, vector<1x2048xf32>
    %transpose3A_640 = tpu.transpose %get3A_639, [1, 0] : vector<1x2048xf32> -> vector<2048x1xf32>
    %get3A_641 = arith.constant 5 : index
    %get3A_642 = arith.constant 0 : index
    %get3A_643 = vector.load %arg1[%get3A_641, %get3A_642] : memref<12x2048xf32, #tpu.memory_space<vmem>>, vector<1x2048xf32>
    %eq3A_644 = vector.broadcast %transpose3A_640 : vector<2048x1xf32> to vector<2048x128xf32>
    %eq3A_645 = vector.broadcast %convert_element_type3A : vector<1x128xf32> to vector<2048x128xf32>
    %eq3A_646 = arith.cmpf oeq, %eq3A_644, %eq3A_645 : vector<2048x128xf32>
    %convert_element_type3A_647 = arith.extui %eq3A_646 : vector<2048x128xi1> to vector<2048x128xi32>
    %convert_element_type3A_648 = arith.sitofp %convert_element_type3A_647 : vector<2048x128xi32> to vector<2048x128xf32>
    %reduce_sum3A_649 = arith.constant dense<0.000000e+00> : vector<128xf32>
    %reduce_sum3A_650 = vector.multi_reduction <add>, %convert_element_type3A_648, %reduce_sum3A_649 [0] : vector<2048x128xf32> to vector<128xf32>
    %broadcast_in_dim3A_651 = vector.shape_cast %reduce_sum3A_650 : vector<128xf32> to vector<1x128xf32>
    %broadcast_in_dim3A_652 = arith.constant 0.000000e+00 : f32
    %broadcast_in_dim3A_653 = vector.broadcast %broadcast_in_dim3A_652 : f32 to vector<1x1xf32>
    %slice3A_654 = vector.extract_strided_slice %broadcast_in_dim3A_651 {offsets = [0, 0], sizes = [1, 127], strides = [1, 1]} : vector<1x128xf32> to vector<1x127xf32>
    %concatenate3A_655 = tpu.concatenate %broadcast_in_dim3A_653, %slice3A_654 in 1 : vector<1x1xf32>, vector<1x127xf32> -> vector<1x128xf32>
    %add3A_656 = arith.addf %broadcast_in_dim3A_651, %concatenate3A_655 : vector<1x128xf32>
    %broadcast_in_dim3A_657 = arith.constant 0.000000e+00 : f32
    %broadcast_in_dim3A_658 = vector.broadcast %broadcast_in_dim3A_657 : f32 to vector<1x2xf32>
    %slice3A_659 = vector.extract_strided_slice %add3A_656 {offsets = [0, 0], sizes = [1, 126], strides = [1, 1]} : vector<1x128xf32> to vector<1x126xf32>
    %concatenate3A_660 = tpu.concatenate %broadcast_in_dim3A_658, %slice3A_659 in 1 : vector<1x2xf32>, vector<1x126xf32> -> vector<1x128xf32>
    %add3A_661 = arith.addf %add3A_656, %concatenate3A_660 : vector<1x128xf32>
    %broadcast_in_dim3A_662 = arith.constant 0.000000e+00 : f32
    %broadcast_in_dim3A_663 = vector.broadcast %broadcast_in_dim3A_662 : f32 to vector<1x4xf32>
    %slice3A_664 = vector.extract_strided_slice %add3A_661 {offsets = [0, 0], sizes = [1, 124], strides = [1, 1]} : vector<1x128xf32> to vector<1x124xf32>
    %concatenate3A_665 = tpu.concatenate %broadcast_in_dim3A_663, %slice3A_664 in 1 : vector<1x4xf32>, vector<1x124xf32> -> vector<1x128xf32>
    %add3A_666 = arith.addf %add3A_661, %concatenate3A_665 : vector<1x128xf32>
    %broadcast_in_dim3A_667 = arith.constant 0.000000e+00 : f32
    %broadcast_in_dim3A_668 = vector.broadcast %broadcast_in_dim3A_667 : f32 to vector<1x8xf32>
    %slice3A_669 = vector.extract_strided_slice %add3A_666 {offsets = [0, 0], sizes = [1, 120], strides = [1, 1]} : vector<1x128xf32> to vector<1x120xf32>
    %concatenate3A_670 = tpu.concatenate %broadcast_in_dim3A_668, %slice3A_669 in 1 : vector<1x8xf32>, vector<1x120xf32> -> vector<1x128xf32>
    %add3A_671 = arith.addf %add3A_666, %concatenate3A_670 : vector<1x128xf32>
    %broadcast_in_dim3A_672 = arith.constant 0.000000e+00 : f32
    %broadcast_in_dim3A_673 = vector.broadcast %broadcast_in_dim3A_672 : f32 to vector<1x16xf32>
    %slice3A_674 = vector.extract_strided_slice %add3A_671 {offsets = [0, 0], sizes = [1, 112], strides = [1, 1]} : vector<1x128xf32> to vector<1x112xf32>
    %concatenate3A_675 = tpu.concatenate %broadcast_in_dim3A_673, %slice3A_674 in 1 : vector<1x16xf32>, vector<1x112xf32> -> vector<1x128xf32>
    %add3A_676 = arith.addf %add3A_671, %concatenate3A_675 : vector<1x128xf32>
    %broadcast_in_dim3A_677 = arith.constant 0.000000e+00 : f32
    %broadcast_in_dim3A_678 = vector.broadcast %broadcast_in_dim3A_677 : f32 to vector<1x32xf32>
    %slice3A_679 = vector.extract_strided_slice %add3A_676 {offsets = [0, 0], sizes = [1, 96], strides = [1, 1]} : vector<1x128xf32> to vector<1x96xf32>
    %concatenate3A_680 = tpu.concatenate %broadcast_in_dim3A_678, %slice3A_679 in 1 : vector<1x32xf32>, vector<1x96xf32> -> vector<1x128xf32>
    %add3A_681 = arith.addf %add3A_676, %concatenate3A_680 : vector<1x128xf32>
    %broadcast_in_dim3A_682 = arith.constant 0.000000e+00 : f32
    %broadcast_in_dim3A_683 = vector.broadcast %broadcast_in_dim3A_682 : f32 to vector<1x64xf32>
    %slice3A_684 = vector.extract_strided_slice %add3A_681 {offsets = [0, 0], sizes = [1, 64], strides = [1, 1]} : vector<1x128xf32> to vector<1x64xf32>
    %concatenate3A_685 = tpu.concatenate %broadcast_in_dim3A_683, %slice3A_684 in 1 : vector<1x64xf32>, vector<1x64xf32> -> vector<1x128xf32>
    %add3A_686 = arith.addf %add3A_681, %concatenate3A_685 : vector<1x128xf32>
    %sub3A_687 = arith.subf %add3A_686, %broadcast_in_dim3A_651 : vector<1x128xf32>
    %broadcast_in_dim3A_688 = arith.constant 0.000000e+00 : f32
    %broadcast_in_dim3A_689 = vector.broadcast %broadcast_in_dim3A_688 : f32 to vector<1x128xf32>
    %slice3A_690 = vector.extract_strided_slice %convert_element_type3A_648 {offsets = [0, 0], sizes = [2047, 128], strides = [1, 1]} : vector<2048x128xf32> to vector<2047x128xf32>
    %concatenate3A_691 = tpu.concatenate %broadcast_in_dim3A_689, %slice3A_690 in 0 : vector<1x128xf32>, vector<2047x128xf32> -> vector<2048x128xf32>
    %add3A_692 = arith.addf %convert_element_type3A_648, %concatenate3A_691 : vector<2048x128xf32>
    %broadcast_in_dim3A_693 = arith.constant 0.000000e+00 : f32
    %broadcast_in_dim3A_694 = vector.broadcast %broadcast_in_dim3A_693 : f32 to vector<2x128xf32>
    %slice3A_695 = vector.extract_strided_slice %add3A_692 {offsets = [0, 0], sizes = [2046, 128], strides = [1, 1]} : vector<2048x128xf32> to vector<2046x128xf32>
    %concatenate3A_696 = tpu.concatenate %broadcast_in_dim3A_694, %slice3A_695 in 0 : vector<2x128xf32>, vector<2046x128xf32> -> vector<2048x128xf32>
    %add3A_697 = arith.addf %add3A_692, %concatenate3A_696 : vector<2048x128xf32>
    %broadcast_in_dim3A_698 = arith.constant 0.000000e+00 : f32
    %broadcast_in_dim3A_699 = vector.broadcast %broadcast_in_dim3A_698 : f32 to vector<4x128xf32>
    %slice3A_700 = vector.extract_strided_slice %add3A_697 {offsets = [0, 0], sizes = [2044, 128], strides = [1, 1]} : vector<2048x128xf32> to vector<2044x128xf32>
    %concatenate3A_701 = tpu.concatenate %broadcast_in_dim3A_699, %slice3A_700 in 0 : vector<4x128xf32>, vector<2044x128xf32> -> vector<2048x128xf32>
    %add3A_702 = arith.addf %add3A_697, %concatenate3A_701 : vector<2048x128xf32>
    %broadcast_in_dim3A_703 = arith.constant 0.000000e+00 : f32
    %broadcast_in_dim3A_704 = vector.broadcast %broadcast_in_dim3A_703 : f32 to vector<8x128xf32>
    %slice3A_705 = vector.extract_strided_slice %add3A_702 {offsets = [0, 0], sizes = [2040, 128], strides = [1, 1]} : vector<2048x128xf32> to vector<2040x128xf32>
    %concatenate3A_706 = tpu.concatenate %broadcast_in_dim3A_704, %slice3A_705 in 0 : vector<8x128xf32>, vector<2040x128xf32> -> vector<2048x128xf32>
    %add3A_707 = arith.addf %add3A_702, %concatenate3A_706 : vector<2048x128xf32>
    %broadcast_in_dim3A_708 = arith.constant 0.000000e+00 : f32
    %broadcast_in_dim3A_709 = vector.broadcast %broadcast_in_dim3A_708 : f32 to vector<16x128xf32>
    %slice3A_710 = vector.extract_strided_slice %add3A_707 {offsets = [0, 0], sizes = [2032, 128], strides = [1, 1]} : vector<2048x128xf32> to vector<2032x128xf32>
    %concatenate3A_711 = tpu.concatenate %broadcast_in_dim3A_709, %slice3A_710 in 0 : vector<16x128xf32>, vector<2032x128xf32> -> vector<2048x128xf32>
    %add3A_712 = arith.addf %add3A_707, %concatenate3A_711 : vector<2048x128xf32>
    %broadcast_in_dim3A_713 = arith.constant 0.000000e+00 : f32
    %broadcast_in_dim3A_714 = vector.broadcast %broadcast_in_dim3A_713 : f32 to vector<32x128xf32>
    %slice3A_715 = vector.extract_strided_slice %add3A_712 {offsets = [0, 0], sizes = [2016, 128], strides = [1, 1]} : vector<2048x128xf32> to vector<2016x128xf32>
    %concatenate3A_716 = tpu.concatenate %broadcast_in_dim3A_714, %slice3A_715 in 0 : vector<32x128xf32>, vector<2016x128xf32> -> vector<2048x128xf32>
    %add3A_717 = arith.addf %add3A_712, %concatenate3A_716 : vector<2048x128xf32>
    %broadcast_in_dim3A_718 = arith.constant 0.000000e+00 : f32
    %broadcast_in_dim3A_719 = vector.broadcast %broadcast_in_dim3A_718 : f32 to vector<64x128xf32>
    %slice3A_720 = vector.extract_strided_slice %add3A_717 {offsets = [0, 0], sizes = [1984, 128], strides = [1, 1]} : vector<2048x128xf32> to vector<1984x128xf32>
    %concatenate3A_721 = tpu.concatenate %broadcast_in_dim3A_719, %slice3A_720 in 0 : vector<64x128xf32>, vector<1984x128xf32> -> vector<2048x128xf32>
    %add3A_722 = arith.addf %add3A_717, %concatenate3A_721 : vector<2048x128xf32>
    %broadcast_in_dim3A_723 = arith.constant 0.000000e+00 : f32
    %broadcast_in_dim3A_724 = vector.broadcast %broadcast_in_dim3A_723 : f32 to vector<128x128xf32>
    %slice3A_725 = vector.extract_strided_slice %add3A_722 {offsets = [0, 0], sizes = [1920, 128], strides = [1, 1]} : vector<2048x128xf32> to vector<1920x128xf32>
    %concatenate3A_726 = tpu.concatenate %broadcast_in_dim3A_724, %slice3A_725 in 0 : vector<128x128xf32>, vector<1920x128xf32> -> vector<2048x128xf32>
    %add3A_727 = arith.addf %add3A_722, %concatenate3A_726 : vector<2048x128xf32>
    %broadcast_in_dim3A_728 = arith.constant 0.000000e+00 : f32
    %broadcast_in_dim3A_729 = vector.broadcast %broadcast_in_dim3A_728 : f32 to vector<256x128xf32>
    %slice3A_730 = vector.extract_strided_slice %add3A_727 {offsets = [0, 0], sizes = [1792, 128], strides = [1, 1]} : vector<2048x128xf32> to vector<1792x128xf32>
    %concatenate3A_731 = tpu.concatenate %broadcast_in_dim3A_729, %slice3A_730 in 0 : vector<256x128xf32>, vector<1792x128xf32> -> vector<2048x128xf32>
    %add3A_732 = arith.addf %add3A_727, %concatenate3A_731 : vector<2048x128xf32>
    %broadcast_in_dim3A_733 = arith.constant 0.000000e+00 : f32
    %broadcast_in_dim3A_734 = vector.broadcast %broadcast_in_dim3A_733 : f32 to vector<512x128xf32>
    %slice3A_735 = vector.extract_strided_slice %add3A_732 {offsets = [0, 0], sizes = [1536, 128], strides = [1, 1]} : vector<2048x128xf32> to vector<1536x128xf32>
    %concatenate3A_736 = tpu.concatenate %broadcast_in_dim3A_734, %slice3A_735 in 0 : vector<512x128xf32>, vector<1536x128xf32> -> vector<2048x128xf32>
    %add3A_737 = arith.addf %add3A_732, %concatenate3A_736 : vector<2048x128xf32>
    %broadcast_in_dim3A_738 = arith.constant 0.000000e+00 : f32
    %broadcast_in_dim3A_739 = vector.broadcast %broadcast_in_dim3A_738 : f32 to vector<1024x128xf32>
    %slice3A_740 = vector.extract_strided_slice %add3A_737 {offsets = [0, 0], sizes = [1024, 128], strides = [1, 1]} : vector<2048x128xf32> to vector<1024x128xf32>
    %concatenate3A_741 = tpu.concatenate %broadcast_in_dim3A_739, %slice3A_740 in 0 : vector<1024x128xf32>, vector<1024x128xf32> -> vector<2048x128xf32>
    %add3A_742 = arith.addf %add3A_737, %concatenate3A_741 : vector<2048x128xf32>
    %add3A_743 = vector.broadcast %sub3A_687 : vector<1x128xf32> to vector<2048x128xf32>
    %add3A_744 = arith.addf %add3A_743, %add3A_742 : vector<2048x128xf32>
    %sub3A_745 = arith.constant 1.000000e+00 : f32
    %sub3A_746 = vector.broadcast %sub3A_745 : f32 to vector<2048x128xf32>
    %sub3A_747 = arith.subf %add3A_744, %sub3A_746 : vector<2048x128xf32>
    %mul3A_748 = arith.mulf %sub3A_747, %convert_element_type3A_648 : vector<2048x128xf32>
    %reduce_sum3A_749 = arith.constant dense<0.000000e+00> : vector<2048xf32>
    %reduce_sum3A_750 = vector.multi_reduction <add>, %mul3A_748, %reduce_sum3A_749 [1] : vector<2048x128xf32> to vector<2048xf32>
    %broadcast_in_dim3A_751 = vector.shape_cast %reduce_sum3A_750 : vector<2048xf32> to vector<2048x1xf32>
    %le3A_752 = vector.broadcast %add3A_686 : vector<1x128xf32> to vector<2048x128xf32>
    %le3A_753 = vector.broadcast %convert_element_type3A_2 : vector<2048x1xf32> to vector<2048x128xf32>
    %le3A_754 = arith.cmpf ole, %le3A_752, %le3A_753 : vector<2048x128xf32>
    %convert_element_type3A_755 = arith.extui %le3A_754 : vector<2048x128xi1> to vector<2048x128xi32>
    %convert_element_type3A_756 = arith.sitofp %convert_element_type3A_755 : vector<2048x128xi32> to vector<2048x128xf32>
    %dot_general3A_757 = arith.constant dense<0.000000e+00> : vector<2048x1xf32>
    %dot_general3A_758 = tpu.matmul %convert_element_type3A_756, %broadcast_in_dim3A_0, %dot_general3A_757 {dimension_numbers = #tpu.dot_dimension_numbers<[1], [0], [0], [1], [0, 0, 1, 1], [], []>, transpose_lhs_hint = false} : vector<2048x128xf32>, vector<128x1xf32>, vector<2048x1xf32> -> vector<2048x1xf32>
    %transpose3A_759 = tpu.transpose %dot_general3A_758, [1, 0] : vector<2048x1xf32> -> vector<1x2048xf32>
    %eq3A_760 = arith.cmpf oeq, %transpose3A_759, %get3A_643 : vector<1x2048xf32>
    %convert_element_type3A_761 = arith.extui %eq3A_760 : vector<1x2048xi1> to vector<1x2048xi32>
    %convert_element_type3A_762 = arith.sitofp %convert_element_type3A_761 : vector<1x2048xi32> to vector<1x2048xf32>
    %add3A_763 = arith.constant 1.024000e+04 : f32
    %add3A_764 = vector.broadcast %add3A_763 : f32 to vector<2048x1xf32>
    %add3A_765 = arith.addf %broadcast_in_dim3A_751, %add3A_764 : vector<2048x1xf32>
    %get3A_766 = arith.constant 6 : index
    %get3A_767 = arith.constant 0 : index
    %get3A_768 = vector.load %arg0[%get3A_766, %get3A_767] : memref<12x2048xf32, #tpu.memory_space<vmem>>, vector<1x2048xf32>
    %transpose3A_769 = tpu.transpose %get3A_768, [1, 0] : vector<1x2048xf32> -> vector<2048x1xf32>
    %get3A_770 = arith.constant 6 : index
    %get3A_771 = arith.constant 0 : index
    %get3A_772 = vector.load %arg1[%get3A_770, %get3A_771] : memref<12x2048xf32, #tpu.memory_space<vmem>>, vector<1x2048xf32>
    %eq3A_773 = vector.broadcast %transpose3A_769 : vector<2048x1xf32> to vector<2048x128xf32>
    %eq3A_774 = vector.broadcast %convert_element_type3A : vector<1x128xf32> to vector<2048x128xf32>
    %eq3A_775 = arith.cmpf oeq, %eq3A_773, %eq3A_774 : vector<2048x128xf32>
    %convert_element_type3A_776 = arith.extui %eq3A_775 : vector<2048x128xi1> to vector<2048x128xi32>
    %convert_element_type3A_777 = arith.sitofp %convert_element_type3A_776 : vector<2048x128xi32> to vector<2048x128xf32>
    %reduce_sum3A_778 = arith.constant dense<0.000000e+00> : vector<128xf32>
    %reduce_sum3A_779 = vector.multi_reduction <add>, %convert_element_type3A_777, %reduce_sum3A_778 [0] : vector<2048x128xf32> to vector<128xf32>
    %broadcast_in_dim3A_780 = vector.shape_cast %reduce_sum3A_779 : vector<128xf32> to vector<1x128xf32>
    %broadcast_in_dim3A_781 = arith.constant 0.000000e+00 : f32
    %broadcast_in_dim3A_782 = vector.broadcast %broadcast_in_dim3A_781 : f32 to vector<1x1xf32>
    %slice3A_783 = vector.extract_strided_slice %broadcast_in_dim3A_780 {offsets = [0, 0], sizes = [1, 127], strides = [1, 1]} : vector<1x128xf32> to vector<1x127xf32>
    %concatenate3A_784 = tpu.concatenate %broadcast_in_dim3A_782, %slice3A_783 in 1 : vector<1x1xf32>, vector<1x127xf32> -> vector<1x128xf32>
    %add3A_785 = arith.addf %broadcast_in_dim3A_780, %concatenate3A_784 : vector<1x128xf32>
    %broadcast_in_dim3A_786 = arith.constant 0.000000e+00 : f32
    %broadcast_in_dim3A_787 = vector.broadcast %broadcast_in_dim3A_786 : f32 to vector<1x2xf32>
    %slice3A_788 = vector.extract_strided_slice %add3A_785 {offsets = [0, 0], sizes = [1, 126], strides = [1, 1]} : vector<1x128xf32> to vector<1x126xf32>
    %concatenate3A_789 = tpu.concatenate %broadcast_in_dim3A_787, %slice3A_788 in 1 : vector<1x2xf32>, vector<1x126xf32> -> vector<1x128xf32>
    %add3A_790 = arith.addf %add3A_785, %concatenate3A_789 : vector<1x128xf32>
    %broadcast_in_dim3A_791 = arith.constant 0.000000e+00 : f32
    %broadcast_in_dim3A_792 = vector.broadcast %broadcast_in_dim3A_791 : f32 to vector<1x4xf32>
    %slice3A_793 = vector.extract_strided_slice %add3A_790 {offsets = [0, 0], sizes = [1, 124], strides = [1, 1]} : vector<1x128xf32> to vector<1x124xf32>
    %concatenate3A_794 = tpu.concatenate %broadcast_in_dim3A_792, %slice3A_793 in 1 : vector<1x4xf32>, vector<1x124xf32> -> vector<1x128xf32>
    %add3A_795 = arith.addf %add3A_790, %concatenate3A_794 : vector<1x128xf32>
    %broadcast_in_dim3A_796 = arith.constant 0.000000e+00 : f32
    %broadcast_in_dim3A_797 = vector.broadcast %broadcast_in_dim3A_796 : f32 to vector<1x8xf32>
    %slice3A_798 = vector.extract_strided_slice %add3A_795 {offsets = [0, 0], sizes = [1, 120], strides = [1, 1]} : vector<1x128xf32> to vector<1x120xf32>
    %concatenate3A_799 = tpu.concatenate %broadcast_in_dim3A_797, %slice3A_798 in 1 : vector<1x8xf32>, vector<1x120xf32> -> vector<1x128xf32>
    %add3A_800 = arith.addf %add3A_795, %concatenate3A_799 : vector<1x128xf32>
    %broadcast_in_dim3A_801 = arith.constant 0.000000e+00 : f32
    %broadcast_in_dim3A_802 = vector.broadcast %broadcast_in_dim3A_801 : f32 to vector<1x16xf32>
    %slice3A_803 = vector.extract_strided_slice %add3A_800 {offsets = [0, 0], sizes = [1, 112], strides = [1, 1]} : vector<1x128xf32> to vector<1x112xf32>
    %concatenate3A_804 = tpu.concatenate %broadcast_in_dim3A_802, %slice3A_803 in 1 : vector<1x16xf32>, vector<1x112xf32> -> vector<1x128xf32>
    %add3A_805 = arith.addf %add3A_800, %concatenate3A_804 : vector<1x128xf32>
    %broadcast_in_dim3A_806 = arith.constant 0.000000e+00 : f32
    %broadcast_in_dim3A_807 = vector.broadcast %broadcast_in_dim3A_806 : f32 to vector<1x32xf32>
    %slice3A_808 = vector.extract_strided_slice %add3A_805 {offsets = [0, 0], sizes = [1, 96], strides = [1, 1]} : vector<1x128xf32> to vector<1x96xf32>
    %concatenate3A_809 = tpu.concatenate %broadcast_in_dim3A_807, %slice3A_808 in 1 : vector<1x32xf32>, vector<1x96xf32> -> vector<1x128xf32>
    %add3A_810 = arith.addf %add3A_805, %concatenate3A_809 : vector<1x128xf32>
    %broadcast_in_dim3A_811 = arith.constant 0.000000e+00 : f32
    %broadcast_in_dim3A_812 = vector.broadcast %broadcast_in_dim3A_811 : f32 to vector<1x64xf32>
    %slice3A_813 = vector.extract_strided_slice %add3A_810 {offsets = [0, 0], sizes = [1, 64], strides = [1, 1]} : vector<1x128xf32> to vector<1x64xf32>
    %concatenate3A_814 = tpu.concatenate %broadcast_in_dim3A_812, %slice3A_813 in 1 : vector<1x64xf32>, vector<1x64xf32> -> vector<1x128xf32>
    %add3A_815 = arith.addf %add3A_810, %concatenate3A_814 : vector<1x128xf32>
    %sub3A_816 = arith.subf %add3A_815, %broadcast_in_dim3A_780 : vector<1x128xf32>
    %broadcast_in_dim3A_817 = arith.constant 0.000000e+00 : f32
    %broadcast_in_dim3A_818 = vector.broadcast %broadcast_in_dim3A_817 : f32 to vector<1x128xf32>
    %slice3A_819 = vector.extract_strided_slice %convert_element_type3A_777 {offsets = [0, 0], sizes = [2047, 128], strides = [1, 1]} : vector<2048x128xf32> to vector<2047x128xf32>
    %concatenate3A_820 = tpu.concatenate %broadcast_in_dim3A_818, %slice3A_819 in 0 : vector<1x128xf32>, vector<2047x128xf32> -> vector<2048x128xf32>
    %add3A_821 = arith.addf %convert_element_type3A_777, %concatenate3A_820 : vector<2048x128xf32>
    %broadcast_in_dim3A_822 = arith.constant 0.000000e+00 : f32
    %broadcast_in_dim3A_823 = vector.broadcast %broadcast_in_dim3A_822 : f32 to vector<2x128xf32>
    %slice3A_824 = vector.extract_strided_slice %add3A_821 {offsets = [0, 0], sizes = [2046, 128], strides = [1, 1]} : vector<2048x128xf32> to vector<2046x128xf32>
    %concatenate3A_825 = tpu.concatenate %broadcast_in_dim3A_823, %slice3A_824 in 0 : vector<2x128xf32>, vector<2046x128xf32> -> vector<2048x128xf32>
    %add3A_826 = arith.addf %add3A_821, %concatenate3A_825 : vector<2048x128xf32>
    %broadcast_in_dim3A_827 = arith.constant 0.000000e+00 : f32
    %broadcast_in_dim3A_828 = vector.broadcast %broadcast_in_dim3A_827 : f32 to vector<4x128xf32>
    %slice3A_829 = vector.extract_strided_slice %add3A_826 {offsets = [0, 0], sizes = [2044, 128], strides = [1, 1]} : vector<2048x128xf32> to vector<2044x128xf32>
    %concatenate3A_830 = tpu.concatenate %broadcast_in_dim3A_828, %slice3A_829 in 0 : vector<4x128xf32>, vector<2044x128xf32> -> vector<2048x128xf32>
    %add3A_831 = arith.addf %add3A_826, %concatenate3A_830 : vector<2048x128xf32>
    %broadcast_in_dim3A_832 = arith.constant 0.000000e+00 : f32
    %broadcast_in_dim3A_833 = vector.broadcast %broadcast_in_dim3A_832 : f32 to vector<8x128xf32>
    %slice3A_834 = vector.extract_strided_slice %add3A_831 {offsets = [0, 0], sizes = [2040, 128], strides = [1, 1]} : vector<2048x128xf32> to vector<2040x128xf32>
    %concatenate3A_835 = tpu.concatenate %broadcast_in_dim3A_833, %slice3A_834 in 0 : vector<8x128xf32>, vector<2040x128xf32> -> vector<2048x128xf32>
    %add3A_836 = arith.addf %add3A_831, %concatenate3A_835 : vector<2048x128xf32>
    %broadcast_in_dim3A_837 = arith.constant 0.000000e+00 : f32
    %broadcast_in_dim3A_838 = vector.broadcast %broadcast_in_dim3A_837 : f32 to vector<16x128xf32>
    %slice3A_839 = vector.extract_strided_slice %add3A_836 {offsets = [0, 0], sizes = [2032, 128], strides = [1, 1]} : vector<2048x128xf32> to vector<2032x128xf32>
    %concatenate3A_840 = tpu.concatenate %broadcast_in_dim3A_838, %slice3A_839 in 0 : vector<16x128xf32>, vector<2032x128xf32> -> vector<2048x128xf32>
    %add3A_841 = arith.addf %add3A_836, %concatenate3A_840 : vector<2048x128xf32>
    %broadcast_in_dim3A_842 = arith.constant 0.000000e+00 : f32
    %broadcast_in_dim3A_843 = vector.broadcast %broadcast_in_dim3A_842 : f32 to vector<32x128xf32>
    %slice3A_844 = vector.extract_strided_slice %add3A_841 {offsets = [0, 0], sizes = [2016, 128], strides = [1, 1]} : vector<2048x128xf32> to vector<2016x128xf32>
    %concatenate3A_845 = tpu.concatenate %broadcast_in_dim3A_843, %slice3A_844 in 0 : vector<32x128xf32>, vector<2016x128xf32> -> vector<2048x128xf32>
    %add3A_846 = arith.addf %add3A_841, %concatenate3A_845 : vector<2048x128xf32>
    %broadcast_in_dim3A_847 = arith.constant 0.000000e+00 : f32
    %broadcast_in_dim3A_848 = vector.broadcast %broadcast_in_dim3A_847 : f32 to vector<64x128xf32>
    %slice3A_849 = vector.extract_strided_slice %add3A_846 {offsets = [0, 0], sizes = [1984, 128], strides = [1, 1]} : vector<2048x128xf32> to vector<1984x128xf32>
    %concatenate3A_850 = tpu.concatenate %broadcast_in_dim3A_848, %slice3A_849 in 0 : vector<64x128xf32>, vector<1984x128xf32> -> vector<2048x128xf32>
    %add3A_851 = arith.addf %add3A_846, %concatenate3A_850 : vector<2048x128xf32>
    %broadcast_in_dim3A_852 = arith.constant 0.000000e+00 : f32
    %broadcast_in_dim3A_853 = vector.broadcast %broadcast_in_dim3A_852 : f32 to vector<128x128xf32>
    %slice3A_854 = vector.extract_strided_slice %add3A_851 {offsets = [0, 0], sizes = [1920, 128], strides = [1, 1]} : vector<2048x128xf32> to vector<1920x128xf32>
    %concatenate3A_855 = tpu.concatenate %broadcast_in_dim3A_853, %slice3A_854 in 0 : vector<128x128xf32>, vector<1920x128xf32> -> vector<2048x128xf32>
    %add3A_856 = arith.addf %add3A_851, %concatenate3A_855 : vector<2048x128xf32>
    %broadcast_in_dim3A_857 = arith.constant 0.000000e+00 : f32
    %broadcast_in_dim3A_858 = vector.broadcast %broadcast_in_dim3A_857 : f32 to vector<256x128xf32>
    %slice3A_859 = vector.extract_strided_slice %add3A_856 {offsets = [0, 0], sizes = [1792, 128], strides = [1, 1]} : vector<2048x128xf32> to vector<1792x128xf32>
    %concatenate3A_860 = tpu.concatenate %broadcast_in_dim3A_858, %slice3A_859 in 0 : vector<256x128xf32>, vector<1792x128xf32> -> vector<2048x128xf32>
    %add3A_861 = arith.addf %add3A_856, %concatenate3A_860 : vector<2048x128xf32>
    %broadcast_in_dim3A_862 = arith.constant 0.000000e+00 : f32
    %broadcast_in_dim3A_863 = vector.broadcast %broadcast_in_dim3A_862 : f32 to vector<512x128xf32>
    %slice3A_864 = vector.extract_strided_slice %add3A_861 {offsets = [0, 0], sizes = [1536, 128], strides = [1, 1]} : vector<2048x128xf32> to vector<1536x128xf32>
    %concatenate3A_865 = tpu.concatenate %broadcast_in_dim3A_863, %slice3A_864 in 0 : vector<512x128xf32>, vector<1536x128xf32> -> vector<2048x128xf32>
    %add3A_866 = arith.addf %add3A_861, %concatenate3A_865 : vector<2048x128xf32>
    %broadcast_in_dim3A_867 = arith.constant 0.000000e+00 : f32
    %broadcast_in_dim3A_868 = vector.broadcast %broadcast_in_dim3A_867 : f32 to vector<1024x128xf32>
    %slice3A_869 = vector.extract_strided_slice %add3A_866 {offsets = [0, 0], sizes = [1024, 128], strides = [1, 1]} : vector<2048x128xf32> to vector<1024x128xf32>
    %concatenate3A_870 = tpu.concatenate %broadcast_in_dim3A_868, %slice3A_869 in 0 : vector<1024x128xf32>, vector<1024x128xf32> -> vector<2048x128xf32>
    %add3A_871 = arith.addf %add3A_866, %concatenate3A_870 : vector<2048x128xf32>
    %add3A_872 = vector.broadcast %sub3A_816 : vector<1x128xf32> to vector<2048x128xf32>
    %add3A_873 = arith.addf %add3A_872, %add3A_871 : vector<2048x128xf32>
    %sub3A_874 = arith.constant 1.000000e+00 : f32
    %sub3A_875 = vector.broadcast %sub3A_874 : f32 to vector<2048x128xf32>
    %sub3A_876 = arith.subf %add3A_873, %sub3A_875 : vector<2048x128xf32>
    %mul3A_877 = arith.mulf %sub3A_876, %convert_element_type3A_777 : vector<2048x128xf32>
    %reduce_sum3A_878 = arith.constant dense<0.000000e+00> : vector<2048xf32>
    %reduce_sum3A_879 = vector.multi_reduction <add>, %mul3A_877, %reduce_sum3A_878 [1] : vector<2048x128xf32> to vector<2048xf32>
    %broadcast_in_dim3A_880 = vector.shape_cast %reduce_sum3A_879 : vector<2048xf32> to vector<2048x1xf32>
    %le3A_881 = vector.broadcast %add3A_815 : vector<1x128xf32> to vector<2048x128xf32>
    %le3A_882 = vector.broadcast %convert_element_type3A_2 : vector<2048x1xf32> to vector<2048x128xf32>
    %le3A_883 = arith.cmpf ole, %le3A_881, %le3A_882 : vector<2048x128xf32>
    %convert_element_type3A_884 = arith.extui %le3A_883 : vector<2048x128xi1> to vector<2048x128xi32>
    %convert_element_type3A_885 = arith.sitofp %convert_element_type3A_884 : vector<2048x128xi32> to vector<2048x128xf32>
    %dot_general3A_886 = arith.constant dense<0.000000e+00> : vector<2048x1xf32>
    %dot_general3A_887 = tpu.matmul %convert_element_type3A_885, %broadcast_in_dim3A_0, %dot_general3A_886 {dimension_numbers = #tpu.dot_dimension_numbers<[1], [0], [0], [1], [0, 0, 1, 1], [], []>, transpose_lhs_hint = false} : vector<2048x128xf32>, vector<128x1xf32>, vector<2048x1xf32> -> vector<2048x1xf32>
    %transpose3A_888 = tpu.transpose %dot_general3A_887, [1, 0] : vector<2048x1xf32> -> vector<1x2048xf32>
    %eq3A_889 = arith.cmpf oeq, %transpose3A_888, %get3A_772 : vector<1x2048xf32>
    %convert_element_type3A_890 = arith.extui %eq3A_889 : vector<1x2048xi1> to vector<1x2048xi32>
    %convert_element_type3A_891 = arith.sitofp %convert_element_type3A_890 : vector<1x2048xi32> to vector<1x2048xf32>
    %add3A_892 = arith.constant 1.228800e+04 : f32
    %add3A_893 = vector.broadcast %add3A_892 : f32 to vector<2048x1xf32>
    %add3A_894 = arith.addf %broadcast_in_dim3A_880, %add3A_893 : vector<2048x1xf32>
    %get3A_895 = arith.constant 7 : index
    %get3A_896 = arith.constant 0 : index
    %get3A_897 = vector.load %arg0[%get3A_895, %get3A_896] : memref<12x2048xf32, #tpu.memory_space<vmem>>, vector<1x2048xf32>
    %transpose3A_898 = tpu.transpose %get3A_897, [1, 0] : vector<1x2048xf32> -> vector<2048x1xf32>
    %get3A_899 = arith.constant 7 : index
    %get3A_900 = arith.constant 0 : index
    %get3A_901 = vector.load %arg1[%get3A_899, %get3A_900] : memref<12x2048xf32, #tpu.memory_space<vmem>>, vector<1x2048xf32>
    %eq3A_902 = vector.broadcast %transpose3A_898 : vector<2048x1xf32> to vector<2048x128xf32>
    %eq3A_903 = vector.broadcast %convert_element_type3A : vector<1x128xf32> to vector<2048x128xf32>
    %eq3A_904 = arith.cmpf oeq, %eq3A_902, %eq3A_903 : vector<2048x128xf32>
    %convert_element_type3A_905 = arith.extui %eq3A_904 : vector<2048x128xi1> to vector<2048x128xi32>
    %convert_element_type3A_906 = arith.sitofp %convert_element_type3A_905 : vector<2048x128xi32> to vector<2048x128xf32>
    %reduce_sum3A_907 = arith.constant dense<0.000000e+00> : vector<128xf32>
    %reduce_sum3A_908 = vector.multi_reduction <add>, %convert_element_type3A_906, %reduce_sum3A_907 [0] : vector<2048x128xf32> to vector<128xf32>
    %broadcast_in_dim3A_909 = vector.shape_cast %reduce_sum3A_908 : vector<128xf32> to vector<1x128xf32>
    %broadcast_in_dim3A_910 = arith.constant 0.000000e+00 : f32
    %broadcast_in_dim3A_911 = vector.broadcast %broadcast_in_dim3A_910 : f32 to vector<1x1xf32>
    %slice3A_912 = vector.extract_strided_slice %broadcast_in_dim3A_909 {offsets = [0, 0], sizes = [1, 127], strides = [1, 1]} : vector<1x128xf32> to vector<1x127xf32>
    %concatenate3A_913 = tpu.concatenate %broadcast_in_dim3A_911, %slice3A_912 in 1 : vector<1x1xf32>, vector<1x127xf32> -> vector<1x128xf32>
    %add3A_914 = arith.addf %broadcast_in_dim3A_909, %concatenate3A_913 : vector<1x128xf32>
    %broadcast_in_dim3A_915 = arith.constant 0.000000e+00 : f32
    %broadcast_in_dim3A_916 = vector.broadcast %broadcast_in_dim3A_915 : f32 to vector<1x2xf32>
    %slice3A_917 = vector.extract_strided_slice %add3A_914 {offsets = [0, 0], sizes = [1, 126], strides = [1, 1]} : vector<1x128xf32> to vector<1x126xf32>
    %concatenate3A_918 = tpu.concatenate %broadcast_in_dim3A_916, %slice3A_917 in 1 : vector<1x2xf32>, vector<1x126xf32> -> vector<1x128xf32>
    %add3A_919 = arith.addf %add3A_914, %concatenate3A_918 : vector<1x128xf32>
    %broadcast_in_dim3A_920 = arith.constant 0.000000e+00 : f32
    %broadcast_in_dim3A_921 = vector.broadcast %broadcast_in_dim3A_920 : f32 to vector<1x4xf32>
    %slice3A_922 = vector.extract_strided_slice %add3A_919 {offsets = [0, 0], sizes = [1, 124], strides = [1, 1]} : vector<1x128xf32> to vector<1x124xf32>
    %concatenate3A_923 = tpu.concatenate %broadcast_in_dim3A_921, %slice3A_922 in 1 : vector<1x4xf32>, vector<1x124xf32> -> vector<1x128xf32>
    %add3A_924 = arith.addf %add3A_919, %concatenate3A_923 : vector<1x128xf32>
    %broadcast_in_dim3A_925 = arith.constant 0.000000e+00 : f32
    %broadcast_in_dim3A_926 = vector.broadcast %broadcast_in_dim3A_925 : f32 to vector<1x8xf32>
    %slice3A_927 = vector.extract_strided_slice %add3A_924 {offsets = [0, 0], sizes = [1, 120], strides = [1, 1]} : vector<1x128xf32> to vector<1x120xf32>
    %concatenate3A_928 = tpu.concatenate %broadcast_in_dim3A_926, %slice3A_927 in 1 : vector<1x8xf32>, vector<1x120xf32> -> vector<1x128xf32>
    %add3A_929 = arith.addf %add3A_924, %concatenate3A_928 : vector<1x128xf32>
    %broadcast_in_dim3A_930 = arith.constant 0.000000e+00 : f32
    %broadcast_in_dim3A_931 = vector.broadcast %broadcast_in_dim3A_930 : f32 to vector<1x16xf32>
    %slice3A_932 = vector.extract_strided_slice %add3A_929 {offsets = [0, 0], sizes = [1, 112], strides = [1, 1]} : vector<1x128xf32> to vector<1x112xf32>
    %concatenate3A_933 = tpu.concatenate %broadcast_in_dim3A_931, %slice3A_932 in 1 : vector<1x16xf32>, vector<1x112xf32> -> vector<1x128xf32>
    %add3A_934 = arith.addf %add3A_929, %concatenate3A_933 : vector<1x128xf32>
    %broadcast_in_dim3A_935 = arith.constant 0.000000e+00 : f32
    %broadcast_in_dim3A_936 = vector.broadcast %broadcast_in_dim3A_935 : f32 to vector<1x32xf32>
    %slice3A_937 = vector.extract_strided_slice %add3A_934 {offsets = [0, 0], sizes = [1, 96], strides = [1, 1]} : vector<1x128xf32> to vector<1x96xf32>
    %concatenate3A_938 = tpu.concatenate %broadcast_in_dim3A_936, %slice3A_937 in 1 : vector<1x32xf32>, vector<1x96xf32> -> vector<1x128xf32>
    %add3A_939 = arith.addf %add3A_934, %concatenate3A_938 : vector<1x128xf32>
    %broadcast_in_dim3A_940 = arith.constant 0.000000e+00 : f32
    %broadcast_in_dim3A_941 = vector.broadcast %broadcast_in_dim3A_940 : f32 to vector<1x64xf32>
    %slice3A_942 = vector.extract_strided_slice %add3A_939 {offsets = [0, 0], sizes = [1, 64], strides = [1, 1]} : vector<1x128xf32> to vector<1x64xf32>
    %concatenate3A_943 = tpu.concatenate %broadcast_in_dim3A_941, %slice3A_942 in 1 : vector<1x64xf32>, vector<1x64xf32> -> vector<1x128xf32>
    %add3A_944 = arith.addf %add3A_939, %concatenate3A_943 : vector<1x128xf32>
    %sub3A_945 = arith.subf %add3A_944, %broadcast_in_dim3A_909 : vector<1x128xf32>
    %broadcast_in_dim3A_946 = arith.constant 0.000000e+00 : f32
    %broadcast_in_dim3A_947 = vector.broadcast %broadcast_in_dim3A_946 : f32 to vector<1x128xf32>
    %slice3A_948 = vector.extract_strided_slice %convert_element_type3A_906 {offsets = [0, 0], sizes = [2047, 128], strides = [1, 1]} : vector<2048x128xf32> to vector<2047x128xf32>
    %concatenate3A_949 = tpu.concatenate %broadcast_in_dim3A_947, %slice3A_948 in 0 : vector<1x128xf32>, vector<2047x128xf32> -> vector<2048x128xf32>
    %add3A_950 = arith.addf %convert_element_type3A_906, %concatenate3A_949 : vector<2048x128xf32>
    %broadcast_in_dim3A_951 = arith.constant 0.000000e+00 : f32
    %broadcast_in_dim3A_952 = vector.broadcast %broadcast_in_dim3A_951 : f32 to vector<2x128xf32>
    %slice3A_953 = vector.extract_strided_slice %add3A_950 {offsets = [0, 0], sizes = [2046, 128], strides = [1, 1]} : vector<2048x128xf32> to vector<2046x128xf32>
    %concatenate3A_954 = tpu.concatenate %broadcast_in_dim3A_952, %slice3A_953 in 0 : vector<2x128xf32>, vector<2046x128xf32> -> vector<2048x128xf32>
    %add3A_955 = arith.addf %add3A_950, %concatenate3A_954 : vector<2048x128xf32>
    %broadcast_in_dim3A_956 = arith.constant 0.000000e+00 : f32
    %broadcast_in_dim3A_957 = vector.broadcast %broadcast_in_dim3A_956 : f32 to vector<4x128xf32>
    %slice3A_958 = vector.extract_strided_slice %add3A_955 {offsets = [0, 0], sizes = [2044, 128], strides = [1, 1]} : vector<2048x128xf32> to vector<2044x128xf32>
    %concatenate3A_959 = tpu.concatenate %broadcast_in_dim3A_957, %slice3A_958 in 0 : vector<4x128xf32>, vector<2044x128xf32> -> vector<2048x128xf32>
    %add3A_960 = arith.addf %add3A_955, %concatenate3A_959 : vector<2048x128xf32>
    %broadcast_in_dim3A_961 = arith.constant 0.000000e+00 : f32
    %broadcast_in_dim3A_962 = vector.broadcast %broadcast_in_dim3A_961 : f32 to vector<8x128xf32>
    %slice3A_963 = vector.extract_strided_slice %add3A_960 {offsets = [0, 0], sizes = [2040, 128], strides = [1, 1]} : vector<2048x128xf32> to vector<2040x128xf32>
    %concatenate3A_964 = tpu.concatenate %broadcast_in_dim3A_962, %slice3A_963 in 0 : vector<8x128xf32>, vector<2040x128xf32> -> vector<2048x128xf32>
    %add3A_965 = arith.addf %add3A_960, %concatenate3A_964 : vector<2048x128xf32>
    %broadcast_in_dim3A_966 = arith.constant 0.000000e+00 : f32
    %broadcast_in_dim3A_967 = vector.broadcast %broadcast_in_dim3A_966 : f32 to vector<16x128xf32>
    %slice3A_968 = vector.extract_strided_slice %add3A_965 {offsets = [0, 0], sizes = [2032, 128], strides = [1, 1]} : vector<2048x128xf32> to vector<2032x128xf32>
    %concatenate3A_969 = tpu.concatenate %broadcast_in_dim3A_967, %slice3A_968 in 0 : vector<16x128xf32>, vector<2032x128xf32> -> vector<2048x128xf32>
    %add3A_970 = arith.addf %add3A_965, %concatenate3A_969 : vector<2048x128xf32>
    %broadcast_in_dim3A_971 = arith.constant 0.000000e+00 : f32
    %broadcast_in_dim3A_972 = vector.broadcast %broadcast_in_dim3A_971 : f32 to vector<32x128xf32>
    %slice3A_973 = vector.extract_strided_slice %add3A_970 {offsets = [0, 0], sizes = [2016, 128], strides = [1, 1]} : vector<2048x128xf32> to vector<2016x128xf32>
    %concatenate3A_974 = tpu.concatenate %broadcast_in_dim3A_972, %slice3A_973 in 0 : vector<32x128xf32>, vector<2016x128xf32> -> vector<2048x128xf32>
    %add3A_975 = arith.addf %add3A_970, %concatenate3A_974 : vector<2048x128xf32>
    %broadcast_in_dim3A_976 = arith.constant 0.000000e+00 : f32
    %broadcast_in_dim3A_977 = vector.broadcast %broadcast_in_dim3A_976 : f32 to vector<64x128xf32>
    %slice3A_978 = vector.extract_strided_slice %add3A_975 {offsets = [0, 0], sizes = [1984, 128], strides = [1, 1]} : vector<2048x128xf32> to vector<1984x128xf32>
    %concatenate3A_979 = tpu.concatenate %broadcast_in_dim3A_977, %slice3A_978 in 0 : vector<64x128xf32>, vector<1984x128xf32> -> vector<2048x128xf32>
    %add3A_980 = arith.addf %add3A_975, %concatenate3A_979 : vector<2048x128xf32>
    %broadcast_in_dim3A_981 = arith.constant 0.000000e+00 : f32
    %broadcast_in_dim3A_982 = vector.broadcast %broadcast_in_dim3A_981 : f32 to vector<128x128xf32>
    %slice3A_983 = vector.extract_strided_slice %add3A_980 {offsets = [0, 0], sizes = [1920, 128], strides = [1, 1]} : vector<2048x128xf32> to vector<1920x128xf32>
    %concatenate3A_984 = tpu.concatenate %broadcast_in_dim3A_982, %slice3A_983 in 0 : vector<128x128xf32>, vector<1920x128xf32> -> vector<2048x128xf32>
    %add3A_985 = arith.addf %add3A_980, %concatenate3A_984 : vector<2048x128xf32>
    %broadcast_in_dim3A_986 = arith.constant 0.000000e+00 : f32
    %broadcast_in_dim3A_987 = vector.broadcast %broadcast_in_dim3A_986 : f32 to vector<256x128xf32>
    %slice3A_988 = vector.extract_strided_slice %add3A_985 {offsets = [0, 0], sizes = [1792, 128], strides = [1, 1]} : vector<2048x128xf32> to vector<1792x128xf32>
    %concatenate3A_989 = tpu.concatenate %broadcast_in_dim3A_987, %slice3A_988 in 0 : vector<256x128xf32>, vector<1792x128xf32> -> vector<2048x128xf32>
    %add3A_990 = arith.addf %add3A_985, %concatenate3A_989 : vector<2048x128xf32>
    %broadcast_in_dim3A_991 = arith.constant 0.000000e+00 : f32
    %broadcast_in_dim3A_992 = vector.broadcast %broadcast_in_dim3A_991 : f32 to vector<512x128xf32>
    %slice3A_993 = vector.extract_strided_slice %add3A_990 {offsets = [0, 0], sizes = [1536, 128], strides = [1, 1]} : vector<2048x128xf32> to vector<1536x128xf32>
    %concatenate3A_994 = tpu.concatenate %broadcast_in_dim3A_992, %slice3A_993 in 0 : vector<512x128xf32>, vector<1536x128xf32> -> vector<2048x128xf32>
    %add3A_995 = arith.addf %add3A_990, %concatenate3A_994 : vector<2048x128xf32>
    %broadcast_in_dim3A_996 = arith.constant 0.000000e+00 : f32
    %broadcast_in_dim3A_997 = vector.broadcast %broadcast_in_dim3A_996 : f32 to vector<1024x128xf32>
    %slice3A_998 = vector.extract_strided_slice %add3A_995 {offsets = [0, 0], sizes = [1024, 128], strides = [1, 1]} : vector<2048x128xf32> to vector<1024x128xf32>
    %concatenate3A_999 = tpu.concatenate %broadcast_in_dim3A_997, %slice3A_998 in 0 : vector<1024x128xf32>, vector<1024x128xf32> -> vector<2048x128xf32>
    %add3A_1000 = arith.addf %add3A_995, %concatenate3A_999 : vector<2048x128xf32>
    %add3A_1001 = vector.broadcast %sub3A_945 : vector<1x128xf32> to vector<2048x128xf32>
    %add3A_1002 = arith.addf %add3A_1001, %add3A_1000 : vector<2048x128xf32>
    %sub3A_1003 = arith.constant 1.000000e+00 : f32
    %sub3A_1004 = vector.broadcast %sub3A_1003 : f32 to vector<2048x128xf32>
    %sub3A_1005 = arith.subf %add3A_1002, %sub3A_1004 : vector<2048x128xf32>
    %mul3A_1006 = arith.mulf %sub3A_1005, %convert_element_type3A_906 : vector<2048x128xf32>
    %reduce_sum3A_1007 = arith.constant dense<0.000000e+00> : vector<2048xf32>
    %reduce_sum3A_1008 = vector.multi_reduction <add>, %mul3A_1006, %reduce_sum3A_1007 [1] : vector<2048x128xf32> to vector<2048xf32>
    %broadcast_in_dim3A_1009 = vector.shape_cast %reduce_sum3A_1008 : vector<2048xf32> to vector<2048x1xf32>
    %le3A_1010 = vector.broadcast %add3A_944 : vector<1x128xf32> to vector<2048x128xf32>
    %le3A_1011 = vector.broadcast %convert_element_type3A_2 : vector<2048x1xf32> to vector<2048x128xf32>
    %le3A_1012 = arith.cmpf ole, %le3A_1010, %le3A_1011 : vector<2048x128xf32>
    %convert_element_type3A_1013 = arith.extui %le3A_1012 : vector<2048x128xi1> to vector<2048x128xi32>
    %convert_element_type3A_1014 = arith.sitofp %convert_element_type3A_1013 : vector<2048x128xi32> to vector<2048x128xf32>
    %dot_general3A_1015 = arith.constant dense<0.000000e+00> : vector<2048x1xf32>
    %dot_general3A_1016 = tpu.matmul %convert_element_type3A_1014, %broadcast_in_dim3A_0, %dot_general3A_1015 {dimension_numbers = #tpu.dot_dimension_numbers<[1], [0], [0], [1], [0, 0, 1, 1], [], []>, transpose_lhs_hint = false} : vector<2048x128xf32>, vector<128x1xf32>, vector<2048x1xf32> -> vector<2048x1xf32>
    %transpose3A_1017 = tpu.transpose %dot_general3A_1016, [1, 0] : vector<2048x1xf32> -> vector<1x2048xf32>
    %eq3A_1018 = arith.cmpf oeq, %transpose3A_1017, %get3A_901 : vector<1x2048xf32>
    %convert_element_type3A_1019 = arith.extui %eq3A_1018 : vector<1x2048xi1> to vector<1x2048xi32>
    %convert_element_type3A_1020 = arith.sitofp %convert_element_type3A_1019 : vector<1x2048xi32> to vector<1x2048xf32>
    %add3A_1021 = arith.constant 1.433600e+04 : f32
    %add3A_1022 = vector.broadcast %add3A_1021 : f32 to vector<2048x1xf32>
    %add3A_1023 = arith.addf %broadcast_in_dim3A_1009, %add3A_1022 : vector<2048x1xf32>
    %get3A_1024 = arith.constant 8 : index
    %get3A_1025 = arith.constant 0 : index
    %get3A_1026 = vector.load %arg0[%get3A_1024, %get3A_1025] : memref<12x2048xf32, #tpu.memory_space<vmem>>, vector<1x2048xf32>
    %transpose3A_1027 = tpu.transpose %get3A_1026, [1, 0] : vector<1x2048xf32> -> vector<2048x1xf32>
    %get3A_1028 = arith.constant 8 : index
    %get3A_1029 = arith.constant 0 : index
    %get3A_1030 = vector.load %arg1[%get3A_1028, %get3A_1029] : memref<12x2048xf32, #tpu.memory_space<vmem>>, vector<1x2048xf32>
    %eq3A_1031 = vector.broadcast %transpose3A_1027 : vector<2048x1xf32> to vector<2048x128xf32>
    %eq3A_1032 = vector.broadcast %convert_element_type3A : vector<1x128xf32> to vector<2048x128xf32>
    %eq3A_1033 = arith.cmpf oeq, %eq3A_1031, %eq3A_1032 : vector<2048x128xf32>
    %convert_element_type3A_1034 = arith.extui %eq3A_1033 : vector<2048x128xi1> to vector<2048x128xi32>
    %convert_element_type3A_1035 = arith.sitofp %convert_element_type3A_1034 : vector<2048x128xi32> to vector<2048x128xf32>
    %reduce_sum3A_1036 = arith.constant dense<0.000000e+00> : vector<128xf32>
    %reduce_sum3A_1037 = vector.multi_reduction <add>, %convert_element_type3A_1035, %reduce_sum3A_1036 [0] : vector<2048x128xf32> to vector<128xf32>
    %broadcast_in_dim3A_1038 = vector.shape_cast %reduce_sum3A_1037 : vector<128xf32> to vector<1x128xf32>
    %broadcast_in_dim3A_1039 = arith.constant 0.000000e+00 : f32
    %broadcast_in_dim3A_1040 = vector.broadcast %broadcast_in_dim3A_1039 : f32 to vector<1x1xf32>
    %slice3A_1041 = vector.extract_strided_slice %broadcast_in_dim3A_1038 {offsets = [0, 0], sizes = [1, 127], strides = [1, 1]} : vector<1x128xf32> to vector<1x127xf32>
    %concatenate3A_1042 = tpu.concatenate %broadcast_in_dim3A_1040, %slice3A_1041 in 1 : vector<1x1xf32>, vector<1x127xf32> -> vector<1x128xf32>
    %add3A_1043 = arith.addf %broadcast_in_dim3A_1038, %concatenate3A_1042 : vector<1x128xf32>
    %broadcast_in_dim3A_1044 = arith.constant 0.000000e+00 : f32
    %broadcast_in_dim3A_1045 = vector.broadcast %broadcast_in_dim3A_1044 : f32 to vector<1x2xf32>
    %slice3A_1046 = vector.extract_strided_slice %add3A_1043 {offsets = [0, 0], sizes = [1, 126], strides = [1, 1]} : vector<1x128xf32> to vector<1x126xf32>
    %concatenate3A_1047 = tpu.concatenate %broadcast_in_dim3A_1045, %slice3A_1046 in 1 : vector<1x2xf32>, vector<1x126xf32> -> vector<1x128xf32>
    %add3A_1048 = arith.addf %add3A_1043, %concatenate3A_1047 : vector<1x128xf32>
    %broadcast_in_dim3A_1049 = arith.constant 0.000000e+00 : f32
    %broadcast_in_dim3A_1050 = vector.broadcast %broadcast_in_dim3A_1049 : f32 to vector<1x4xf32>
    %slice3A_1051 = vector.extract_strided_slice %add3A_1048 {offsets = [0, 0], sizes = [1, 124], strides = [1, 1]} : vector<1x128xf32> to vector<1x124xf32>
    %concatenate3A_1052 = tpu.concatenate %broadcast_in_dim3A_1050, %slice3A_1051 in 1 : vector<1x4xf32>, vector<1x124xf32> -> vector<1x128xf32>
    %add3A_1053 = arith.addf %add3A_1048, %concatenate3A_1052 : vector<1x128xf32>
    %broadcast_in_dim3A_1054 = arith.constant 0.000000e+00 : f32
    %broadcast_in_dim3A_1055 = vector.broadcast %broadcast_in_dim3A_1054 : f32 to vector<1x8xf32>
    %slice3A_1056 = vector.extract_strided_slice %add3A_1053 {offsets = [0, 0], sizes = [1, 120], strides = [1, 1]} : vector<1x128xf32> to vector<1x120xf32>
    %concatenate3A_1057 = tpu.concatenate %broadcast_in_dim3A_1055, %slice3A_1056 in 1 : vector<1x8xf32>, vector<1x120xf32> -> vector<1x128xf32>
    %add3A_1058 = arith.addf %add3A_1053, %concatenate3A_1057 : vector<1x128xf32>
    %broadcast_in_dim3A_1059 = arith.constant 0.000000e+00 : f32
    %broadcast_in_dim3A_1060 = vector.broadcast %broadcast_in_dim3A_1059 : f32 to vector<1x16xf32>
    %slice3A_1061 = vector.extract_strided_slice %add3A_1058 {offsets = [0, 0], sizes = [1, 112], strides = [1, 1]} : vector<1x128xf32> to vector<1x112xf32>
    %concatenate3A_1062 = tpu.concatenate %broadcast_in_dim3A_1060, %slice3A_1061 in 1 : vector<1x16xf32>, vector<1x112xf32> -> vector<1x128xf32>
    %add3A_1063 = arith.addf %add3A_1058, %concatenate3A_1062 : vector<1x128xf32>
    %broadcast_in_dim3A_1064 = arith.constant 0.000000e+00 : f32
    %broadcast_in_dim3A_1065 = vector.broadcast %broadcast_in_dim3A_1064 : f32 to vector<1x32xf32>
    %slice3A_1066 = vector.extract_strided_slice %add3A_1063 {offsets = [0, 0], sizes = [1, 96], strides = [1, 1]} : vector<1x128xf32> to vector<1x96xf32>
    %concatenate3A_1067 = tpu.concatenate %broadcast_in_dim3A_1065, %slice3A_1066 in 1 : vector<1x32xf32>, vector<1x96xf32> -> vector<1x128xf32>
    %add3A_1068 = arith.addf %add3A_1063, %concatenate3A_1067 : vector<1x128xf32>
    %broadcast_in_dim3A_1069 = arith.constant 0.000000e+00 : f32
    %broadcast_in_dim3A_1070 = vector.broadcast %broadcast_in_dim3A_1069 : f32 to vector<1x64xf32>
    %slice3A_1071 = vector.extract_strided_slice %add3A_1068 {offsets = [0, 0], sizes = [1, 64], strides = [1, 1]} : vector<1x128xf32> to vector<1x64xf32>
    %concatenate3A_1072 = tpu.concatenate %broadcast_in_dim3A_1070, %slice3A_1071 in 1 : vector<1x64xf32>, vector<1x64xf32> -> vector<1x128xf32>
    %add3A_1073 = arith.addf %add3A_1068, %concatenate3A_1072 : vector<1x128xf32>
    %sub3A_1074 = arith.subf %add3A_1073, %broadcast_in_dim3A_1038 : vector<1x128xf32>
    %broadcast_in_dim3A_1075 = arith.constant 0.000000e+00 : f32
    %broadcast_in_dim3A_1076 = vector.broadcast %broadcast_in_dim3A_1075 : f32 to vector<1x128xf32>
    %slice3A_1077 = vector.extract_strided_slice %convert_element_type3A_1035 {offsets = [0, 0], sizes = [2047, 128], strides = [1, 1]} : vector<2048x128xf32> to vector<2047x128xf32>
    %concatenate3A_1078 = tpu.concatenate %broadcast_in_dim3A_1076, %slice3A_1077 in 0 : vector<1x128xf32>, vector<2047x128xf32> -> vector<2048x128xf32>
    %add3A_1079 = arith.addf %convert_element_type3A_1035, %concatenate3A_1078 : vector<2048x128xf32>
    %broadcast_in_dim3A_1080 = arith.constant 0.000000e+00 : f32
    %broadcast_in_dim3A_1081 = vector.broadcast %broadcast_in_dim3A_1080 : f32 to vector<2x128xf32>
    %slice3A_1082 = vector.extract_strided_slice %add3A_1079 {offsets = [0, 0], sizes = [2046, 128], strides = [1, 1]} : vector<2048x128xf32> to vector<2046x128xf32>
    %concatenate3A_1083 = tpu.concatenate %broadcast_in_dim3A_1081, %slice3A_1082 in 0 : vector<2x128xf32>, vector<2046x128xf32> -> vector<2048x128xf32>
    %add3A_1084 = arith.addf %add3A_1079, %concatenate3A_1083 : vector<2048x128xf32>
    %broadcast_in_dim3A_1085 = arith.constant 0.000000e+00 : f32
    %broadcast_in_dim3A_1086 = vector.broadcast %broadcast_in_dim3A_1085 : f32 to vector<4x128xf32>
    %slice3A_1087 = vector.extract_strided_slice %add3A_1084 {offsets = [0, 0], sizes = [2044, 128], strides = [1, 1]} : vector<2048x128xf32> to vector<2044x128xf32>
    %concatenate3A_1088 = tpu.concatenate %broadcast_in_dim3A_1086, %slice3A_1087 in 0 : vector<4x128xf32>, vector<2044x128xf32> -> vector<2048x128xf32>
    %add3A_1089 = arith.addf %add3A_1084, %concatenate3A_1088 : vector<2048x128xf32>
    %broadcast_in_dim3A_1090 = arith.constant 0.000000e+00 : f32
    %broadcast_in_dim3A_1091 = vector.broadcast %broadcast_in_dim3A_1090 : f32 to vector<8x128xf32>
    %slice3A_1092 = vector.extract_strided_slice %add3A_1089 {offsets = [0, 0], sizes = [2040, 128], strides = [1, 1]} : vector<2048x128xf32> to vector<2040x128xf32>
    %concatenate3A_1093 = tpu.concatenate %broadcast_in_dim3A_1091, %slice3A_1092 in 0 : vector<8x128xf32>, vector<2040x128xf32> -> vector<2048x128xf32>
    %add3A_1094 = arith.addf %add3A_1089, %concatenate3A_1093 : vector<2048x128xf32>
    %broadcast_in_dim3A_1095 = arith.constant 0.000000e+00 : f32
    %broadcast_in_dim3A_1096 = vector.broadcast %broadcast_in_dim3A_1095 : f32 to vector<16x128xf32>
    %slice3A_1097 = vector.extract_strided_slice %add3A_1094 {offsets = [0, 0], sizes = [2032, 128], strides = [1, 1]} : vector<2048x128xf32> to vector<2032x128xf32>
    %concatenate3A_1098 = tpu.concatenate %broadcast_in_dim3A_1096, %slice3A_1097 in 0 : vector<16x128xf32>, vector<2032x128xf32> -> vector<2048x128xf32>
    %add3A_1099 = arith.addf %add3A_1094, %concatenate3A_1098 : vector<2048x128xf32>
    %broadcast_in_dim3A_1100 = arith.constant 0.000000e+00 : f32
    %broadcast_in_dim3A_1101 = vector.broadcast %broadcast_in_dim3A_1100 : f32 to vector<32x128xf32>
    %slice3A_1102 = vector.extract_strided_slice %add3A_1099 {offsets = [0, 0], sizes = [2016, 128], strides = [1, 1]} : vector<2048x128xf32> to vector<2016x128xf32>
    %concatenate3A_1103 = tpu.concatenate %broadcast_in_dim3A_1101, %slice3A_1102 in 0 : vector<32x128xf32>, vector<2016x128xf32> -> vector<2048x128xf32>
    %add3A_1104 = arith.addf %add3A_1099, %concatenate3A_1103 : vector<2048x128xf32>
    %broadcast_in_dim3A_1105 = arith.constant 0.000000e+00 : f32
    %broadcast_in_dim3A_1106 = vector.broadcast %broadcast_in_dim3A_1105 : f32 to vector<64x128xf32>
    %slice3A_1107 = vector.extract_strided_slice %add3A_1104 {offsets = [0, 0], sizes = [1984, 128], strides = [1, 1]} : vector<2048x128xf32> to vector<1984x128xf32>
    %concatenate3A_1108 = tpu.concatenate %broadcast_in_dim3A_1106, %slice3A_1107 in 0 : vector<64x128xf32>, vector<1984x128xf32> -> vector<2048x128xf32>
    %add3A_1109 = arith.addf %add3A_1104, %concatenate3A_1108 : vector<2048x128xf32>
    %broadcast_in_dim3A_1110 = arith.constant 0.000000e+00 : f32
    %broadcast_in_dim3A_1111 = vector.broadcast %broadcast_in_dim3A_1110 : f32 to vector<128x128xf32>
    %slice3A_1112 = vector.extract_strided_slice %add3A_1109 {offsets = [0, 0], sizes = [1920, 128], strides = [1, 1]} : vector<2048x128xf32> to vector<1920x128xf32>
    %concatenate3A_1113 = tpu.concatenate %broadcast_in_dim3A_1111, %slice3A_1112 in 0 : vector<128x128xf32>, vector<1920x128xf32> -> vector<2048x128xf32>
    %add3A_1114 = arith.addf %add3A_1109, %concatenate3A_1113 : vector<2048x128xf32>
    %broadcast_in_dim3A_1115 = arith.constant 0.000000e+00 : f32
    %broadcast_in_dim3A_1116 = vector.broadcast %broadcast_in_dim3A_1115 : f32 to vector<256x128xf32>
    %slice3A_1117 = vector.extract_strided_slice %add3A_1114 {offsets = [0, 0], sizes = [1792, 128], strides = [1, 1]} : vector<2048x128xf32> to vector<1792x128xf32>
    %concatenate3A_1118 = tpu.concatenate %broadcast_in_dim3A_1116, %slice3A_1117 in 0 : vector<256x128xf32>, vector<1792x128xf32> -> vector<2048x128xf32>
    %add3A_1119 = arith.addf %add3A_1114, %concatenate3A_1118 : vector<2048x128xf32>
    %broadcast_in_dim3A_1120 = arith.constant 0.000000e+00 : f32
    %broadcast_in_dim3A_1121 = vector.broadcast %broadcast_in_dim3A_1120 : f32 to vector<512x128xf32>
    %slice3A_1122 = vector.extract_strided_slice %add3A_1119 {offsets = [0, 0], sizes = [1536, 128], strides = [1, 1]} : vector<2048x128xf32> to vector<1536x128xf32>
    %concatenate3A_1123 = tpu.concatenate %broadcast_in_dim3A_1121, %slice3A_1122 in 0 : vector<512x128xf32>, vector<1536x128xf32> -> vector<2048x128xf32>
    %add3A_1124 = arith.addf %add3A_1119, %concatenate3A_1123 : vector<2048x128xf32>
    %broadcast_in_dim3A_1125 = arith.constant 0.000000e+00 : f32
    %broadcast_in_dim3A_1126 = vector.broadcast %broadcast_in_dim3A_1125 : f32 to vector<1024x128xf32>
    %slice3A_1127 = vector.extract_strided_slice %add3A_1124 {offsets = [0, 0], sizes = [1024, 128], strides = [1, 1]} : vector<2048x128xf32> to vector<1024x128xf32>
    %concatenate3A_1128 = tpu.concatenate %broadcast_in_dim3A_1126, %slice3A_1127 in 0 : vector<1024x128xf32>, vector<1024x128xf32> -> vector<2048x128xf32>
    %add3A_1129 = arith.addf %add3A_1124, %concatenate3A_1128 : vector<2048x128xf32>
    %add3A_1130 = vector.broadcast %sub3A_1074 : vector<1x128xf32> to vector<2048x128xf32>
    %add3A_1131 = arith.addf %add3A_1130, %add3A_1129 : vector<2048x128xf32>
    %sub3A_1132 = arith.constant 1.000000e+00 : f32
    %sub3A_1133 = vector.broadcast %sub3A_1132 : f32 to vector<2048x128xf32>
    %sub3A_1134 = arith.subf %add3A_1131, %sub3A_1133 : vector<2048x128xf32>
    %mul3A_1135 = arith.mulf %sub3A_1134, %convert_element_type3A_1035 : vector<2048x128xf32>
    %reduce_sum3A_1136 = arith.constant dense<0.000000e+00> : vector<2048xf32>
    %reduce_sum3A_1137 = vector.multi_reduction <add>, %mul3A_1135, %reduce_sum3A_1136 [1] : vector<2048x128xf32> to vector<2048xf32>
    %broadcast_in_dim3A_1138 = vector.shape_cast %reduce_sum3A_1137 : vector<2048xf32> to vector<2048x1xf32>
    %le3A_1139 = vector.broadcast %add3A_1073 : vector<1x128xf32> to vector<2048x128xf32>
    %le3A_1140 = vector.broadcast %convert_element_type3A_2 : vector<2048x1xf32> to vector<2048x128xf32>
    %le3A_1141 = arith.cmpf ole, %le3A_1139, %le3A_1140 : vector<2048x128xf32>
    %convert_element_type3A_1142 = arith.extui %le3A_1141 : vector<2048x128xi1> to vector<2048x128xi32>
    %convert_element_type3A_1143 = arith.sitofp %convert_element_type3A_1142 : vector<2048x128xi32> to vector<2048x128xf32>
    %dot_general3A_1144 = arith.constant dense<0.000000e+00> : vector<2048x1xf32>
    %dot_general3A_1145 = tpu.matmul %convert_element_type3A_1143, %broadcast_in_dim3A_0, %dot_general3A_1144 {dimension_numbers = #tpu.dot_dimension_numbers<[1], [0], [0], [1], [0, 0, 1, 1], [], []>, transpose_lhs_hint = false} : vector<2048x128xf32>, vector<128x1xf32>, vector<2048x1xf32> -> vector<2048x1xf32>
    %transpose3A_1146 = tpu.transpose %dot_general3A_1145, [1, 0] : vector<2048x1xf32> -> vector<1x2048xf32>
    %eq3A_1147 = arith.cmpf oeq, %transpose3A_1146, %get3A_1030 : vector<1x2048xf32>
    %convert_element_type3A_1148 = arith.extui %eq3A_1147 : vector<1x2048xi1> to vector<1x2048xi32>
    %convert_element_type3A_1149 = arith.sitofp %convert_element_type3A_1148 : vector<1x2048xi32> to vector<1x2048xf32>
    %add3A_1150 = arith.constant 1.638400e+04 : f32
    %add3A_1151 = vector.broadcast %add3A_1150 : f32 to vector<2048x1xf32>
    %add3A_1152 = arith.addf %broadcast_in_dim3A_1138, %add3A_1151 : vector<2048x1xf32>
    %get3A_1153 = arith.constant 9 : index
    %get3A_1154 = arith.constant 0 : index
    %get3A_1155 = vector.load %arg0[%get3A_1153, %get3A_1154] : memref<12x2048xf32, #tpu.memory_space<vmem>>, vector<1x2048xf32>
    %transpose3A_1156 = tpu.transpose %get3A_1155, [1, 0] : vector<1x2048xf32> -> vector<2048x1xf32>
    %get3A_1157 = arith.constant 9 : index
    %get3A_1158 = arith.constant 0 : index
    %get3A_1159 = vector.load %arg1[%get3A_1157, %get3A_1158] : memref<12x2048xf32, #tpu.memory_space<vmem>>, vector<1x2048xf32>
    %eq3A_1160 = vector.broadcast %transpose3A_1156 : vector<2048x1xf32> to vector<2048x128xf32>
    %eq3A_1161 = vector.broadcast %convert_element_type3A : vector<1x128xf32> to vector<2048x128xf32>
    %eq3A_1162 = arith.cmpf oeq, %eq3A_1160, %eq3A_1161 : vector<2048x128xf32>
    %convert_element_type3A_1163 = arith.extui %eq3A_1162 : vector<2048x128xi1> to vector<2048x128xi32>
    %convert_element_type3A_1164 = arith.sitofp %convert_element_type3A_1163 : vector<2048x128xi32> to vector<2048x128xf32>
    %reduce_sum3A_1165 = arith.constant dense<0.000000e+00> : vector<128xf32>
    %reduce_sum3A_1166 = vector.multi_reduction <add>, %convert_element_type3A_1164, %reduce_sum3A_1165 [0] : vector<2048x128xf32> to vector<128xf32>
    %broadcast_in_dim3A_1167 = vector.shape_cast %reduce_sum3A_1166 : vector<128xf32> to vector<1x128xf32>
    %broadcast_in_dim3A_1168 = arith.constant 0.000000e+00 : f32
    %broadcast_in_dim3A_1169 = vector.broadcast %broadcast_in_dim3A_1168 : f32 to vector<1x1xf32>
    %slice3A_1170 = vector.extract_strided_slice %broadcast_in_dim3A_1167 {offsets = [0, 0], sizes = [1, 127], strides = [1, 1]} : vector<1x128xf32> to vector<1x127xf32>
    %concatenate3A_1171 = tpu.concatenate %broadcast_in_dim3A_1169, %slice3A_1170 in 1 : vector<1x1xf32>, vector<1x127xf32> -> vector<1x128xf32>
    %add3A_1172 = arith.addf %broadcast_in_dim3A_1167, %concatenate3A_1171 : vector<1x128xf32>
    %broadcast_in_dim3A_1173 = arith.constant 0.000000e+00 : f32
    %broadcast_in_dim3A_1174 = vector.broadcast %broadcast_in_dim3A_1173 : f32 to vector<1x2xf32>
    %slice3A_1175 = vector.extract_strided_slice %add3A_1172 {offsets = [0, 0], sizes = [1, 126], strides = [1, 1]} : vector<1x128xf32> to vector<1x126xf32>
    %concatenate3A_1176 = tpu.concatenate %broadcast_in_dim3A_1174, %slice3A_1175 in 1 : vector<1x2xf32>, vector<1x126xf32> -> vector<1x128xf32>
    %add3A_1177 = arith.addf %add3A_1172, %concatenate3A_1176 : vector<1x128xf32>
    %broadcast_in_dim3A_1178 = arith.constant 0.000000e+00 : f32
    %broadcast_in_dim3A_1179 = vector.broadcast %broadcast_in_dim3A_1178 : f32 to vector<1x4xf32>
    %slice3A_1180 = vector.extract_strided_slice %add3A_1177 {offsets = [0, 0], sizes = [1, 124], strides = [1, 1]} : vector<1x128xf32> to vector<1x124xf32>
    %concatenate3A_1181 = tpu.concatenate %broadcast_in_dim3A_1179, %slice3A_1180 in 1 : vector<1x4xf32>, vector<1x124xf32> -> vector<1x128xf32>
    %add3A_1182 = arith.addf %add3A_1177, %concatenate3A_1181 : vector<1x128xf32>
    %broadcast_in_dim3A_1183 = arith.constant 0.000000e+00 : f32
    %broadcast_in_dim3A_1184 = vector.broadcast %broadcast_in_dim3A_1183 : f32 to vector<1x8xf32>
    %slice3A_1185 = vector.extract_strided_slice %add3A_1182 {offsets = [0, 0], sizes = [1, 120], strides = [1, 1]} : vector<1x128xf32> to vector<1x120xf32>
    %concatenate3A_1186 = tpu.concatenate %broadcast_in_dim3A_1184, %slice3A_1185 in 1 : vector<1x8xf32>, vector<1x120xf32> -> vector<1x128xf32>
    %add3A_1187 = arith.addf %add3A_1182, %concatenate3A_1186 : vector<1x128xf32>
    %broadcast_in_dim3A_1188 = arith.constant 0.000000e+00 : f32
    %broadcast_in_dim3A_1189 = vector.broadcast %broadcast_in_dim3A_1188 : f32 to vector<1x16xf32>
    %slice3A_1190 = vector.extract_strided_slice %add3A_1187 {offsets = [0, 0], sizes = [1, 112], strides = [1, 1]} : vector<1x128xf32> to vector<1x112xf32>
    %concatenate3A_1191 = tpu.concatenate %broadcast_in_dim3A_1189, %slice3A_1190 in 1 : vector<1x16xf32>, vector<1x112xf32> -> vector<1x128xf32>
    %add3A_1192 = arith.addf %add3A_1187, %concatenate3A_1191 : vector<1x128xf32>
    %broadcast_in_dim3A_1193 = arith.constant 0.000000e+00 : f32
    %broadcast_in_dim3A_1194 = vector.broadcast %broadcast_in_dim3A_1193 : f32 to vector<1x32xf32>
    %slice3A_1195 = vector.extract_strided_slice %add3A_1192 {offsets = [0, 0], sizes = [1, 96], strides = [1, 1]} : vector<1x128xf32> to vector<1x96xf32>
    %concatenate3A_1196 = tpu.concatenate %broadcast_in_dim3A_1194, %slice3A_1195 in 1 : vector<1x32xf32>, vector<1x96xf32> -> vector<1x128xf32>
    %add3A_1197 = arith.addf %add3A_1192, %concatenate3A_1196 : vector<1x128xf32>
    %broadcast_in_dim3A_1198 = arith.constant 0.000000e+00 : f32
    %broadcast_in_dim3A_1199 = vector.broadcast %broadcast_in_dim3A_1198 : f32 to vector<1x64xf32>
    %slice3A_1200 = vector.extract_strided_slice %add3A_1197 {offsets = [0, 0], sizes = [1, 64], strides = [1, 1]} : vector<1x128xf32> to vector<1x64xf32>
    %concatenate3A_1201 = tpu.concatenate %broadcast_in_dim3A_1199, %slice3A_1200 in 1 : vector<1x64xf32>, vector<1x64xf32> -> vector<1x128xf32>
    %add3A_1202 = arith.addf %add3A_1197, %concatenate3A_1201 : vector<1x128xf32>
    %sub3A_1203 = arith.subf %add3A_1202, %broadcast_in_dim3A_1167 : vector<1x128xf32>
    %broadcast_in_dim3A_1204 = arith.constant 0.000000e+00 : f32
    %broadcast_in_dim3A_1205 = vector.broadcast %broadcast_in_dim3A_1204 : f32 to vector<1x128xf32>
    %slice3A_1206 = vector.extract_strided_slice %convert_element_type3A_1164 {offsets = [0, 0], sizes = [2047, 128], strides = [1, 1]} : vector<2048x128xf32> to vector<2047x128xf32>
    %concatenate3A_1207 = tpu.concatenate %broadcast_in_dim3A_1205, %slice3A_1206 in 0 : vector<1x128xf32>, vector<2047x128xf32> -> vector<2048x128xf32>
    %add3A_1208 = arith.addf %convert_element_type3A_1164, %concatenate3A_1207 : vector<2048x128xf32>
    %broadcast_in_dim3A_1209 = arith.constant 0.000000e+00 : f32
    %broadcast_in_dim3A_1210 = vector.broadcast %broadcast_in_dim3A_1209 : f32 to vector<2x128xf32>
    %slice3A_1211 = vector.extract_strided_slice %add3A_1208 {offsets = [0, 0], sizes = [2046, 128], strides = [1, 1]} : vector<2048x128xf32> to vector<2046x128xf32>
    %concatenate3A_1212 = tpu.concatenate %broadcast_in_dim3A_1210, %slice3A_1211 in 0 : vector<2x128xf32>, vector<2046x128xf32> -> vector<2048x128xf32>
    %add3A_1213 = arith.addf %add3A_1208, %concatenate3A_1212 : vector<2048x128xf32>
    %broadcast_in_dim3A_1214 = arith.constant 0.000000e+00 : f32
    %broadcast_in_dim3A_1215 = vector.broadcast %broadcast_in_dim3A_1214 : f32 to vector<4x128xf32>
    %slice3A_1216 = vector.extract_strided_slice %add3A_1213 {offsets = [0, 0], sizes = [2044, 128], strides = [1, 1]} : vector<2048x128xf32> to vector<2044x128xf32>
    %concatenate3A_1217 = tpu.concatenate %broadcast_in_dim3A_1215, %slice3A_1216 in 0 : vector<4x128xf32>, vector<2044x128xf32> -> vector<2048x128xf32>
    %add3A_1218 = arith.addf %add3A_1213, %concatenate3A_1217 : vector<2048x128xf32>
    %broadcast_in_dim3A_1219 = arith.constant 0.000000e+00 : f32
    %broadcast_in_dim3A_1220 = vector.broadcast %broadcast_in_dim3A_1219 : f32 to vector<8x128xf32>
    %slice3A_1221 = vector.extract_strided_slice %add3A_1218 {offsets = [0, 0], sizes = [2040, 128], strides = [1, 1]} : vector<2048x128xf32> to vector<2040x128xf32>
    %concatenate3A_1222 = tpu.concatenate %broadcast_in_dim3A_1220, %slice3A_1221 in 0 : vector<8x128xf32>, vector<2040x128xf32> -> vector<2048x128xf32>
    %add3A_1223 = arith.addf %add3A_1218, %concatenate3A_1222 : vector<2048x128xf32>
    %broadcast_in_dim3A_1224 = arith.constant 0.000000e+00 : f32
    %broadcast_in_dim3A_1225 = vector.broadcast %broadcast_in_dim3A_1224 : f32 to vector<16x128xf32>
    %slice3A_1226 = vector.extract_strided_slice %add3A_1223 {offsets = [0, 0], sizes = [2032, 128], strides = [1, 1]} : vector<2048x128xf32> to vector<2032x128xf32>
    %concatenate3A_1227 = tpu.concatenate %broadcast_in_dim3A_1225, %slice3A_1226 in 0 : vector<16x128xf32>, vector<2032x128xf32> -> vector<2048x128xf32>
    %add3A_1228 = arith.addf %add3A_1223, %concatenate3A_1227 : vector<2048x128xf32>
    %broadcast_in_dim3A_1229 = arith.constant 0.000000e+00 : f32
    %broadcast_in_dim3A_1230 = vector.broadcast %broadcast_in_dim3A_1229 : f32 to vector<32x128xf32>
    %slice3A_1231 = vector.extract_strided_slice %add3A_1228 {offsets = [0, 0], sizes = [2016, 128], strides = [1, 1]} : vector<2048x128xf32> to vector<2016x128xf32>
    %concatenate3A_1232 = tpu.concatenate %broadcast_in_dim3A_1230, %slice3A_1231 in 0 : vector<32x128xf32>, vector<2016x128xf32> -> vector<2048x128xf32>
    %add3A_1233 = arith.addf %add3A_1228, %concatenate3A_1232 : vector<2048x128xf32>
    %broadcast_in_dim3A_1234 = arith.constant 0.000000e+00 : f32
    %broadcast_in_dim3A_1235 = vector.broadcast %broadcast_in_dim3A_1234 : f32 to vector<64x128xf32>
    %slice3A_1236 = vector.extract_strided_slice %add3A_1233 {offsets = [0, 0], sizes = [1984, 128], strides = [1, 1]} : vector<2048x128xf32> to vector<1984x128xf32>
    %concatenate3A_1237 = tpu.concatenate %broadcast_in_dim3A_1235, %slice3A_1236 in 0 : vector<64x128xf32>, vector<1984x128xf32> -> vector<2048x128xf32>
    %add3A_1238 = arith.addf %add3A_1233, %concatenate3A_1237 : vector<2048x128xf32>
    %broadcast_in_dim3A_1239 = arith.constant 0.000000e+00 : f32
    %broadcast_in_dim3A_1240 = vector.broadcast %broadcast_in_dim3A_1239 : f32 to vector<128x128xf32>
    %slice3A_1241 = vector.extract_strided_slice %add3A_1238 {offsets = [0, 0], sizes = [1920, 128], strides = [1, 1]} : vector<2048x128xf32> to vector<1920x128xf32>
    %concatenate3A_1242 = tpu.concatenate %broadcast_in_dim3A_1240, %slice3A_1241 in 0 : vector<128x128xf32>, vector<1920x128xf32> -> vector<2048x128xf32>
    %add3A_1243 = arith.addf %add3A_1238, %concatenate3A_1242 : vector<2048x128xf32>
    %broadcast_in_dim3A_1244 = arith.constant 0.000000e+00 : f32
    %broadcast_in_dim3A_1245 = vector.broadcast %broadcast_in_dim3A_1244 : f32 to vector<256x128xf32>
    %slice3A_1246 = vector.extract_strided_slice %add3A_1243 {offsets = [0, 0], sizes = [1792, 128], strides = [1, 1]} : vector<2048x128xf32> to vector<1792x128xf32>
    %concatenate3A_1247 = tpu.concatenate %broadcast_in_dim3A_1245, %slice3A_1246 in 0 : vector<256x128xf32>, vector<1792x128xf32> -> vector<2048x128xf32>
    %add3A_1248 = arith.addf %add3A_1243, %concatenate3A_1247 : vector<2048x128xf32>
    %broadcast_in_dim3A_1249 = arith.constant 0.000000e+00 : f32
    %broadcast_in_dim3A_1250 = vector.broadcast %broadcast_in_dim3A_1249 : f32 to vector<512x128xf32>
    %slice3A_1251 = vector.extract_strided_slice %add3A_1248 {offsets = [0, 0], sizes = [1536, 128], strides = [1, 1]} : vector<2048x128xf32> to vector<1536x128xf32>
    %concatenate3A_1252 = tpu.concatenate %broadcast_in_dim3A_1250, %slice3A_1251 in 0 : vector<512x128xf32>, vector<1536x128xf32> -> vector<2048x128xf32>
    %add3A_1253 = arith.addf %add3A_1248, %concatenate3A_1252 : vector<2048x128xf32>
    %broadcast_in_dim3A_1254 = arith.constant 0.000000e+00 : f32
    %broadcast_in_dim3A_1255 = vector.broadcast %broadcast_in_dim3A_1254 : f32 to vector<1024x128xf32>
    %slice3A_1256 = vector.extract_strided_slice %add3A_1253 {offsets = [0, 0], sizes = [1024, 128], strides = [1, 1]} : vector<2048x128xf32> to vector<1024x128xf32>
    %concatenate3A_1257 = tpu.concatenate %broadcast_in_dim3A_1255, %slice3A_1256 in 0 : vector<1024x128xf32>, vector<1024x128xf32> -> vector<2048x128xf32>
    %add3A_1258 = arith.addf %add3A_1253, %concatenate3A_1257 : vector<2048x128xf32>
    %add3A_1259 = vector.broadcast %sub3A_1203 : vector<1x128xf32> to vector<2048x128xf32>
    %add3A_1260 = arith.addf %add3A_1259, %add3A_1258 : vector<2048x128xf32>
    %sub3A_1261 = arith.constant 1.000000e+00 : f32
    %sub3A_1262 = vector.broadcast %sub3A_1261 : f32 to vector<2048x128xf32>
    %sub3A_1263 = arith.subf %add3A_1260, %sub3A_1262 : vector<2048x128xf32>
    %mul3A_1264 = arith.mulf %sub3A_1263, %convert_element_type3A_1164 : vector<2048x128xf32>
    %reduce_sum3A_1265 = arith.constant dense<0.000000e+00> : vector<2048xf32>
    %reduce_sum3A_1266 = vector.multi_reduction <add>, %mul3A_1264, %reduce_sum3A_1265 [1] : vector<2048x128xf32> to vector<2048xf32>
    %broadcast_in_dim3A_1267 = vector.shape_cast %reduce_sum3A_1266 : vector<2048xf32> to vector<2048x1xf32>
    %le3A_1268 = vector.broadcast %add3A_1202 : vector<1x128xf32> to vector<2048x128xf32>
    %le3A_1269 = vector.broadcast %convert_element_type3A_2 : vector<2048x1xf32> to vector<2048x128xf32>
    %le3A_1270 = arith.cmpf ole, %le3A_1268, %le3A_1269 : vector<2048x128xf32>
    %convert_element_type3A_1271 = arith.extui %le3A_1270 : vector<2048x128xi1> to vector<2048x128xi32>
    %convert_element_type3A_1272 = arith.sitofp %convert_element_type3A_1271 : vector<2048x128xi32> to vector<2048x128xf32>
    %dot_general3A_1273 = arith.constant dense<0.000000e+00> : vector<2048x1xf32>
    %dot_general3A_1274 = tpu.matmul %convert_element_type3A_1272, %broadcast_in_dim3A_0, %dot_general3A_1273 {dimension_numbers = #tpu.dot_dimension_numbers<[1], [0], [0], [1], [0, 0, 1, 1], [], []>, transpose_lhs_hint = false} : vector<2048x128xf32>, vector<128x1xf32>, vector<2048x1xf32> -> vector<2048x1xf32>
    %transpose3A_1275 = tpu.transpose %dot_general3A_1274, [1, 0] : vector<2048x1xf32> -> vector<1x2048xf32>
    %eq3A_1276 = arith.cmpf oeq, %transpose3A_1275, %get3A_1159 : vector<1x2048xf32>
    %convert_element_type3A_1277 = arith.extui %eq3A_1276 : vector<1x2048xi1> to vector<1x2048xi32>
    %convert_element_type3A_1278 = arith.sitofp %convert_element_type3A_1277 : vector<1x2048xi32> to vector<1x2048xf32>
    %add3A_1279 = arith.constant 1.843200e+04 : f32
    %add3A_1280 = vector.broadcast %add3A_1279 : f32 to vector<2048x1xf32>
    %add3A_1281 = arith.addf %broadcast_in_dim3A_1267, %add3A_1280 : vector<2048x1xf32>
    %get3A_1282 = arith.constant 10 : index
    %get3A_1283 = arith.constant 0 : index
    %get3A_1284 = vector.load %arg0[%get3A_1282, %get3A_1283] : memref<12x2048xf32, #tpu.memory_space<vmem>>, vector<1x2048xf32>
    %transpose3A_1285 = tpu.transpose %get3A_1284, [1, 0] : vector<1x2048xf32> -> vector<2048x1xf32>
    %get3A_1286 = arith.constant 10 : index
    %get3A_1287 = arith.constant 0 : index
    %get3A_1288 = vector.load %arg1[%get3A_1286, %get3A_1287] : memref<12x2048xf32, #tpu.memory_space<vmem>>, vector<1x2048xf32>
    %eq3A_1289 = vector.broadcast %transpose3A_1285 : vector<2048x1xf32> to vector<2048x128xf32>
    %eq3A_1290 = vector.broadcast %convert_element_type3A : vector<1x128xf32> to vector<2048x128xf32>
    %eq3A_1291 = arith.cmpf oeq, %eq3A_1289, %eq3A_1290 : vector<2048x128xf32>
    %convert_element_type3A_1292 = arith.extui %eq3A_1291 : vector<2048x128xi1> to vector<2048x128xi32>
    %convert_element_type3A_1293 = arith.sitofp %convert_element_type3A_1292 : vector<2048x128xi32> to vector<2048x128xf32>
    %reduce_sum3A_1294 = arith.constant dense<0.000000e+00> : vector<128xf32>
    %reduce_sum3A_1295 = vector.multi_reduction <add>, %convert_element_type3A_1293, %reduce_sum3A_1294 [0] : vector<2048x128xf32> to vector<128xf32>
    %broadcast_in_dim3A_1296 = vector.shape_cast %reduce_sum3A_1295 : vector<128xf32> to vector<1x128xf32>
    %broadcast_in_dim3A_1297 = arith.constant 0.000000e+00 : f32
    %broadcast_in_dim3A_1298 = vector.broadcast %broadcast_in_dim3A_1297 : f32 to vector<1x1xf32>
    %slice3A_1299 = vector.extract_strided_slice %broadcast_in_dim3A_1296 {offsets = [0, 0], sizes = [1, 127], strides = [1, 1]} : vector<1x128xf32> to vector<1x127xf32>
    %concatenate3A_1300 = tpu.concatenate %broadcast_in_dim3A_1298, %slice3A_1299 in 1 : vector<1x1xf32>, vector<1x127xf32> -> vector<1x128xf32>
    %add3A_1301 = arith.addf %broadcast_in_dim3A_1296, %concatenate3A_1300 : vector<1x128xf32>
    %broadcast_in_dim3A_1302 = arith.constant 0.000000e+00 : f32
    %broadcast_in_dim3A_1303 = vector.broadcast %broadcast_in_dim3A_1302 : f32 to vector<1x2xf32>
    %slice3A_1304 = vector.extract_strided_slice %add3A_1301 {offsets = [0, 0], sizes = [1, 126], strides = [1, 1]} : vector<1x128xf32> to vector<1x126xf32>
    %concatenate3A_1305 = tpu.concatenate %broadcast_in_dim3A_1303, %slice3A_1304 in 1 : vector<1x2xf32>, vector<1x126xf32> -> vector<1x128xf32>
    %add3A_1306 = arith.addf %add3A_1301, %concatenate3A_1305 : vector<1x128xf32>
    %broadcast_in_dim3A_1307 = arith.constant 0.000000e+00 : f32
    %broadcast_in_dim3A_1308 = vector.broadcast %broadcast_in_dim3A_1307 : f32 to vector<1x4xf32>
    %slice3A_1309 = vector.extract_strided_slice %add3A_1306 {offsets = [0, 0], sizes = [1, 124], strides = [1, 1]} : vector<1x128xf32> to vector<1x124xf32>
    %concatenate3A_1310 = tpu.concatenate %broadcast_in_dim3A_1308, %slice3A_1309 in 1 : vector<1x4xf32>, vector<1x124xf32> -> vector<1x128xf32>
    %add3A_1311 = arith.addf %add3A_1306, %concatenate3A_1310 : vector<1x128xf32>
    %broadcast_in_dim3A_1312 = arith.constant 0.000000e+00 : f32
    %broadcast_in_dim3A_1313 = vector.broadcast %broadcast_in_dim3A_1312 : f32 to vector<1x8xf32>
    %slice3A_1314 = vector.extract_strided_slice %add3A_1311 {offsets = [0, 0], sizes = [1, 120], strides = [1, 1]} : vector<1x128xf32> to vector<1x120xf32>
    %concatenate3A_1315 = tpu.concatenate %broadcast_in_dim3A_1313, %slice3A_1314 in 1 : vector<1x8xf32>, vector<1x120xf32> -> vector<1x128xf32>
    %add3A_1316 = arith.addf %add3A_1311, %concatenate3A_1315 : vector<1x128xf32>
    %broadcast_in_dim3A_1317 = arith.constant 0.000000e+00 : f32
    %broadcast_in_dim3A_1318 = vector.broadcast %broadcast_in_dim3A_1317 : f32 to vector<1x16xf32>
    %slice3A_1319 = vector.extract_strided_slice %add3A_1316 {offsets = [0, 0], sizes = [1, 112], strides = [1, 1]} : vector<1x128xf32> to vector<1x112xf32>
    %concatenate3A_1320 = tpu.concatenate %broadcast_in_dim3A_1318, %slice3A_1319 in 1 : vector<1x16xf32>, vector<1x112xf32> -> vector<1x128xf32>
    %add3A_1321 = arith.addf %add3A_1316, %concatenate3A_1320 : vector<1x128xf32>
    %broadcast_in_dim3A_1322 = arith.constant 0.000000e+00 : f32
    %broadcast_in_dim3A_1323 = vector.broadcast %broadcast_in_dim3A_1322 : f32 to vector<1x32xf32>
    %slice3A_1324 = vector.extract_strided_slice %add3A_1321 {offsets = [0, 0], sizes = [1, 96], strides = [1, 1]} : vector<1x128xf32> to vector<1x96xf32>
    %concatenate3A_1325 = tpu.concatenate %broadcast_in_dim3A_1323, %slice3A_1324 in 1 : vector<1x32xf32>, vector<1x96xf32> -> vector<1x128xf32>
    %add3A_1326 = arith.addf %add3A_1321, %concatenate3A_1325 : vector<1x128xf32>
    %broadcast_in_dim3A_1327 = arith.constant 0.000000e+00 : f32
    %broadcast_in_dim3A_1328 = vector.broadcast %broadcast_in_dim3A_1327 : f32 to vector<1x64xf32>
    %slice3A_1329 = vector.extract_strided_slice %add3A_1326 {offsets = [0, 0], sizes = [1, 64], strides = [1, 1]} : vector<1x128xf32> to vector<1x64xf32>
    %concatenate3A_1330 = tpu.concatenate %broadcast_in_dim3A_1328, %slice3A_1329 in 1 : vector<1x64xf32>, vector<1x64xf32> -> vector<1x128xf32>
    %add3A_1331 = arith.addf %add3A_1326, %concatenate3A_1330 : vector<1x128xf32>
    %sub3A_1332 = arith.subf %add3A_1331, %broadcast_in_dim3A_1296 : vector<1x128xf32>
    %broadcast_in_dim3A_1333 = arith.constant 0.000000e+00 : f32
    %broadcast_in_dim3A_1334 = vector.broadcast %broadcast_in_dim3A_1333 : f32 to vector<1x128xf32>
    %slice3A_1335 = vector.extract_strided_slice %convert_element_type3A_1293 {offsets = [0, 0], sizes = [2047, 128], strides = [1, 1]} : vector<2048x128xf32> to vector<2047x128xf32>
    %concatenate3A_1336 = tpu.concatenate %broadcast_in_dim3A_1334, %slice3A_1335 in 0 : vector<1x128xf32>, vector<2047x128xf32> -> vector<2048x128xf32>
    %add3A_1337 = arith.addf %convert_element_type3A_1293, %concatenate3A_1336 : vector<2048x128xf32>
    %broadcast_in_dim3A_1338 = arith.constant 0.000000e+00 : f32
    %broadcast_in_dim3A_1339 = vector.broadcast %broadcast_in_dim3A_1338 : f32 to vector<2x128xf32>
    %slice3A_1340 = vector.extract_strided_slice %add3A_1337 {offsets = [0, 0], sizes = [2046, 128], strides = [1, 1]} : vector<2048x128xf32> to vector<2046x128xf32>
    %concatenate3A_1341 = tpu.concatenate %broadcast_in_dim3A_1339, %slice3A_1340 in 0 : vector<2x128xf32>, vector<2046x128xf32> -> vector<2048x128xf32>
    %add3A_1342 = arith.addf %add3A_1337, %concatenate3A_1341 : vector<2048x128xf32>
    %broadcast_in_dim3A_1343 = arith.constant 0.000000e+00 : f32
    %broadcast_in_dim3A_1344 = vector.broadcast %broadcast_in_dim3A_1343 : f32 to vector<4x128xf32>
    %slice3A_1345 = vector.extract_strided_slice %add3A_1342 {offsets = [0, 0], sizes = [2044, 128], strides = [1, 1]} : vector<2048x128xf32> to vector<2044x128xf32>
    %concatenate3A_1346 = tpu.concatenate %broadcast_in_dim3A_1344, %slice3A_1345 in 0 : vector<4x128xf32>, vector<2044x128xf32> -> vector<2048x128xf32>
    %add3A_1347 = arith.addf %add3A_1342, %concatenate3A_1346 : vector<2048x128xf32>
    %broadcast_in_dim3A_1348 = arith.constant 0.000000e+00 : f32
    %broadcast_in_dim3A_1349 = vector.broadcast %broadcast_in_dim3A_1348 : f32 to vector<8x128xf32>
    %slice3A_1350 = vector.extract_strided_slice %add3A_1347 {offsets = [0, 0], sizes = [2040, 128], strides = [1, 1]} : vector<2048x128xf32> to vector<2040x128xf32>
    %concatenate3A_1351 = tpu.concatenate %broadcast_in_dim3A_1349, %slice3A_1350 in 0 : vector<8x128xf32>, vector<2040x128xf32> -> vector<2048x128xf32>
    %add3A_1352 = arith.addf %add3A_1347, %concatenate3A_1351 : vector<2048x128xf32>
    %broadcast_in_dim3A_1353 = arith.constant 0.000000e+00 : f32
    %broadcast_in_dim3A_1354 = vector.broadcast %broadcast_in_dim3A_1353 : f32 to vector<16x128xf32>
    %slice3A_1355 = vector.extract_strided_slice %add3A_1352 {offsets = [0, 0], sizes = [2032, 128], strides = [1, 1]} : vector<2048x128xf32> to vector<2032x128xf32>
    %concatenate3A_1356 = tpu.concatenate %broadcast_in_dim3A_1354, %slice3A_1355 in 0 : vector<16x128xf32>, vector<2032x128xf32> -> vector<2048x128xf32>
    %add3A_1357 = arith.addf %add3A_1352, %concatenate3A_1356 : vector<2048x128xf32>
    %broadcast_in_dim3A_1358 = arith.constant 0.000000e+00 : f32
    %broadcast_in_dim3A_1359 = vector.broadcast %broadcast_in_dim3A_1358 : f32 to vector<32x128xf32>
    %slice3A_1360 = vector.extract_strided_slice %add3A_1357 {offsets = [0, 0], sizes = [2016, 128], strides = [1, 1]} : vector<2048x128xf32> to vector<2016x128xf32>
    %concatenate3A_1361 = tpu.concatenate %broadcast_in_dim3A_1359, %slice3A_1360 in 0 : vector<32x128xf32>, vector<2016x128xf32> -> vector<2048x128xf32>
    %add3A_1362 = arith.addf %add3A_1357, %concatenate3A_1361 : vector<2048x128xf32>
    %broadcast_in_dim3A_1363 = arith.constant 0.000000e+00 : f32
    %broadcast_in_dim3A_1364 = vector.broadcast %broadcast_in_dim3A_1363 : f32 to vector<64x128xf32>
    %slice3A_1365 = vector.extract_strided_slice %add3A_1362 {offsets = [0, 0], sizes = [1984, 128], strides = [1, 1]} : vector<2048x128xf32> to vector<1984x128xf32>
    %concatenate3A_1366 = tpu.concatenate %broadcast_in_dim3A_1364, %slice3A_1365 in 0 : vector<64x128xf32>, vector<1984x128xf32> -> vector<2048x128xf32>
    %add3A_1367 = arith.addf %add3A_1362, %concatenate3A_1366 : vector<2048x128xf32>
    %broadcast_in_dim3A_1368 = arith.constant 0.000000e+00 : f32
    %broadcast_in_dim3A_1369 = vector.broadcast %broadcast_in_dim3A_1368 : f32 to vector<128x128xf32>
    %slice3A_1370 = vector.extract_strided_slice %add3A_1367 {offsets = [0, 0], sizes = [1920, 128], strides = [1, 1]} : vector<2048x128xf32> to vector<1920x128xf32>
    %concatenate3A_1371 = tpu.concatenate %broadcast_in_dim3A_1369, %slice3A_1370 in 0 : vector<128x128xf32>, vector<1920x128xf32> -> vector<2048x128xf32>
    %add3A_1372 = arith.addf %add3A_1367, %concatenate3A_1371 : vector<2048x128xf32>
    %broadcast_in_dim3A_1373 = arith.constant 0.000000e+00 : f32
    %broadcast_in_dim3A_1374 = vector.broadcast %broadcast_in_dim3A_1373 : f32 to vector<256x128xf32>
    %slice3A_1375 = vector.extract_strided_slice %add3A_1372 {offsets = [0, 0], sizes = [1792, 128], strides = [1, 1]} : vector<2048x128xf32> to vector<1792x128xf32>
    %concatenate3A_1376 = tpu.concatenate %broadcast_in_dim3A_1374, %slice3A_1375 in 0 : vector<256x128xf32>, vector<1792x128xf32> -> vector<2048x128xf32>
    %add3A_1377 = arith.addf %add3A_1372, %concatenate3A_1376 : vector<2048x128xf32>
    %broadcast_in_dim3A_1378 = arith.constant 0.000000e+00 : f32
    %broadcast_in_dim3A_1379 = vector.broadcast %broadcast_in_dim3A_1378 : f32 to vector<512x128xf32>
    %slice3A_1380 = vector.extract_strided_slice %add3A_1377 {offsets = [0, 0], sizes = [1536, 128], strides = [1, 1]} : vector<2048x128xf32> to vector<1536x128xf32>
    %concatenate3A_1381 = tpu.concatenate %broadcast_in_dim3A_1379, %slice3A_1380 in 0 : vector<512x128xf32>, vector<1536x128xf32> -> vector<2048x128xf32>
    %add3A_1382 = arith.addf %add3A_1377, %concatenate3A_1381 : vector<2048x128xf32>
    %broadcast_in_dim3A_1383 = arith.constant 0.000000e+00 : f32
    %broadcast_in_dim3A_1384 = vector.broadcast %broadcast_in_dim3A_1383 : f32 to vector<1024x128xf32>
    %slice3A_1385 = vector.extract_strided_slice %add3A_1382 {offsets = [0, 0], sizes = [1024, 128], strides = [1, 1]} : vector<2048x128xf32> to vector<1024x128xf32>
    %concatenate3A_1386 = tpu.concatenate %broadcast_in_dim3A_1384, %slice3A_1385 in 0 : vector<1024x128xf32>, vector<1024x128xf32> -> vector<2048x128xf32>
    %add3A_1387 = arith.addf %add3A_1382, %concatenate3A_1386 : vector<2048x128xf32>
    %add3A_1388 = vector.broadcast %sub3A_1332 : vector<1x128xf32> to vector<2048x128xf32>
    %add3A_1389 = arith.addf %add3A_1388, %add3A_1387 : vector<2048x128xf32>
    %sub3A_1390 = arith.constant 1.000000e+00 : f32
    %sub3A_1391 = vector.broadcast %sub3A_1390 : f32 to vector<2048x128xf32>
    %sub3A_1392 = arith.subf %add3A_1389, %sub3A_1391 : vector<2048x128xf32>
    %mul3A_1393 = arith.mulf %sub3A_1392, %convert_element_type3A_1293 : vector<2048x128xf32>
    %reduce_sum3A_1394 = arith.constant dense<0.000000e+00> : vector<2048xf32>
    %reduce_sum3A_1395 = vector.multi_reduction <add>, %mul3A_1393, %reduce_sum3A_1394 [1] : vector<2048x128xf32> to vector<2048xf32>
    %broadcast_in_dim3A_1396 = vector.shape_cast %reduce_sum3A_1395 : vector<2048xf32> to vector<2048x1xf32>
    %le3A_1397 = vector.broadcast %add3A_1331 : vector<1x128xf32> to vector<2048x128xf32>
    %le3A_1398 = vector.broadcast %convert_element_type3A_2 : vector<2048x1xf32> to vector<2048x128xf32>
    %le3A_1399 = arith.cmpf ole, %le3A_1397, %le3A_1398 : vector<2048x128xf32>
    %convert_element_type3A_1400 = arith.extui %le3A_1399 : vector<2048x128xi1> to vector<2048x128xi32>
    %convert_element_type3A_1401 = arith.sitofp %convert_element_type3A_1400 : vector<2048x128xi32> to vector<2048x128xf32>
    %dot_general3A_1402 = arith.constant dense<0.000000e+00> : vector<2048x1xf32>
    %dot_general3A_1403 = tpu.matmul %convert_element_type3A_1401, %broadcast_in_dim3A_0, %dot_general3A_1402 {dimension_numbers = #tpu.dot_dimension_numbers<[1], [0], [0], [1], [0, 0, 1, 1], [], []>, transpose_lhs_hint = false} : vector<2048x128xf32>, vector<128x1xf32>, vector<2048x1xf32> -> vector<2048x1xf32>
    %transpose3A_1404 = tpu.transpose %dot_general3A_1403, [1, 0] : vector<2048x1xf32> -> vector<1x2048xf32>
    %eq3A_1405 = arith.cmpf oeq, %transpose3A_1404, %get3A_1288 : vector<1x2048xf32>
    %convert_element_type3A_1406 = arith.extui %eq3A_1405 : vector<1x2048xi1> to vector<1x2048xi32>
    %convert_element_type3A_1407 = arith.sitofp %convert_element_type3A_1406 : vector<1x2048xi32> to vector<1x2048xf32>
    %add3A_1408 = arith.constant 2.048000e+04 : f32
    %add3A_1409 = vector.broadcast %add3A_1408 : f32 to vector<2048x1xf32>
    %add3A_1410 = arith.addf %broadcast_in_dim3A_1396, %add3A_1409 : vector<2048x1xf32>
    %get3A_1411 = arith.constant 11 : index
    %get3A_1412 = arith.constant 0 : index
    %get3A_1413 = vector.load %arg0[%get3A_1411, %get3A_1412] : memref<12x2048xf32, #tpu.memory_space<vmem>>, vector<1x2048xf32>
    %transpose3A_1414 = tpu.transpose %get3A_1413, [1, 0] : vector<1x2048xf32> -> vector<2048x1xf32>
    %get3A_1415 = arith.constant 11 : index
    %get3A_1416 = arith.constant 0 : index
    %get3A_1417 = vector.load %arg1[%get3A_1415, %get3A_1416] : memref<12x2048xf32, #tpu.memory_space<vmem>>, vector<1x2048xf32>
    %eq3A_1418 = vector.broadcast %transpose3A_1414 : vector<2048x1xf32> to vector<2048x128xf32>
    %eq3A_1419 = vector.broadcast %convert_element_type3A : vector<1x128xf32> to vector<2048x128xf32>
    %eq3A_1420 = arith.cmpf oeq, %eq3A_1418, %eq3A_1419 : vector<2048x128xf32>
    %convert_element_type3A_1421 = arith.extui %eq3A_1420 : vector<2048x128xi1> to vector<2048x128xi32>
    %convert_element_type3A_1422 = arith.sitofp %convert_element_type3A_1421 : vector<2048x128xi32> to vector<2048x128xf32>
    %reduce_sum3A_1423 = arith.constant dense<0.000000e+00> : vector<128xf32>
    %reduce_sum3A_1424 = vector.multi_reduction <add>, %convert_element_type3A_1422, %reduce_sum3A_1423 [0] : vector<2048x128xf32> to vector<128xf32>
    %broadcast_in_dim3A_1425 = vector.shape_cast %reduce_sum3A_1424 : vector<128xf32> to vector<1x128xf32>
    %broadcast_in_dim3A_1426 = arith.constant 0.000000e+00 : f32
    %broadcast_in_dim3A_1427 = vector.broadcast %broadcast_in_dim3A_1426 : f32 to vector<1x1xf32>
    %slice3A_1428 = vector.extract_strided_slice %broadcast_in_dim3A_1425 {offsets = [0, 0], sizes = [1, 127], strides = [1, 1]} : vector<1x128xf32> to vector<1x127xf32>
    %concatenate3A_1429 = tpu.concatenate %broadcast_in_dim3A_1427, %slice3A_1428 in 1 : vector<1x1xf32>, vector<1x127xf32> -> vector<1x128xf32>
    %add3A_1430 = arith.addf %broadcast_in_dim3A_1425, %concatenate3A_1429 : vector<1x128xf32>
    %broadcast_in_dim3A_1431 = arith.constant 0.000000e+00 : f32
    %broadcast_in_dim3A_1432 = vector.broadcast %broadcast_in_dim3A_1431 : f32 to vector<1x2xf32>
    %slice3A_1433 = vector.extract_strided_slice %add3A_1430 {offsets = [0, 0], sizes = [1, 126], strides = [1, 1]} : vector<1x128xf32> to vector<1x126xf32>
    %concatenate3A_1434 = tpu.concatenate %broadcast_in_dim3A_1432, %slice3A_1433 in 1 : vector<1x2xf32>, vector<1x126xf32> -> vector<1x128xf32>
    %add3A_1435 = arith.addf %add3A_1430, %concatenate3A_1434 : vector<1x128xf32>
    %broadcast_in_dim3A_1436 = arith.constant 0.000000e+00 : f32
    %broadcast_in_dim3A_1437 = vector.broadcast %broadcast_in_dim3A_1436 : f32 to vector<1x4xf32>
    %slice3A_1438 = vector.extract_strided_slice %add3A_1435 {offsets = [0, 0], sizes = [1, 124], strides = [1, 1]} : vector<1x128xf32> to vector<1x124xf32>
    %concatenate3A_1439 = tpu.concatenate %broadcast_in_dim3A_1437, %slice3A_1438 in 1 : vector<1x4xf32>, vector<1x124xf32> -> vector<1x128xf32>
    %add3A_1440 = arith.addf %add3A_1435, %concatenate3A_1439 : vector<1x128xf32>
    %broadcast_in_dim3A_1441 = arith.constant 0.000000e+00 : f32
    %broadcast_in_dim3A_1442 = vector.broadcast %broadcast_in_dim3A_1441 : f32 to vector<1x8xf32>
    %slice3A_1443 = vector.extract_strided_slice %add3A_1440 {offsets = [0, 0], sizes = [1, 120], strides = [1, 1]} : vector<1x128xf32> to vector<1x120xf32>
    %concatenate3A_1444 = tpu.concatenate %broadcast_in_dim3A_1442, %slice3A_1443 in 1 : vector<1x8xf32>, vector<1x120xf32> -> vector<1x128xf32>
    %add3A_1445 = arith.addf %add3A_1440, %concatenate3A_1444 : vector<1x128xf32>
    %broadcast_in_dim3A_1446 = arith.constant 0.000000e+00 : f32
    %broadcast_in_dim3A_1447 = vector.broadcast %broadcast_in_dim3A_1446 : f32 to vector<1x16xf32>
    %slice3A_1448 = vector.extract_strided_slice %add3A_1445 {offsets = [0, 0], sizes = [1, 112], strides = [1, 1]} : vector<1x128xf32> to vector<1x112xf32>
    %concatenate3A_1449 = tpu.concatenate %broadcast_in_dim3A_1447, %slice3A_1448 in 1 : vector<1x16xf32>, vector<1x112xf32> -> vector<1x128xf32>
    %add3A_1450 = arith.addf %add3A_1445, %concatenate3A_1449 : vector<1x128xf32>
    %broadcast_in_dim3A_1451 = arith.constant 0.000000e+00 : f32
    %broadcast_in_dim3A_1452 = vector.broadcast %broadcast_in_dim3A_1451 : f32 to vector<1x32xf32>
    %slice3A_1453 = vector.extract_strided_slice %add3A_1450 {offsets = [0, 0], sizes = [1, 96], strides = [1, 1]} : vector<1x128xf32> to vector<1x96xf32>
    %concatenate3A_1454 = tpu.concatenate %broadcast_in_dim3A_1452, %slice3A_1453 in 1 : vector<1x32xf32>, vector<1x96xf32> -> vector<1x128xf32>
    %add3A_1455 = arith.addf %add3A_1450, %concatenate3A_1454 : vector<1x128xf32>
    %broadcast_in_dim3A_1456 = arith.constant 0.000000e+00 : f32
    %broadcast_in_dim3A_1457 = vector.broadcast %broadcast_in_dim3A_1456 : f32 to vector<1x64xf32>
    %slice3A_1458 = vector.extract_strided_slice %add3A_1455 {offsets = [0, 0], sizes = [1, 64], strides = [1, 1]} : vector<1x128xf32> to vector<1x64xf32>
    %concatenate3A_1459 = tpu.concatenate %broadcast_in_dim3A_1457, %slice3A_1458 in 1 : vector<1x64xf32>, vector<1x64xf32> -> vector<1x128xf32>
    %add3A_1460 = arith.addf %add3A_1455, %concatenate3A_1459 : vector<1x128xf32>
    %sub3A_1461 = arith.subf %add3A_1460, %broadcast_in_dim3A_1425 : vector<1x128xf32>
    %broadcast_in_dim3A_1462 = arith.constant 0.000000e+00 : f32
    %broadcast_in_dim3A_1463 = vector.broadcast %broadcast_in_dim3A_1462 : f32 to vector<1x128xf32>
    %slice3A_1464 = vector.extract_strided_slice %convert_element_type3A_1422 {offsets = [0, 0], sizes = [2047, 128], strides = [1, 1]} : vector<2048x128xf32> to vector<2047x128xf32>
    %concatenate3A_1465 = tpu.concatenate %broadcast_in_dim3A_1463, %slice3A_1464 in 0 : vector<1x128xf32>, vector<2047x128xf32> -> vector<2048x128xf32>
    %add3A_1466 = arith.addf %convert_element_type3A_1422, %concatenate3A_1465 : vector<2048x128xf32>
    %broadcast_in_dim3A_1467 = arith.constant 0.000000e+00 : f32
    %broadcast_in_dim3A_1468 = vector.broadcast %broadcast_in_dim3A_1467 : f32 to vector<2x128xf32>
    %slice3A_1469 = vector.extract_strided_slice %add3A_1466 {offsets = [0, 0], sizes = [2046, 128], strides = [1, 1]} : vector<2048x128xf32> to vector<2046x128xf32>
    %concatenate3A_1470 = tpu.concatenate %broadcast_in_dim3A_1468, %slice3A_1469 in 0 : vector<2x128xf32>, vector<2046x128xf32> -> vector<2048x128xf32>
    %add3A_1471 = arith.addf %add3A_1466, %concatenate3A_1470 : vector<2048x128xf32>
    %broadcast_in_dim3A_1472 = arith.constant 0.000000e+00 : f32
    %broadcast_in_dim3A_1473 = vector.broadcast %broadcast_in_dim3A_1472 : f32 to vector<4x128xf32>
    %slice3A_1474 = vector.extract_strided_slice %add3A_1471 {offsets = [0, 0], sizes = [2044, 128], strides = [1, 1]} : vector<2048x128xf32> to vector<2044x128xf32>
    %concatenate3A_1475 = tpu.concatenate %broadcast_in_dim3A_1473, %slice3A_1474 in 0 : vector<4x128xf32>, vector<2044x128xf32> -> vector<2048x128xf32>
    %add3A_1476 = arith.addf %add3A_1471, %concatenate3A_1475 : vector<2048x128xf32>
    %broadcast_in_dim3A_1477 = arith.constant 0.000000e+00 : f32
    %broadcast_in_dim3A_1478 = vector.broadcast %broadcast_in_dim3A_1477 : f32 to vector<8x128xf32>
    %slice3A_1479 = vector.extract_strided_slice %add3A_1476 {offsets = [0, 0], sizes = [2040, 128], strides = [1, 1]} : vector<2048x128xf32> to vector<2040x128xf32>
    %concatenate3A_1480 = tpu.concatenate %broadcast_in_dim3A_1478, %slice3A_1479 in 0 : vector<8x128xf32>, vector<2040x128xf32> -> vector<2048x128xf32>
    %add3A_1481 = arith.addf %add3A_1476, %concatenate3A_1480 : vector<2048x128xf32>
    %broadcast_in_dim3A_1482 = arith.constant 0.000000e+00 : f32
    %broadcast_in_dim3A_1483 = vector.broadcast %broadcast_in_dim3A_1482 : f32 to vector<16x128xf32>
    %slice3A_1484 = vector.extract_strided_slice %add3A_1481 {offsets = [0, 0], sizes = [2032, 128], strides = [1, 1]} : vector<2048x128xf32> to vector<2032x128xf32>
    %concatenate3A_1485 = tpu.concatenate %broadcast_in_dim3A_1483, %slice3A_1484 in 0 : vector<16x128xf32>, vector<2032x128xf32> -> vector<2048x128xf32>
    %add3A_1486 = arith.addf %add3A_1481, %concatenate3A_1485 : vector<2048x128xf32>
    %broadcast_in_dim3A_1487 = arith.constant 0.000000e+00 : f32
    %broadcast_in_dim3A_1488 = vector.broadcast %broadcast_in_dim3A_1487 : f32 to vector<32x128xf32>
    %slice3A_1489 = vector.extract_strided_slice %add3A_1486 {offsets = [0, 0], sizes = [2016, 128], strides = [1, 1]} : vector<2048x128xf32> to vector<2016x128xf32>
    %concatenate3A_1490 = tpu.concatenate %broadcast_in_dim3A_1488, %slice3A_1489 in 0 : vector<32x128xf32>, vector<2016x128xf32> -> vector<2048x128xf32>
    %add3A_1491 = arith.addf %add3A_1486, %concatenate3A_1490 : vector<2048x128xf32>
    %broadcast_in_dim3A_1492 = arith.constant 0.000000e+00 : f32
    %broadcast_in_dim3A_1493 = vector.broadcast %broadcast_in_dim3A_1492 : f32 to vector<64x128xf32>
    %slice3A_1494 = vector.extract_strided_slice %add3A_1491 {offsets = [0, 0], sizes = [1984, 128], strides = [1, 1]} : vector<2048x128xf32> to vector<1984x128xf32>
    %concatenate3A_1495 = tpu.concatenate %broadcast_in_dim3A_1493, %slice3A_1494 in 0 : vector<64x128xf32>, vector<1984x128xf32> -> vector<2048x128xf32>
    %add3A_1496 = arith.addf %add3A_1491, %concatenate3A_1495 : vector<2048x128xf32>
    %broadcast_in_dim3A_1497 = arith.constant 0.000000e+00 : f32
    %broadcast_in_dim3A_1498 = vector.broadcast %broadcast_in_dim3A_1497 : f32 to vector<128x128xf32>
    %slice3A_1499 = vector.extract_strided_slice %add3A_1496 {offsets = [0, 0], sizes = [1920, 128], strides = [1, 1]} : vector<2048x128xf32> to vector<1920x128xf32>
    %concatenate3A_1500 = tpu.concatenate %broadcast_in_dim3A_1498, %slice3A_1499 in 0 : vector<128x128xf32>, vector<1920x128xf32> -> vector<2048x128xf32>
    %add3A_1501 = arith.addf %add3A_1496, %concatenate3A_1500 : vector<2048x128xf32>
    %broadcast_in_dim3A_1502 = arith.constant 0.000000e+00 : f32
    %broadcast_in_dim3A_1503 = vector.broadcast %broadcast_in_dim3A_1502 : f32 to vector<256x128xf32>
    %slice3A_1504 = vector.extract_strided_slice %add3A_1501 {offsets = [0, 0], sizes = [1792, 128], strides = [1, 1]} : vector<2048x128xf32> to vector<1792x128xf32>
    %concatenate3A_1505 = tpu.concatenate %broadcast_in_dim3A_1503, %slice3A_1504 in 0 : vector<256x128xf32>, vector<1792x128xf32> -> vector<2048x128xf32>
    %add3A_1506 = arith.addf %add3A_1501, %concatenate3A_1505 : vector<2048x128xf32>
    %broadcast_in_dim3A_1507 = arith.constant 0.000000e+00 : f32
    %broadcast_in_dim3A_1508 = vector.broadcast %broadcast_in_dim3A_1507 : f32 to vector<512x128xf32>
    %slice3A_1509 = vector.extract_strided_slice %add3A_1506 {offsets = [0, 0], sizes = [1536, 128], strides = [1, 1]} : vector<2048x128xf32> to vector<1536x128xf32>
    %concatenate3A_1510 = tpu.concatenate %broadcast_in_dim3A_1508, %slice3A_1509 in 0 : vector<512x128xf32>, vector<1536x128xf32> -> vector<2048x128xf32>
    %add3A_1511 = arith.addf %add3A_1506, %concatenate3A_1510 : vector<2048x128xf32>
    %broadcast_in_dim3A_1512 = arith.constant 0.000000e+00 : f32
    %broadcast_in_dim3A_1513 = vector.broadcast %broadcast_in_dim3A_1512 : f32 to vector<1024x128xf32>
    %slice3A_1514 = vector.extract_strided_slice %add3A_1511 {offsets = [0, 0], sizes = [1024, 128], strides = [1, 1]} : vector<2048x128xf32> to vector<1024x128xf32>
    %concatenate3A_1515 = tpu.concatenate %broadcast_in_dim3A_1513, %slice3A_1514 in 0 : vector<1024x128xf32>, vector<1024x128xf32> -> vector<2048x128xf32>
    %add3A_1516 = arith.addf %add3A_1511, %concatenate3A_1515 : vector<2048x128xf32>
    %add3A_1517 = vector.broadcast %sub3A_1461 : vector<1x128xf32> to vector<2048x128xf32>
    %add3A_1518 = arith.addf %add3A_1517, %add3A_1516 : vector<2048x128xf32>
    %sub3A_1519 = arith.constant 1.000000e+00 : f32
    %sub3A_1520 = vector.broadcast %sub3A_1519 : f32 to vector<2048x128xf32>
    %sub3A_1521 = arith.subf %add3A_1518, %sub3A_1520 : vector<2048x128xf32>
    %mul3A_1522 = arith.mulf %sub3A_1521, %convert_element_type3A_1422 : vector<2048x128xf32>
    %reduce_sum3A_1523 = arith.constant dense<0.000000e+00> : vector<2048xf32>
    %reduce_sum3A_1524 = vector.multi_reduction <add>, %mul3A_1522, %reduce_sum3A_1523 [1] : vector<2048x128xf32> to vector<2048xf32>
    %broadcast_in_dim3A_1525 = vector.shape_cast %reduce_sum3A_1524 : vector<2048xf32> to vector<2048x1xf32>
    %le3A_1526 = vector.broadcast %add3A_1460 : vector<1x128xf32> to vector<2048x128xf32>
    %le3A_1527 = vector.broadcast %convert_element_type3A_2 : vector<2048x1xf32> to vector<2048x128xf32>
    %le3A_1528 = arith.cmpf ole, %le3A_1526, %le3A_1527 : vector<2048x128xf32>
    %convert_element_type3A_1529 = arith.extui %le3A_1528 : vector<2048x128xi1> to vector<2048x128xi32>
    %convert_element_type3A_1530 = arith.sitofp %convert_element_type3A_1529 : vector<2048x128xi32> to vector<2048x128xf32>
    %dot_general3A_1531 = arith.constant dense<0.000000e+00> : vector<2048x1xf32>
    %dot_general3A_1532 = tpu.matmul %convert_element_type3A_1530, %broadcast_in_dim3A_0, %dot_general3A_1531 {dimension_numbers = #tpu.dot_dimension_numbers<[1], [0], [0], [1], [0, 0, 1, 1], [], []>, transpose_lhs_hint = false} : vector<2048x128xf32>, vector<128x1xf32>, vector<2048x1xf32> -> vector<2048x1xf32>
    %transpose3A_1533 = tpu.transpose %dot_general3A_1532, [1, 0] : vector<2048x1xf32> -> vector<1x2048xf32>
    %eq3A_1534 = arith.cmpf oeq, %transpose3A_1533, %get3A_1417 : vector<1x2048xf32>
    %convert_element_type3A_1535 = arith.extui %eq3A_1534 : vector<1x2048xi1> to vector<1x2048xi32>
    %convert_element_type3A_1536 = arith.sitofp %convert_element_type3A_1535 : vector<1x2048xi32> to vector<1x2048xf32>
    %add3A_1537 = arith.constant 2.252800e+04 : f32
    %add3A_1538 = vector.broadcast %add3A_1537 : f32 to vector<2048x1xf32>
    %add3A_1539 = arith.addf %broadcast_in_dim3A_1525, %add3A_1538 : vector<2048x1xf32>
    %concatenate3A_1540 = tpu.concatenate %convert_element_type3A_117, %convert_element_type3A_246, %convert_element_type3A_375, %convert_element_type3A_504, %convert_element_type3A_633, %convert_element_type3A_762, %convert_element_type3A_891, %convert_element_type3A_1020, %convert_element_type3A_1149, %convert_element_type3A_1278, %convert_element_type3A_1407, %convert_element_type3A_1536 in 0 : vector<1x2048xf32>, vector<1x2048xf32>, vector<1x2048xf32>, vector<1x2048xf32>, vector<1x2048xf32>, vector<1x2048xf32>, vector<1x2048xf32>, vector<1x2048xf32>, vector<1x2048xf32>, vector<1x2048xf32>, vector<1x2048xf32>, vector<1x2048xf32> -> vector<12x2048xf32>
    %concatenate3A_1541 = tpu.concatenate %add3A_120, %add3A_249, %add3A_378, %add3A_507, %add3A_636, %add3A_765, %add3A_894, %add3A_1023, %add3A_1152, %add3A_1281, %add3A_1410, %add3A_1539 in 1 : vector<2048x1xf32>, vector<2048x1xf32>, vector<2048x1xf32>, vector<2048x1xf32>, vector<2048x1xf32>, vector<2048x1xf32>, vector<2048x1xf32>, vector<2048x1xf32>, vector<2048x1xf32>, vector<2048x1xf32>, vector<2048x1xf32>, vector<2048x1xf32> -> vector<2048x12xf32>
    %convert_element_type3A_1542 = arith.fptosi %concatenate3A_1541 : vector<2048x12xf32> to vector<2048x12xi32>
    %swap3A = arith.constant 0 : index
    %swap3A_1543 = arith.constant 0 : index
    %swap3A_1544 = vector.load %arg3[%swap3A, %swap3A_1543] : memref<2048x12xi32, #tpu.memory_space<vmem>>, vector<2048x12xi32>
    tpu.vector_store %arg3[%swap3A, %swap3A_1543], %convert_element_type3A_1542 {strides = array<i32>} : memref<2048x12xi32, #tpu.memory_space<vmem>>, vector<2048x12xi32>,
    %reshape3A = vector.shape_cast %concatenate3A_1540 : vector<12x2048xf32> to vector<192x128xf32>
    %reduce_sum3A_1545 = arith.constant dense<0.000000e+00> : vector<192xf32>
    %reduce_sum3A_1546 = vector.multi_reduction <add>, %reshape3A, %reduce_sum3A_1545 [1] : vector<192x128xf32> to vector<192xf32>
    %broadcast_in_dim3A_1547 = vector.shape_cast %reduce_sum3A_1546 : vector<192xf32> to vector<192x1xf32>
    %iota3A_1548 = tpu.iota {dimensions = array<i32: 0>} : vector<64x192xi32>
    %iota3A_1549 = tpu.iota {dimensions = array<i32: 1>} : vector<64x192xi32>
    %mul3A_1550 = arith.constant 3 : i32
    %mul3A_1551 = vector.broadcast %mul3A_1550 : i32 to vector<64x192xi32>
    %mul3A_1552 = arith.muli %mul3A_1551, %iota3A_1548 : vector<64x192xi32>
    %ge3A = arith.cmpi sge, %iota3A_1549, %mul3A_1552 : vector<64x192xi32>
    %mul3A_1553 = arith.constant 3 : i32
    %mul3A_1554 = vector.broadcast %mul3A_1553 : i32 to vector<64x192xi32>
    %mul3A_1555 = arith.muli %mul3A_1554, %iota3A_1548 : vector<64x192xi32>
    %add3A_1556 = arith.constant 3 : i32
    %add3A_1557 = vector.broadcast %add3A_1556 : i32 to vector<64x192xi32>
    %add3A_1558 = arith.addi %mul3A_1555, %add3A_1557 : vector<64x192xi32>
    %lt3A = arith.cmpi slt, %iota3A_1549, %add3A_1558 : vector<64x192xi32>
    %and3A = arith.andi %ge3A, %lt3A : vector<64x192xi1>
    %convert_element_type3A_1559 = arith.extui %and3A : vector<64x192xi1> to vector<64x192xi32>
    %convert_element_type3A_1560 = arith.sitofp %convert_element_type3A_1559 : vector<64x192xi32> to vector<64x192xf32>
    %iota3A_1561 = tpu.iota {dimensions = array<i32: 0>} : vector<192x64xi32>
    %iota3A_1562 = tpu.iota {dimensions = array<i32: 1>} : vector<192x64xi32>
    %mul3A_1563 = arith.constant 3 : i32
    %mul3A_1564 = vector.broadcast %mul3A_1563 : i32 to vector<192x64xi32>
    %mul3A_1565 = arith.muli %mul3A_1564, %iota3A_1562 : vector<192x64xi32>
    %ge3A_1566 = arith.cmpi sge, %iota3A_1561, %mul3A_1565 : vector<192x64xi32>
    %mul3A_1567 = arith.constant 3 : i32
    %mul3A_1568 = vector.broadcast %mul3A_1567 : i32 to vector<192x64xi32>
    %mul3A_1569 = arith.muli %mul3A_1568, %iota3A_1562 : vector<192x64xi32>
    %add3A_1570 = arith.constant 3 : i32
    %add3A_1571 = vector.broadcast %add3A_1570 : i32 to vector<192x64xi32>
    %add3A_1572 = arith.addi %mul3A_1569, %add3A_1571 : vector<192x64xi32>
    %lt3A_1573 = arith.cmpi slt, %iota3A_1561, %add3A_1572 : vector<192x64xi32>
    %and3A_1574 = arith.andi %ge3A_1566, %lt3A_1573 : vector<192x64xi1>
    %convert_element_type3A_1575 = arith.extui %and3A_1574 : vector<192x64xi1> to vector<192x64xi32>
    %convert_element_type3A_1576 = arith.sitofp %convert_element_type3A_1575 : vector<192x64xi32> to vector<192x64xf32>
    %dot_general3A_1577 = arith.constant dense<0.000000e+00> : vector<64x1xf32>
    %dot_general3A_1578 = tpu.matmul %convert_element_type3A_1560, %broadcast_in_dim3A_1547, %dot_general3A_1577 {dimension_numbers = #tpu.dot_dimension_numbers<[1], [0], [0], [1], [0, 0, 1, 1], [], []>, transpose_lhs_hint = false} : vector<64x192xf32>, vector<192x1xf32>, vector<64x1xf32> -> vector<64x1xf32>
    %gt3A = arith.constant 0.000000e+00 : f32
    %gt3A_1579 = vector.broadcast %gt3A : f32 to vector<64x1xf32>
    %gt3A_1580 = arith.cmpf ogt, %dot_general3A_1578, %gt3A_1579 : vector<64x1xf32>
    %convert_element_type3A_1581 = arith.extui %gt3A_1580 : vector<64x1xi1> to vector<64x1xi32>
    %convert_element_type3A_1582 = arith.sitofp %convert_element_type3A_1581 : vector<64x1xi32> to vector<64x1xf32>
    %dot_general3A_1583 = arith.constant dense<0.000000e+00> : vector<192x1xf32>
    %dot_general3A_1584 = tpu.matmul %convert_element_type3A_1576, %convert_element_type3A_1582, %dot_general3A_1583 {dimension_numbers = #tpu.dot_dimension_numbers<[1], [0], [0], [1], [0, 0, 1, 1], [], []>, transpose_lhs_hint = false} : vector<192x64xf32>, vector<64x1xf32>, vector<192x1xf32> -> vector<192x1xf32>
    %broadcast_in_dim3A_1585 = vector.shape_cast %dot_general3A_1584 : vector<192x1xf32> to vector<192x1xf32>
    %broadcast_in_dim3A_1586 = vector.broadcast %broadcast_in_dim3A_1585 : vector<192x1xf32> to vector<192x128xf32>
    %reshape3A_1587 = vector.shape_cast %broadcast_in_dim3A_1586 : vector<192x128xf32> to vector<12x1x2048xf32>
    %swap3A_1588 = arith.constant 0 : index
    %swap3A_1589 = arith.constant 0 : index
    %swap3A_1590 = arith.constant 0 : index
    %swap3A_1591 = vector.load %arg2[%swap3A_1588, %swap3A_1589, %swap3A_1590] : memref<12x1x2048xf32, #tpu.memory_space<vmem>>, vector<12x1x2048xf32>
    tpu.vector_store %arg2[%swap3A_1588, %swap3A_1589, %swap3A_1590], %reshape3A_1587 {strides = array<i32>} : memref<12x1x2048xf32, #tpu.memory_space<vmem>>, vector<12x1x2048xf32>,
    return
  }
}

module attributes {stable_mosaic.version = 14 : i64} {
  func.func @_attn_body(%arg0: i32, %arg1: i32, %arg2: memref<1024x128xf32, #tpu.memory_space<vmem>>, %arg3: memref<2048x128xbf16, #tpu.memory_space<vmem>>, %arg4: memref<2048x128xbf16, #tpu.memory_space<vmem>>, %arg5: memref<1x1x2048xf32, #tpu.memory_space<vmem>>, %arg6: memref<1024x128xf32, #tpu.memory_space<vmem>>) attributes {dimension_semantics = [#tpu.dimension_semantics<arbitrary>, #tpu.dimension_semantics<arbitrary>], iteration_bounds = array<i64: 12, 2>, scalar_prefetch = 0 : i64, scratch_operands = 0 : i64, tpu.core_type = #tpu.core_type<tc>, window_params = [{transform_indices = @transform_0, window_bounds = array<i64: 1024, 128>}, {transform_indices = @transform_1, window_bounds = array<i64: 2048, 128>}, {transform_indices = @transform_2, window_bounds = array<i64: 2048, 128>}, {transform_indices = @transform_3, window_bounds = array<i64: 1, 1, 2048>}, {transform_indices = @transform_4, window_bounds = array<i64: 1024, 128>}]} {
    %get3A = arith.constant 0 : index
    %get3A_0 = arith.constant 0 : index
    %get3A_1 = vector.load %arg2[%get3A, %get3A_0] : memref<1024x128xf32, #tpu.memory_space<vmem>>, vector<1024x128xf32>
    %mul3A = arith.constant 0.0883883461 : f32
    %mul3A_2 = vector.broadcast %mul3A : f32 to vector<1024x128xf32>
    %mul3A_3 = arith.mulf %get3A_1, %mul3A_2 : vector<1024x128xf32>
    %convert_element_type3A = arith.truncf %mul3A_3 : vector<1024x128xf32> to vector<1024x128xbf16>
    %iota3A = tpu.iota {dimensions = array<i32: 0>} : vector<1024x1024xi32>
    %iota3A_4 = tpu.iota {dimensions = array<i32: 1>} : vector<1024x1024xi32>
    %broadcast_in_dim3A = arith.constant 0.000000e+00 : f32
    %broadcast_in_dim3A_5 = vector.broadcast %broadcast_in_dim3A : f32 to vector<1024x1xf32>
    %broadcast_in_dim3A_6 = arith.constant 0.000000e+00 : f32
    %broadcast_in_dim3A_7 = vector.broadcast %broadcast_in_dim3A_6 : f32 to vector<1024x128xf32>
    %add3A = arith.constant 1 : i32
    %add3A_8 = arith.addi %arg1, %add3A : i32
    %while3A = arith.constant 0 : i32
    %while3A_9 = arith.subi %add3A_8, %while3A : i32
    %while3A_10 = arith.addi %while3A, %while3A_9 : i32
    %while3A_11 = arith.constant 1 : i32
    %while3A_12 = arith.divsi %while3A_9, %while3A_11 : i32
    %while3A_13 = arith.muli %while3A_12, %while3A_11 : i32
    %while3A_14 = arith.addi %while3A, %while3A_13 : i32
    %while3A_15 = arith.constant 1 : i32
    %while3A_16:2 = scf.for %while3A_22 = %while3A to %while3A_14 step %while3A_15 iter_args(%while3A_23 = %broadcast_in_dim3A_5, %while3A_24 = %broadcast_in_dim3A_7) -> (vector<1024x1xf32>, vector<1024x128xf32>)  : i32 {
      %mul3A_25 = arith.constant 1024 : i32
      %mul3A_26 = arith.muli %while3A_22, %mul3A_25 : i32
      %get3A_27 = arith.index_cast %mul3A_26 : i32 to index
      %get3A_28 = arith.constant 0 : index
      %get3A_29 = vector.load %arg3[%get3A_27, %get3A_28] : memref<2048x128xbf16, #tpu.memory_space<vmem>>, vector<1024x128xbf16>
      %mul3A_30 = arith.constant 1024 : i32
      %mul3A_31 = arith.muli %while3A_22, %mul3A_30 : i32
      %get3A_32 = arith.index_cast %mul3A_31 : i32 to index
      %get3A_33 = arith.constant 0 : index
      %get3A_34 = vector.load %arg4[%get3A_32, %get3A_33] : memref<2048x128xbf16, #tpu.memory_space<vmem>>, vector<1024x128xbf16>
      %dot_general3A = arith.constant dense<0.000000e+00> : vector<1024x1024xf32>
      %dot_general3A_35 = tpu.matmul %convert_element_type3A, %get3A_29, %dot_general3A {dimension_numbers = #tpu.dot_dimension_numbers<[1], [1], [0], [0], [0, 0, 1, 0], [], []>, transpose_lhs_hint = false} : vector<1024x128xbf16>, vector<1024x128xbf16>, vector<1024x1024xf32> -> vector<1024x1024xf32>
      %mul3A_36 = arith.constant 1024 : i32
      %mul3A_37 = arith.muli %while3A_22, %mul3A_36 : i32
      %get3A_38 = arith.constant 0 : index
      %get3A_39 = arith.constant 0 : index
      %get3A_40 = arith.index_cast %mul3A_37 : i32 to index
      %get3A_41 = vector.load %arg5[%get3A_38, %get3A_39, %get3A_40] : memref<1x1x2048xf32, #tpu.memory_space<vmem>>, vector<1x1x1024xf32>
      %get3A_42 = vector.shape_cast %get3A_41 : vector<1x1x1024xf32> to vector<1x1024xf32>
      %mul3A_43 = arith.constant 1.44269502 : f32
      %mul3A_44 = vector.broadcast %mul3A_43 : f32 to vector<1x1024xf32>
      %mul3A_45 = arith.mulf %get3A_42, %mul3A_44 : vector<1x1024xf32>
      %mul3A_46 = vector.broadcast %mul3A_45 : vector<1x1024xf32> to vector<1024x1024xf32>
      %mul3A_47 = arith.mulf %dot_general3A_35, %mul3A_46 : vector<1024x1024xf32>
      %exp23A = math.exp2 %mul3A_47 : vector<1024x1024xf32>
      %convert_element_type3A_48 = arith.truncf %exp23A : vector<1024x1024xf32> to vector<1024x1024xbf16>
      %eq3A = arith.cmpi eq, %while3A_22, %arg1 : i32
      %convert_element_type3A_49 = arith.extui %eq3A : i1 to i32
      %cond3A = arith.constant 0 : i32
      %cond3A_50 = arith.cmpi ne, %convert_element_type3A_49, %cond3A : i32
      %cond3A_51 = scf.if %cond3A_50 -> (vector<1024x1024xbf16>) {
        %add3A_61 = arith.constant 0 : i32
        %add3A_62 = vector.broadcast %add3A_61 : i32 to vector<1024x1024xi32>
        %add3A_63 = arith.addi %iota3A, %add3A_62 : vector<1024x1024xi32>
        %ge3A = arith.cmpi sge, %add3A_63, %iota3A_4 : vector<1024x1024xi32>
        %jit3A = arith.constant 0.000000e+00 : bf16
        %broadcast_in_dim3A_64 = vector.broadcast %jit3A : bf16 to vector<1024x1024xbf16>
        %select_n3A = arith.select %ge3A, %convert_element_type3A_48, %broadcast_in_dim3A_64 : vector<1024x1024xi1>, vector<1024x1024xbf16>
        scf.yield %select_n3A : vector<1024x1024xbf16>
      } else {
        scf.yield %convert_element_type3A_48 : vector<1024x1024xbf16>
      }
      %convert_element_type3A_52 = arith.extf %cond3A_51 : vector<1024x1024xbf16> to vector<1024x1024xf32>
      %reduce_sum3A = arith.constant dense<0.000000e+00> : vector<1024xf32>
      %reduce_sum3A_53 = vector.multi_reduction <add>, %convert_element_type3A_52, %reduce_sum3A [1] : vector<1024x1024xf32> to vector<1024xf32>
      %broadcast_in_dim3A_54 = vector.shape_cast %reduce_sum3A_53 : vector<1024xf32> to vector<1024x1xf32>
      %convert_element_type3A_55 = arith.truncf %broadcast_in_dim3A_54 : vector<1024x1xf32> to vector<1024x1xbf16>
      %convert_element_type3A_56 = arith.extf %convert_element_type3A_55 : vector<1024x1xbf16> to vector<1024x1xf32>
      %add3A_57 = arith.addf %while3A_23, %convert_element_type3A_56 : vector<1024x1xf32>
      %dot_general3A_58 = arith.constant dense<0.000000e+00> : vector<1024x128xf32>
      %dot_general3A_59 = tpu.matmul %cond3A_51, %get3A_34, %dot_general3A_58 {dimension_numbers = #tpu.dot_dimension_numbers<[1], [0], [0], [1], [0, 0, 1, 1], [], []>, transpose_lhs_hint = false} : vector<1024x1024xbf16>, vector<1024x128xbf16>, vector<1024x128xf32> -> vector<1024x128xf32>
      %add3A_60 = arith.addf %while3A_24, %dot_general3A_59 : vector<1024x128xf32>
      scf.yield %add3A_57, %add3A_60 : vector<1024x1xf32>, vector<1024x128xf32>
    }
    %while3A_17 = arith.constant 1 : i32
    %while3A_18:2 = scf.for %while3A_22 = %while3A_14 to %while3A_10 step %while3A_17 iter_args(%while3A_23 = %while3A_16#0, %while3A_24 = %while3A_16#1) -> (vector<1024x1xf32>, vector<1024x128xf32>)  : i32 {
      %mul3A_25 = arith.constant 1024 : i32
      %mul3A_26 = arith.muli %while3A_22, %mul3A_25 : i32
      %get3A_27 = arith.index_cast %mul3A_26 : i32 to index
      %get3A_28 = arith.constant 0 : index
      %get3A_29 = vector.load %arg3[%get3A_27, %get3A_28] : memref<2048x128xbf16, #tpu.memory_space<vmem>>, vector<1024x128xbf16>
      %mul3A_30 = arith.constant 1024 : i32
      %mul3A_31 = arith.muli %while3A_22, %mul3A_30 : i32
      %get3A_32 = arith.index_cast %mul3A_31 : i32 to index
      %get3A_33 = arith.constant 0 : index
      %get3A_34 = vector.load %arg4[%get3A_32, %get3A_33] : memref<2048x128xbf16, #tpu.memory_space<vmem>>, vector<1024x128xbf16>
      %dot_general3A = arith.constant dense<0.000000e+00> : vector<1024x1024xf32>
      %dot_general3A_35 = tpu.matmul %convert_element_type3A, %get3A_29, %dot_general3A {dimension_numbers = #tpu.dot_dimension_numbers<[1], [1], [0], [0], [0, 0, 1, 0], [], []>, transpose_lhs_hint = false} : vector<1024x128xbf16>, vector<1024x128xbf16>, vector<1024x1024xf32> -> vector<1024x1024xf32>
      %mul3A_36 = arith.constant 1024 : i32
      %mul3A_37 = arith.muli %while3A_22, %mul3A_36 : i32
      %get3A_38 = arith.constant 0 : index
      %get3A_39 = arith.constant 0 : index
      %get3A_40 = arith.index_cast %mul3A_37 : i32 to index
      %get3A_41 = vector.load %arg5[%get3A_38, %get3A_39, %get3A_40] : memref<1x1x2048xf32, #tpu.memory_space<vmem>>, vector<1x1x1024xf32>
      %get3A_42 = vector.shape_cast %get3A_41 : vector<1x1x1024xf32> to vector<1x1024xf32>
      %mul3A_43 = arith.constant 1.44269502 : f32
      %mul3A_44 = vector.broadcast %mul3A_43 : f32 to vector<1x1024xf32>
      %mul3A_45 = arith.mulf %get3A_42, %mul3A_44 : vector<1x1024xf32>
      %mul3A_46 = vector.broadcast %mul3A_45 : vector<1x1024xf32> to vector<1024x1024xf32>
      %mul3A_47 = arith.mulf %dot_general3A_35, %mul3A_46 : vector<1024x1024xf32>
      %exp23A = math.exp2 %mul3A_47 : vector<1024x1024xf32>
      %convert_element_type3A_48 = arith.truncf %exp23A : vector<1024x1024xf32> to vector<1024x1024xbf16>
      %eq3A = arith.cmpi eq, %while3A_22, %arg1 : i32
      %convert_element_type3A_49 = arith.extui %eq3A : i1 to i32
      %cond3A = arith.constant 0 : i32
      %cond3A_50 = arith.cmpi ne, %convert_element_type3A_49, %cond3A : i32
      %cond3A_51 = scf.if %cond3A_50 -> (vector<1024x1024xbf16>) {
        %add3A_61 = arith.constant 0 : i32
        %add3A_62 = vector.broadcast %add3A_61 : i32 to vector<1024x1024xi32>
        %add3A_63 = arith.addi %iota3A, %add3A_62 : vector<1024x1024xi32>
        %ge3A = arith.cmpi sge, %add3A_63, %iota3A_4 : vector<1024x1024xi32>
        %jit3A = arith.constant 0.000000e+00 : bf16
        %broadcast_in_dim3A_64 = vector.broadcast %jit3A : bf16 to vector<1024x1024xbf16>
        %select_n3A = arith.select %ge3A, %convert_element_type3A_48, %broadcast_in_dim3A_64 : vector<1024x1024xi1>, vector<1024x1024xbf16>
        scf.yield %select_n3A : vector<1024x1024xbf16>
      } else {
        scf.yield %convert_element_type3A_48 : vector<1024x1024xbf16>
      }
      %convert_element_type3A_52 = arith.extf %cond3A_51 : vector<1024x1024xbf16> to vector<1024x1024xf32>
      %reduce_sum3A = arith.constant dense<0.000000e+00> : vector<1024xf32>
      %reduce_sum3A_53 = vector.multi_reduction <add>, %convert_element_type3A_52, %reduce_sum3A [1] : vector<1024x1024xf32> to vector<1024xf32>
      %broadcast_in_dim3A_54 = vector.shape_cast %reduce_sum3A_53 : vector<1024xf32> to vector<1024x1xf32>
      %convert_element_type3A_55 = arith.truncf %broadcast_in_dim3A_54 : vector<1024x1xf32> to vector<1024x1xbf16>
      %convert_element_type3A_56 = arith.extf %convert_element_type3A_55 : vector<1024x1xbf16> to vector<1024x1xf32>
      %add3A_57 = arith.addf %while3A_23, %convert_element_type3A_56 : vector<1024x1xf32>
      %dot_general3A_58 = arith.constant dense<0.000000e+00> : vector<1024x128xf32>
      %dot_general3A_59 = tpu.matmul %cond3A_51, %get3A_34, %dot_general3A_58 {dimension_numbers = #tpu.dot_dimension_numbers<[1], [0], [0], [1], [0, 0, 1, 1], [], []>, transpose_lhs_hint = false} : vector<1024x1024xbf16>, vector<1024x128xbf16>, vector<1024x128xf32> -> vector<1024x128xf32>
      %add3A_60 = arith.addf %while3A_24, %dot_general3A_59 : vector<1024x128xf32>
      scf.yield %add3A_57, %add3A_60 : vector<1024x1xf32>, vector<1024x128xf32>
    }
    %div3A = vector.broadcast %while3A_18#0 : vector<1024x1xf32> to vector<1024x128xf32>
    %div3A_19 = arith.divf %while3A_18#1, %div3A : vector<1024x128xf32>
    %swap3A = arith.constant 0 : index
    %swap3A_20 = arith.constant 0 : index
    %swap3A_21 = vector.load %arg6[%swap3A, %swap3A_20] : memref<1024x128xf32, #tpu.memory_space<vmem>>, vector<1024x128xf32>
    tpu.vector_store %arg6[%swap3A, %swap3A_20], %div3A_19 {strides = array<i32>} : memref<1024x128xf32, #tpu.memory_space<vmem>>, vector<1024x128xf32>,
    return
  }
  func.func @transform_0(%arg0: i32, %arg1: i32) -> (i32, i32) {
    %mul3A = arith.constant 2 : i32
    %mul3A_0 = arith.muli %arg0, %mul3A : i32
    %add3A = arith.addi %mul3A_0, %arg1 : i32
    %c0_i32 = arith.constant 0 : i32
    %c0_i32_1 = arith.constant 0 : i32
    return %add3A, %c0_i32 : i32, i32
  }
  func.func @transform_1(%arg0: i32, %arg1: i32) -> (i32, i32) {
    %c0_i32 = arith.constant 0 : i32
    %c0_i32_0 = arith.constant 0 : i32
    return %c0_i32, %arg0 : i32, i32
  }
  func.func @transform_2(%arg0: i32, %arg1: i32) -> (i32, i32) {
    %c0_i32 = arith.constant 0 : i32
    %c0_i32_0 = arith.constant 0 : i32
    return %c0_i32, %arg0 : i32, i32
  }
  func.func @transform_3(%arg0: i32, %arg1: i32) -> (i32, i32, i32) {
    %c0_i32 = arith.constant 0 : i32
    %c0_i32_0 = arith.constant 0 : i32
    %c0_i32_1 = arith.constant 0 : i32
    return %arg0, %c0_i32, %c0_i32_0 : i32, i32, i32
  }
  func.func @transform_4(%arg0: i32, %arg1: i32) -> (i32, i32) {
    %mul3A = arith.constant 2 : i32
    %mul3A_0 = arith.muli %arg0, %mul3A : i32
    %add3A = arith.addi %mul3A_0, %arg1 : i32
    %c0_i32 = arith.constant 0 : i32
    %c0_i32_1 = arith.constant 0 : i32
    return %add3A, %c0_i32 : i32, i32
  }
}

</mosaic_0001>

<sc_bundles>
// kernel: kernel.10.cloned.1.call-start
scs
__scs_entry_jumppad:
0x0: {  	(pc) =	sbr.rel $0x88, $3  }
0x1: {  	(tag) =	ssettag $0x0;
	lr =	simm.s32 $0x1  }
0x2: {  	[smem:$0x3F9D] =	sst lr;
	_ =	strace $0xD0000000  }
0x3: {  	_ = 	snop  }
0x4: {  	_ = 	snop  }
0x5: {  	_ = 	snop  }
0x6: {  	_ = 	snop  }
0x7: {  	_ = 	snop  }
__scs_overlays_trampoline_lowered:
0x8: {  	[smem:$0x3FAC] =	sst s0  }
0x9: {  	[smem:$0x3FAD] =	sst s1  }
0xa: {  	[smem:$0x3FAE] =	sst s2  }
0xb: {  	[smem:$0x3FAF] =	sst s3  }
0xc: {  	[smem:$0x3FB0] =	sst s4  }
0xd: {  	[smem:$0x3FB1] =	sst s5  }
0xe: {  	[smem:$0x3FB2] =	sst s6  }
0xf: {  	[smem:$0x3FB3] =	sst s7  }
0x10: {  	[smem:$0x3FB4] =	sst s8  }
0x11: {  	[smem:$0x3FB5] =	sst s9;
	s0 =	simm.s32 @!p0 $0x0  }
0x12: {  	s1 =	sld [smem:$0x3F9B];
	s0 =	simm.s32 @p0 $0x1  }
0x13: {  	[smem:$0x3FB6] =	sst s0;
	s0 =	simm.s32 @!p1 $0x0  }
0x14: {  	s2 =	sld [smem:$0x3F9A];
	s0 =	simm.s32 @p1 $0x1  }
0x15: {  	[smem:$0x3FB7] =	sst s0;
	s0 =	simm.s32 @!p2 $0x0  }
0x16: {  	s3 =	sld [smem:$0x3FDB];
	s0 =	simm.s32 @p2 $0x1  }
0x17: {  	s4 =	simm.s32 $0x1BF5;
	[smem:$0x3FB9] =	sst s0  }
0x18: {  	s0 =	sld [smem:$0x3F9C];
	_ =	swait.ge [sflag:s4], $0x0  }
0x19: {  	s7 =	sld [smem:$0x3F9D]  }
0x1a: {  	s8 =	sadd.s32 $0xFFFFE003, lr  }
0x1b: {  	s9 =	sadd.s32 $0xFFFFFEF7, lr;
	s5 =	simm.s32 $0xFFFFFFFF;
	p2 =	slt.u32 s8, $0xFFFFF086  }
0x1c: {  	p1 =	slt.u32 s9, $0xF7A;
	s5 =	simm.s32 @!p2 $0x0  }
0x1d: {  	s5 =	simm.s32 @p1 $0x1;
	p0 =	seq.s32 s7, s2  }
0x1e: {  	s7 =	smul.u32 @!p0 $0xF7A, s2;
	p2 =	seq.s32 @!p0 s5, $0x0  }
0x1f: {  	s9 =	smul.u32 $0xF7A, s1;
	s8 =	simm.s32 @!p0 $0x1BF5;
	p2 =	por !p2, p0  }
0x20: {  	[sflag:s8] =	ssyncset.s32 @!p0 $0xFFFFF086;
	s6 =	sadd.s32 @!p0 s3, s7;
	s7 =	simm.s32 @!p0 $0x108  }
0x21: {  	s3 =	sadd.s32 s3, s9;
	s6 =	sadd.s32 @!p0 $0x88, s6;
	s7 =	simm.s32 @p2 $0x1082  }
0x22: {  	[simem:s7], [sflag:s8] =	dma.local @!p0 [hbm:s6], $0xF7A  }
0x23: {  	s9 =	sor.u32 $0xD0000000, s2;
	s6 =	simm.s32 $0x108;
	_ =	swait.ge @!p0 [sflag:s8], $0x0  }
0x24: {  	s3 =	sadd.s32 $0x88, s3;
	s6 =	simm.s32 @!p1 $0x1082;
	[sflag:s4] =	ssyncset.s32 $0xFFFFF086  }
0x25: {  	[simem:s6], [sflag:s4] =	dma.local [hbm:s3], $0xF7A  }
0x26: {  	[smem:$0x3F9D] =	sst s1;
	(tag) =	ssettag s2;
	_ =	strace s9  }
0x27: {  	s1 =	sld [smem:$0x3FAD]  }
0x28: {  	s2 =	sld [smem:$0x3FAE]  }
0x29: {  	s4 =	sld [smem:$0x3FB0]  }
0x2a: {  	p0 =	seq.s32 s5, $0x0;
	s5 =	sld [smem:$0x3FB1]  }
0x2b: {  	s6 =	sld [smem:$0x3FB2]  }
0x2c: {  	s7 =	sld [smem:$0x3FB3]  }
0x2d: {  	s3 =	simm.s32 $0x108;
	s8 =	sld [smem:$0x3FB4]  }
0x2e: {  	s3 =	simm.s32 @!p0 $0x1082;
	s9 =	sld [smem:$0x3FB5]  }
0x2f: {  	lr =	sadd.s32 s0, s3;
	s0 =	sld [smem:$0x3FAC]  }
0x30: {  	s3 =	sld [smem:$0x3FAF]  }
0x31: {  	[smem:$0x3FB8] =	sst s10  }
0x32: {  	s10 =	sld [smem:$0x3FB6];
	_ =	sdelay $0x3  }
0x33: {  	p0 =	seq.s32 s10, $0x1;
	s10 =	sld [smem:$0x3FB8];
	_ =	sdelay $0x3  }
0x34: {  	[smem:$0x3FB8] =	sst s10  }
0x35: {  	s10 =	sld [smem:$0x3FB7];
	_ =	sdelay $0x3  }
0x36: {  	p1 =	seq.s32 s10, $0x1;
	s10 =	sld [smem:$0x3FB8];
	_ =	sdelay $0x3  }
0x37: {  	[smem:$0x3FB8] =	sst s10  }
0x38: {  	s10 =	sld [smem:$0x3FB9]  }
0x39: {  	_ = 	snop;
	(pc) =	sbr.ind lr, $3  }
0x3a: {  	_ = 	snop  }
0x3b: {  	_ = 	snop  }
0x3c: {  	p2 =	seq.s32 s10, $0x1;
	s10 =	sld [smem:$0x3FB8]  }
0x3d: {  	_ =	shalt  }
0x3e: {  	_ =	shalt  }
0x3f: {  	_ =	shalt  }
0x40: {  	_ =	shalt  }
0x41: {  	_ =	shalt  }
0x42: {  	_ =	shalt  }
0x43: {  	_ =	shalt  }
0x44: {  	_ =	shalt  }
0x45: {  	_ =	shalt  }
0x46: {  	_ =	shalt  }
0x47: {  	_ =	shalt  }
0x48: {  	_ =	shalt  }
0x49: {  	_ =	shalt  }
0x4a: {  	_ =	shalt  }
0x4b: {  	_ =	shalt  }
0x4c: {  	_ =	shalt  }
0x4d: {  	_ =	shalt  }
0x4e: {  	_ =	shalt  }
0x4f: {  	_ =	shalt  }
0x50: {  	_ =	shalt  }
0x51: {  	_ =	shalt  }
0x52: {  	_ =	shalt  }
0x53: {  	_ =	shalt  }
0x54: {  	_ =	shalt  }
0x55: {  	_ =	shalt  }
0x56: {  	_ =	shalt  }
0x57: {  	_ =	shalt  }
0x58: {  	_ =	shalt  }
0x59: {  	_ =	shalt  }
0x5a: {  	_ =	shalt  }
0x5b: {  	_ =	shalt  }
0x5c: {  	_ =	shalt  }
0x5d: {  	_ =	shalt  }
0x5e: {  	_ =	shalt  }
0x5f: {  	_ =	shalt  }
0x60: {  	_ =	shalt  }
0x61: {  	_ =	shalt  }
0x62: {  	_ =	shalt  }
0x63: {  	_ =	shalt  }
0x64: {  	_ =	shalt  }
0x65: {  	_ =	shalt  }
0x66: {  	_ =	shalt  }
0x67: {  	_ =	shalt  }
0x68: {  	_ =	shalt  }
0x69: {  	_ =	shalt  }
0x6a: {  	_ =	shalt  }
0x6b: {  	_ =	shalt  }
0x6c: {  	_ =	shalt  }
0x6d: {  	_ =	shalt  }
0x6e: {  	_ =	shalt  }
0x6f: {  	_ =	shalt  }
0x70: {  	_ =	shalt  }
0x71: {  	_ =	shalt  }
0x72: {  	_ =	shalt  }
0x73: {  	_ =	shalt  }
0x74: {  	_ =	shalt  }
0x75: {  	_ =	shalt  }
0x76: {  	_ =	shalt  }
0x77: {  	_ =	shalt  }
0x78: {  	_ =	shalt  }
0x79: {  	_ =	shalt  }
0x7a: {  	_ =	shalt  }
0x7b: {  	_ =	shalt  }
0x7c: {  	_ =	shalt  }
0x7d: {  	_ =	shalt  }
0x7e: {  	_ =	shalt  }
0x7f: {  	_ =	shalt  }
0x80: {  	_ =	shalt  }
0x81: {  	_ =	shalt  }
0x82: {  	_ =	shalt  }
0x83: {  	_ =	shalt  }
0x84: {  	_ =	shalt  }
0x85: {  	_ =	shalt  }
0x86: {  	_ =	shalt  }
0x87: {  	_ =	shalt  }
.Lfunc_end0:
.L_simem_size_0:
called_computation.1_lowered:
.L_overlay_start_0:
0x88: {  	s2 =	sld [smem:$0x3FD9]  }
0x89: {  	s3 =	sld [smem:$0x3FFE];
	_ =	sdelay $0x1  }
0x8a: {  	s1 =	srdreg.scid  }
0x8b: {  	s0 =	sand.u32 $0x1, s1  }
0x8c: {  	s17 =	sshll.u32 s0, $0xA;
	s2 =	sadd.s32 s3, s2  }
0x8d: {  	s2 =	sadd.s32 s2, s17  }
0x8e: {  	[smem:$0x3FC4] =	sst s2  }
0x8f: {  	_ = 	snop  }
0x90: {  	s2 =	sld [smem:$0x3FD0];
	(tm) =	ssettm $0x1  }
0x91: {  	s18 =	sld [smem:$0x3FFB];
	_ =	sdelay $0x3  }
0x92: {  	_ =	strace s18  }
0x93: {  	s3 =	sld [smem:$0x3FFC];
	_ =	sdelay $0x3  }
0x94: {  	_ =	strace s3  }
0x95: {  	s3 =	sld [smem:$0x3FFD];
	_ =	sdelay $0x3  }
0x96: {  	_ =	strace s3  }
0x97: {  	_ =	strace $0x8FFFFFFF  }
0x98: {  	s19 =	sld [smem:$0x3FDB];
	_ =	sdelay $0x1  }
0x99: {  	s4 =	simm.s32 $_scs_section_size  }
0x9a: {  	s5 =	simm.s32 $_size__tile_overlayer_lowered;
	s6 =	simm.s32 $_tile_overlayer_lowered  }
0x9b: {  	s22 =	simm.s32 $0x1BFF;
	s21 =	sshll.u32 s6, $0x1;
	s3 =	sadd.s32 s4, s19  }
0x9c: {  	s7 =	simm.s32 $0x0;
	s20 =	sshll.u32 s5, $0x1;
	s5 =	sadd.s32 s21, s3  }
0x9d: {  	[timem:s7], [sflag:s22] =	dma.local [hbm:s5], s20  }
0x9e: {  	_ =	swait.ge [sflag:s22], s20  }
0x9f: {  	s4 =	ssub.s32 $0x0, s20;
	[sflag:s22] =	ssyncset.done $0x0  }
0xa0: {  	[sflag:s22] =	ssyncadd.s32 s4;
	_ =	sdelay $0x1  }
0xa1: {  	s23 =	simm.s32 $0x1B8B  }
0xa2: {  	_ =	swait.ge [sflag:s23], $0x1  }
0xa3: {  	[sflag:s23] =	ssyncset.done $0x0  }
0xa4: {  	s25 =	simm.s32 $0x1B8E;
	s24 =	sld [smem:$0x3FFE];
	[sflag:s23] =	ssyncadd.s32 $0xFFFFFFFF  }
0xa5: {  	s26 =	simm.s32 $execute0_lowered;
	[smem:$0x3FD2] =	sst s25  }
0xa6: {  	s5 =	sshll.u32 s26, $0x1;
	_ =	strace $0x80000049;
	[dreg:$0x1] =	wrdreg $0xFFFFFFFF  }
0xa7: {  	s28 =	simm.s32 $_size_execute0_lowered;
	s3 =	sadd.s32 s3, s5;
	[dreg:$0x0] =	wrdreg $0x0  }
0xa8: {  	s5 =	sshll.u32 s28, $0x1;
	[dreg:$0x2] =	wrdreg s3  }
0xa9: {  	[dreg:$0x3] =	wrdreg s5  }
0xaa: {  	[dreg:$0x4] =	wrdreg $0xC0  }
0xab: {  	_ =	task [dreg:s7], $0x5FFFF  }
0xac: {  	[dreg:$0x1] =	wrdreg $0xFFFFFFFF  }
0xad: {  	[dreg:$0x0] =	wrdreg $0x60  }
0xae: {  	[dreg:$0x2] =	wrdreg s2  }
0xaf: {  	[dreg:$0x3] =	wrdreg s24  }
0xb0: {  	[dreg:$0x4] =	wrdreg $0x9  }
0xb1: {  	_ =	task.clear_ibuf [dreg:s7], $0x5FFFF;
	_ =	strace $0x90000049  }
0xb2: {  	s29 =	simm.s32 $0x9;
	_ =	strace $0x8000004B  }
0xb3: {  	_ =	swait.ge [sflag:s29], $0x1  }
0xb4: {  	[sflag:s29] =	ssyncadd.s32 $0xFFFFFFFF  }
0xb5: {  	_ =	strace $0x9000004B  }
0xb6: {  	_ =	sfence  }
0xb7: {  	s30 =	sld [smem:$0x0];
	_ =	sdelay $0x2  }
0xb8: {  	s31 =	sshll.u32 s1, $0xD;
	s1 =	sshrl.u32 s1, $0x2  }
0xb9: {  	s3 =	sand.u32 $0x4000, s31;
	s1 =	sadd.s32 s1, s30  }
0xba: {  	s0 =	sor.u32 s3, s0;
	s1 =	sshll.u32 s1, $0x11  }
0xbb: {  	s0 =	sor.u32 s1, s0  }
0xbc: {  	s0 =	sadd.s32 $0x8F2B, s0  }
0xbd: {  	[sflag:s0] =	ssyncadd.remote.s32 $0x1  }
0xbe: {  	_ =	sfence.sel $0xFFFF  }
0xbf: {  	[dreg:$0x0] =	wrdreg $0xFFFFFFFF;
	(pc) =	sbr.abs _section_cstart, $3  }
0xc0: {  	[dreg:$0x1] =	wrdreg $0xFFFFFFFF  }
0xc1: {  	_ =	task.clear_ibuf [dreg:s7], $0x2FFFF;
	_ =	strace $0x9FFFFFFF  }
0xc2: {  	(tm) =	ssettm $0x7FFFFFFF  }
0xc3: {  	_ =	shalt  }
tec
execute0_lowered:
.L_overlay_start_1:
0x0: {  	(tag) =	ssettag $0x1  }
0x1: {  	s1 =	srdreg.scid;
	s0 =	stileid.u32  }
0x2: {  	s2 =	rddreg [dreg:$0x0];
	s18 =	sand.u32 $0x1, s1;
	s29 =	sshll.u32 s0, $0x1  }
0x3: {  	s19 =	rddreg [dreg:$0x1];
	s20 =	sor.u32 s18, s29  }
0x4: {  	s3 =	simm.s32 $0x0;
	s1 =	rddreg [dreg:$0x2];
	s4 =	sshll.u32 s20, $0x7  }
0x5: {  	[smem:$0x7FF] =	sst s3;
	s4 =	sadd.s32 s4, s19  }
0x6: {  	_ =	strace $0x8000004A;
	s5 =	sadd.s32 $0x1E00, s4;
	s4 =	simm.s32 $0x2  }
0x7: {  	[tilespmem:s3], [sflag:$0x2] =	stream.linear.gather [hbm4b:s5+s3], $0x300, $0x38;
	[tilespmem:$0x18400] =	vst v63  }
0x8: {  	_ =	swait.ge [sflag:s4], $0x300  }
0x9: {  	[sflag:s4] =	ssyncset.done $0x0  }
0xa: {  	s6 =	simm.s32 $0x80;
	s7 =	simm.s32 $0x400;
	[sflag:s4] =	ssyncadd.s32 $0xFFFFFD00  }
0xb: {  	[tilespmem:s7], [sflag:$0x1] =	stream.indirect.gather [hbm4b:s2+s6], $0x80, s3, s6, $0xb8;
	[tilespmem:$0x18400] =	vst v63  }
0xc: {  	s8 =	simm.s32 $0x4400  }
0xd: {  	[tilespmem:s8], [sflag:$0x1] =	stream.indirect.gather [hbm4b:s2+s6], $0x80, s6, s6, $0xb8;
	[tilespmem:$0x18400] =	vst v63  }
0xe: {  	s9 =	simm.s32 $0x100;
	s10 =	simm.s32 $0x8400  }
0xf: {  	[tilespmem:s10], [sflag:$0x1] =	stream.indirect.gather [hbm4b:s2+s6], $0x80, s9, s6, $0xb8;
	[tilespmem:$0x18400] =	vst v63  }
0x10: {  	s11 =	simm.s32 $0x180;
	s12 =	simm.s32 $0xC400  }
0x11: {  	[tilespmem:s12], [sflag:$0x1] =	stream.indirect.gather [hbm4b:s2+s6], $0x80, s11, s6, $0xb8;
	[tilespmem:$0x18400] =	vst v63  }
0x12: {  	s13 =	simm.s32 $0x200;
	s14 =	simm.s32 $0x10400  }
0x13: {  	[tilespmem:s14], [sflag:$0x1] =	stream.indirect.gather [hbm4b:s2+s6], $0x80, s13, s6, $0xb8;
	[tilespmem:$0x18400] =	vst v63  }
0x14: {  	s15 =	simm.s32 $0x280;
	s16 =	simm.s32 $0x14400;
	s17 =	simm.s32 $0x1  }
0x15: {  	[tilespmem:s16], [sflag:$0x1] =	stream.indirect.gather [hbm4b:s2+s6], $0x80, s15, s6, $0xb8;
	[tilespmem:$0x18400] =	vst v63  }
0x16: {  	_ =	swait.ge [sflag:s17], $0x4000  }
0x17: {  	[sflag:s17] =	ssyncset.done $0x0  }
0x18: {  	[sflag:s17] =	ssyncadd.s32 $0xFFFFC000  }
0x19: {  	_ =	swait.ge [sflag:s17], $0x4000  }
0x1a: {  	[sflag:s17] =	ssyncset.done $0x0  }
0x1b: {  	[sflag:s17] =	ssyncadd.s32 $0xFFFFC000  }
0x1c: {  	_ =	swait.ge [sflag:s17], $0x4000  }
0x1d: {  	[sflag:s17] =	ssyncset.done $0x0  }
0x1e: {  	[sflag:s17] =	ssyncadd.s32 $0xFFFFC000  }
0x1f: {  	_ =	swait.ge [sflag:s17], $0x4000  }
0x20: {  	[sflag:s17] =	ssyncset.done $0x0  }
0x21: {  	s18 =	ssub.s32 $0x2, s18;
	[sflag:s17] =	ssyncadd.s32 $0xFFFFC000  }
0x22: {  	s21 =	sshrl.u32 s18, $0x1;
	_ =	swait.ge [sflag:s17], $0x4000  }
0x23: {  	s30 =	ssub.s32 s18, s21;
	[sflag:s17] =	ssyncset.done $0x0  }
0x24: {  	s20 =	smul.u32 $0x3000, s20;
	s31 =	smax.u32 s30, $0x1;
	[sflag:s17] =	ssyncadd.s32 $0xFFFFC000  }
0x25: {  	p0 =	sne.s32 s31, $0x1;
	_ =	swait.ge [sflag:s17], $0x4000  }
.Ltmp0:
0x26: {  	s19 =	sadd.s32 s20, s19;
	[sflag:s17] =	ssyncset.done $0x0;
	(pc) =	sbr.rel @!p0 .LBB2_2-.Ltmp0, $4  }
0x27: {  	s18 =	sadd.s32 $0x2E00, s19;
	[sflag:s17] =	ssyncadd.s32 $0xFFFFC000  }
0x28: {  	[hbm4b:s18+s3] =	stream.linear.scatter [tilespmem:s7], [sflag:$0x2], $0x18000, $0x38;
	[tilespmem:$0x18400] =	vst v63  }
0x29: {  	_ =	swait.ge [sflag:s4], $0x18000  }
0x2a: {  	s19 =	sadd.s32 $0xFFFFFFFF, s31;
	[sflag:s4] =	ssyncset.done $0x0  }
.LBB2_1:
0x2b: {  	p0 =	sne.s32 s19, $0x1;
	s19 =	sadd.s32 $0xFFFFFFFF, s19;
	[sflag:s4] =	ssyncadd.s32 $0xFFFE8000  }
0x2c: {  	[tilespmem:s3], [sflag:$0x2] =	stream.linear.gather [hbm4b:s5+s3], $0x300, $0x38;
	[tilespmem:$0x18400] =	vst v63  }
0x2d: {  	_ =	swait.ge [sflag:s4], $0x300  }
0x2e: {  	[sflag:s4] =	ssyncset.done $0x0  }
0x2f: {  	[sflag:s4] =	ssyncadd.s32 $0xFFFFFD00  }
0x30: {  	[tilespmem:s7], [sflag:$0x1] =	stream.indirect.gather [hbm4b:s2+s6], $0x80, s3, s6, $0xb8;
	[tilespmem:$0x18400] =	vst v63  }
0x31: {  	_ = 	snop  }
0x32: {  	[tilespmem:s8], [sflag:$0x1] =	stream.indirect.gather [hbm4b:s2+s6], $0x80, s6, s6, $0xb8;
	[tilespmem:$0x18400] =	vst v63  }
0x33: {  	_ = 	snop  }
0x34: {  	[tilespmem:s10], [sflag:$0x1] =	stream.indirect.gather [hbm4b:s2+s6], $0x80, s9, s6, $0xb8;
	[tilespmem:$0x18400] =	vst v63  }
0x35: {  	_ = 	snop  }
0x36: {  	[tilespmem:s12], [sflag:$0x1] =	stream.indirect.gather [hbm4b:s2+s6], $0x80, s11, s6, $0xb8;
	[tilespmem:$0x18400] =	vst v63  }
0x37: {  	_ = 	snop  }
0x38: {  	[tilespmem:s14], [sflag:$0x1] =	stream.indirect.gather [hbm4b:s2+s6], $0x80, s13, s6, $0xb8;
	[tilespmem:$0x18400] =	vst v63  }
0x39: {  	_ = 	snop  }
0x3a: {  	[tilespmem:s16], [sflag:$0x1] =	stream.indirect.gather [hbm4b:s2+s6], $0x80, s15, s6, $0xb8;
	[tilespmem:$0x18400] =	vst v63  }
0x3b: {  	_ =	swait.ge [sflag:s17], $0x4000  }
0x3c: {  	[sflag:s17] =	ssyncset.done $0x0  }
0x3d: {  	[sflag:s17] =	ssyncadd.s32 $0xFFFFC000  }
0x3e: {  	_ =	swait.ge [sflag:s17], $0x4000  }
0x3f: {  	[sflag:s17] =	ssyncset.done $0x0  }
0x40: {  	[sflag:s17] =	ssyncadd.s32 $0xFFFFC000  }
0x41: {  	_ =	swait.ge [sflag:s17], $0x4000  }
0x42: {  	[sflag:s17] =	ssyncset.done $0x0  }
0x43: {  	[sflag:s17] =	ssyncadd.s32 $0xFFFFC000  }
0x44: {  	_ =	swait.ge [sflag:s17], $0x4000  }
0x45: {  	[sflag:s17] =	ssyncset.done $0x0  }
0x46: {  	[sflag:s17] =	ssyncadd.s32 $0xFFFFC000  }
0x47: {  	_ =	swait.ge [sflag:s17], $0x4000  }
0x48: {  	[sflag:s17] =	ssyncset.done $0x0  }
0x49: {  	[sflag:s17] =	ssyncadd.s32 $0xFFFFC000  }
0x4a: {  	_ =	swait.ge [sflag:s17], $0x4000  }
.Ltmp1:
0x4b: {  	[sflag:s17] =	ssyncset.done $0x0;
	(pc) =	sbr.rel @p0 .LBB2_1-.Ltmp1, $4  }
0x4c: {  	[sflag:s17] =	ssyncadd.s32 $0xFFFFC000  }
0x4d: {  	[hbm4b:s18+s3] =	stream.linear.scatter [tilespmem:s7], [sflag:$0x2], $0x18000, $0x38;
	[tilespmem:$0x18400] =	vst v63  }
0x4e: {  	_ =	swait.ge [sflag:s4], $0x18000  }
0x4f: {  	[sflag:s4] =	ssyncset.done $0x0  }
.LBB2_2:
0x50: {  	[sflag:s4] =	ssyncadd.s32 $0xFFFE8000  }
0x51: {  	_ =	sfence.sel $0x180000  }
0x52: {  	[bflag:$0x0] =	sbarrier.arrive $0xFFFF  }
0x53: {  	p0 =	sne.s32 s0, $0x0;
	_ =	strace $0x9000004A  }
0x54: {  	s0 =	sadd.s32 @!p0 $0x100000, s1;
	[bflag:$0x2] =	sbarrier.arrive $0xFFFF  }
0x55: {  	[sflag:s0] =	ssyncadd.tile.s32 @!p0 $0x1;
	_ =	shalt  }
.Lfunc_end2:
_tile_overlayer_lowered:
.L_overlay_start_2:
0x56: {  	(tag) =	ssettag $0x2  }
0x57: {  	s0 =	rddreg [dreg:$0x0];
	s2 =	stileid.u32  }
0x58: {  	s1 =	rddreg [dreg:$0x1];
	p0 =	sne.s32 s2, $0x0  }
0x59: {  	s3 =	rddreg [dreg:$0x2];
	[bflag:$0x3] =	sbarrier.arrive $0xFFFF;
	s2 =	simm.s32 @!p0 $0x1C02  }
0x5a: {  	[timem:s3], [sflag:s2] =	dma.local @!p0 [hbm:s0], s1  }
0x5b: {  	s0 =	simm.s32 @!p0 $0x2  }
0x5c: {  	_ =	swait.ge @!p0 [sflag:s0], s1  }
0x5d: {  	s1 =	ssub.s32 @!p0 $0x0, s1;
	[sflag:s0] =	ssyncset.done @!p0 $0x0  }
0x5e: {  	[sflag:s0] =	ssyncadd.s32 @!p0 s1  }
0x5f: {  	[bflag:$0x3] =	sbarrier.arrive $0xFFFF  }
0x60: {  	_ =	shalt  }

// kernel: kernel.7.cloned.1.call-start
scs
__scs_entry_jumppad:
0x0: {  	(pc) =	sbr.rel $0x88, $3  }
0x1: {  	(tag) =	ssettag $0x0;
	lr =	simm.s32 $0x1  }
0x2: {  	[smem:$0x3F9D] =	sst lr;
	_ =	strace $0xD0000000  }
0x3: {  	_ = 	snop  }
0x4: {  	_ = 	snop  }
0x5: {  	_ = 	snop  }
0x6: {  	_ = 	snop  }
0x7: {  	_ = 	snop  }
__scs_overlays_trampoline_lowered:
0x8: {  	[smem:$0x3FAC] =	sst s0  }
0x9: {  	[smem:$0x3FAD] =	sst s1  }
0xa: {  	[smem:$0x3FAE] =	sst s2  }
0xb: {  	[smem:$0x3FAF] =	sst s3  }
0xc: {  	[smem:$0x3FB0] =	sst s4  }
0xd: {  	[smem:$0x3FB1] =	sst s5  }
0xe: {  	[smem:$0x3FB2] =	sst s6  }
0xf: {  	[smem:$0x3FB3] =	sst s7  }
0x10: {  	[smem:$0x3FB4] =	sst s8  }
0x11: {  	[smem:$0x3FB5] =	sst s9;
	s0 =	simm.s32 @!p0 $0x0  }
0x12: {  	s1 =	sld [smem:$0x3F9B];
	s0 =	simm.s32 @p0 $0x1  }
0x13: {  	[smem:$0x3FB6] =	sst s0;
	s0 =	simm.s32 @!p1 $0x0  }
0x14: {  	s2 =	sld [smem:$0x3F9A];
	s0 =	simm.s32 @p1 $0x1  }
0x15: {  	[smem:$0x3FB7] =	sst s0;
	s0 =	simm.s32 @!p2 $0x0  }
0x16: {  	s3 =	sld [smem:$0x3FDB];
	s0 =	simm.s32 @p2 $0x1  }
0x17: {  	s4 =	simm.s32 $0x1BF5;
	[smem:$0x3FB9] =	sst s0  }
0x18: {  	s0 =	sld [smem:$0x3F9C];
	_ =	swait.ge [sflag:s4], $0x0  }
0x19: {  	s7 =	sld [smem:$0x3F9D]  }
0x1a: {  	s8 =	sadd.s32 $0xFFFFE003, lr  }
0x1b: {  	s9 =	sadd.s32 $0xFFFFFEF7, lr;
	s5 =	simm.s32 $0xFFFFFFFF;
	p2 =	slt.u32 s8, $0xFFFFF086  }
0x1c: {  	p1 =	slt.u32 s9, $0xF7A;
	s5 =	simm.s32 @!p2 $0x0  }
0x1d: {  	s5 =	simm.s32 @p1 $0x1;
	p0 =	seq.s32 s7, s2  }
0x1e: {  	s7 =	smul.u32 @!p0 $0xF7A, s2;
	p2 =	seq.s32 @!p0 s5, $0x0  }
0x1f: {  	s9 =	smul.u32 $0xF7A, s1;
	s8 =	simm.s32 @!p0 $0x1BF5;
	p2 =	por !p2, p0  }
0x20: {  	[sflag:s8] =	ssyncset.s32 @!p0 $0xFFFFF086;
	s6 =	sadd.s32 @!p0 s3, s7;
	s7 =	simm.s32 @!p0 $0x108  }
0x21: {  	s3 =	sadd.s32 s3, s9;
	s6 =	sadd.s32 @!p0 $0x88, s6;
	s7 =	simm.s32 @p2 $0x1082  }
0x22: {  	[simem:s7], [sflag:s8] =	dma.local @!p0 [hbm:s6], $0xF7A  }
0x23: {  	s9 =	sor.u32 $0xD0000000, s2;
	s6 =	simm.s32 $0x108;
	_ =	swait.ge @!p0 [sflag:s8], $0x0  }
0x24: {  	s3 =	sadd.s32 $0x88, s3;
	s6 =	simm.s32 @!p1 $0x1082;
	[sflag:s4] =	ssyncset.s32 $0xFFFFF086  }
0x25: {  	[simem:s6], [sflag:s4] =	dma.local [hbm:s3], $0xF7A  }
0x26: {  	[smem:$0x3F9D] =	sst s1;
	(tag) =	ssettag s2;
	_ =	strace s9  }
0x27: {  	s1 =	sld [smem:$0x3FAD]  }
0x28: {  	s2 =	sld [smem:$0x3FAE]  }
0x29: {  	s4 =	sld [smem:$0x3FB0]  }
0x2a: {  	p0 =	seq.s32 s5, $0x0;
	s5 =	sld [smem:$0x3FB1]  }
0x2b: {  	s6 =	sld [smem:$0x3FB2]  }
0x2c: {  	s7 =	sld [smem:$0x3FB3]  }
0x2d: {  	s3 =	simm.s32 $0x108;
	s8 =	sld [smem:$0x3FB4]  }
0x2e: {  	s3 =	simm.s32 @!p0 $0x1082;
	s9 =	sld [smem:$0x3FB5]  }
0x2f: {  	lr =	sadd.s32 s0, s3;
	s0 =	sld [smem:$0x3FAC]  }
0x30: {  	s3 =	sld [smem:$0x3FAF]  }
0x31: {  	[smem:$0x3FB8] =	sst s10  }
0x32: {  	s10 =	sld [smem:$0x3FB6];
	_ =	sdelay $0x3  }
0x33: {  	p0 =	seq.s32 s10, $0x1;
	s10 =	sld [smem:$0x3FB8];
	_ =	sdelay $0x3  }
0x34: {  	[smem:$0x3FB8] =	sst s10  }
0x35: {  	s10 =	sld [smem:$0x3FB7];
	_ =	sdelay $0x3  }
0x36: {  	p1 =	seq.s32 s10, $0x1;
	s10 =	sld [smem:$0x3FB8];
	_ =	sdelay $0x3  }
0x37: {  	[smem:$0x3FB8] =	sst s10  }
0x38: {  	s10 =	sld [smem:$0x3FB9]  }
0x39: {  	_ = 	snop;
	(pc) =	sbr.ind lr, $3  }
0x3a: {  	_ = 	snop  }
0x3b: {  	_ = 	snop  }
0x3c: {  	p2 =	seq.s32 s10, $0x1;
	s10 =	sld [smem:$0x3FB8]  }
0x3d: {  	_ =	shalt  }
0x3e: {  	_ =	shalt  }
0x3f: {  	_ =	shalt  }
0x40: {  	_ =	shalt  }
0x41: {  	_ =	shalt  }
0x42: {  	_ =	shalt  }
0x43: {  	_ =	shalt  }
0x44: {  	_ =	shalt  }
0x45: {  	_ =	shalt  }
0x46: {  	_ =	shalt  }
0x47: {  	_ =	shalt  }
0x48: {  	_ =	shalt  }
0x49: {  	_ =	shalt  }
0x4a: {  	_ =	shalt  }
0x4b: {  	_ =	shalt  }
0x4c: {  	_ =	shalt  }
0x4d: {  	_ =	shalt  }
0x4e: {  	_ =	shalt  }
0x4f: {  	_ =	shalt  }
0x50: {  	_ =	shalt  }
0x51: {  	_ =	shalt  }
0x52: {  	_ =	shalt  }
0x53: {  	_ =	shalt  }
0x54: {  	_ =	shalt  }
0x55: {  	_ =	shalt  }
0x56: {  	_ =	shalt  }
0x57: {  	_ =	shalt  }
0x58: {  	_ =	shalt  }
0x59: {  	_ =	shalt  }
0x5a: {  	_ =	shalt  }
0x5b: {  	_ =	shalt  }
0x5c: {  	_ =	shalt  }
0x5d: {  	_ =	shalt  }
0x5e: {  	_ =	shalt  }
0x5f: {  	_ =	shalt  }
0x60: {  	_ =	shalt  }
0x61: {  	_ =	shalt  }
0x62: {  	_ =	shalt  }
0x63: {  	_ =	shalt  }
0x64: {  	_ =	shalt  }
0x65: {  	_ =	shalt  }
0x66: {  	_ =	shalt  }
0x67: {  	_ =	shalt  }
0x68: {  	_ =	shalt  }
0x69: {  	_ =	shalt  }
0x6a: {  	_ =	shalt  }
0x6b: {  	_ =	shalt  }
0x6c: {  	_ =	shalt  }
0x6d: {  	_ =	shalt  }
0x6e: {  	_ =	shalt  }
0x6f: {  	_ =	shalt  }
0x70: {  	_ =	shalt  }
0x71: {  	_ =	shalt  }
0x72: {  	_ =	shalt  }
0x73: {  	_ =	shalt  }
0x74: {  	_ =	shalt  }
0x75: {  	_ =	shalt  }
0x76: {  	_ =	shalt  }
0x77: {  	_ =	shalt  }
0x78: {  	_ =	shalt  }
0x79: {  	_ =	shalt  }
0x7a: {  	_ =	shalt  }
0x7b: {  	_ =	shalt  }
0x7c: {  	_ =	shalt  }
0x7d: {  	_ =	shalt  }
0x7e: {  	_ =	shalt  }
0x7f: {  	_ =	shalt  }
0x80: {  	_ =	shalt  }
0x81: {  	_ =	shalt  }
0x82: {  	_ =	shalt  }
0x83: {  	_ =	shalt  }
0x84: {  	_ =	shalt  }
0x85: {  	_ =	shalt  }
0x86: {  	_ =	shalt  }
0x87: {  	_ =	shalt  }
.Lfunc_end0:
.L_simem_size_0:
called_computation_lowered:
.L_overlay_start_0:
0x88: {  	s2 =	sld [smem:$0x3FD9]  }
0x89: {  	s3 =	sld [smem:$0x3FFE];
	_ =	sdelay $0x1  }
0x8a: {  	s1 =	srdreg.scid  }
0x8b: {  	s0 =	sand.u32 $0x1, s1  }
0x8c: {  	s17 =	sshll.u32 s0, $0xA;
	s2 =	sadd.s32 s3, s2  }
0x8d: {  	s2 =	sadd.s32 s2, s17  }
0x8e: {  	[smem:$0x3FC4] =	sst s2  }
0x8f: {  	_ = 	snop  }
0x90: {  	s2 =	sld [smem:$0x3FD0];
	(tm) =	ssettm $0x1  }
0x91: {  	s18 =	sld [smem:$0x3FFB];
	_ =	sdelay $0x3  }
0x92: {  	_ =	strace s18  }
0x93: {  	s3 =	sld [smem:$0x3FFC];
	_ =	sdelay $0x3  }
0x94: {  	_ =	strace s3  }
0x95: {  	s3 =	sld [smem:$0x3FFD];
	_ =	sdelay $0x3  }
0x96: {  	_ =	strace s3  }
0x97: {  	_ =	strace $0x8FFFFFFF  }
0x98: {  	s19 =	sld [smem:$0x3FDB];
	_ =	sdelay $0x1  }
0x99: {  	s4 =	simm.s32 $_scs_section_size  }
0x9a: {  	s5 =	simm.s32 $_size__tile_overlayer_lowered;
	s6 =	simm.s32 $_tile_overlayer_lowered  }
0x9b: {  	s22 =	simm.s32 $0x1BFF;
	s21 =	sshll.u32 s6, $0x1;
	s3 =	sadd.s32 s4, s19  }
0x9c: {  	s7 =	simm.s32 $0x0;
	s20 =	sshll.u32 s5, $0x1;
	s5 =	sadd.s32 s21, s3  }
0x9d: {  	[timem:s7], [sflag:s22] =	dma.local [hbm:s5], s20  }
0x9e: {  	_ =	swait.ge [sflag:s22], s20  }
0x9f: {  	s4 =	ssub.s32 $0x0, s20;
	[sflag:s22] =	ssyncset.done $0x0  }
0xa0: {  	[sflag:s22] =	ssyncadd.s32 s4;
	_ =	sdelay $0x1  }
0xa1: {  	s23 =	simm.s32 $0x1B8B  }
0xa2: {  	_ =	swait.ge [sflag:s23], $0x1  }
0xa3: {  	[sflag:s23] =	ssyncset.done $0x0  }
0xa4: {  	s25 =	simm.s32 $0x1B8E;
	s24 =	sld [smem:$0x3FFE];
	[sflag:s23] =	ssyncadd.s32 $0xFFFFFFFF  }
0xa5: {  	s26 =	simm.s32 $execute0_lowered;
	[smem:$0x3FD2] =	sst s25  }
0xa6: {  	s5 =	sshll.u32 s26, $0x1;
	_ =	strace $0x80000046;
	[dreg:$0x1] =	wrdreg $0xFFFFFFFF  }
0xa7: {  	s28 =	simm.s32 $_size_execute0_lowered;
	s3 =	sadd.s32 s3, s5;
	[dreg:$0x0] =	wrdreg $0x0  }
0xa8: {  	s5 =	sshll.u32 s28, $0x1;
	[dreg:$0x2] =	wrdreg s3  }
0xa9: {  	[dreg:$0x3] =	wrdreg s5  }
0xaa: {  	[dreg:$0x4] =	wrdreg $0xC0  }
0xab: {  	_ =	task [dreg:s7], $0x5FFFF  }
0xac: {  	[dreg:$0x1] =	wrdreg $0xFFFFFFFF  }
0xad: {  	[dreg:$0x0] =	wrdreg $0x60  }
0xae: {  	[dreg:$0x2] =	wrdreg s2  }
0xaf: {  	[dreg:$0x3] =	wrdreg s24  }
0xb0: {  	[dreg:$0x4] =	wrdreg $0x9  }
0xb1: {  	_ =	task.clear_ibuf [dreg:s7], $0x5FFFF;
	_ =	strace $0x90000046  }
0xb2: {  	s29 =	simm.s32 $0x9;
	_ =	strace $0x80000048  }
0xb3: {  	_ =	swait.ge [sflag:s29], $0x1  }
0xb4: {  	[sflag:s29] =	ssyncadd.s32 $0xFFFFFFFF  }
0xb5: {  	_ =	strace $0x90000048  }
0xb6: {  	_ =	sfence  }
0xb7: {  	s30 =	sld [smem:$0x0];
	_ =	sdelay $0x2  }
0xb8: {  	s31 =	sshll.u32 s1, $0xD;
	s1 =	sshrl.u32 s1, $0x2  }
0xb9: {  	s3 =	sand.u32 $0x4000, s31;
	s1 =	sadd.s32 s1, s30  }
0xba: {  	s0 =	sor.u32 s3, s0;
	s1 =	sshll.u32 s1, $0x11  }
0xbb: {  	s0 =	sor.u32 s1, s0  }
0xbc: {  	s0 =	sadd.s32 $0x8F2B, s0  }
0xbd: {  	[sflag:s0] =	ssyncadd.remote.s32 $0x1  }
0xbe: {  	_ =	sfence.sel $0xFFFF  }
0xbf: {  	[dreg:$0x0] =	wrdreg $0xFFFFFFFF;
	(pc) =	sbr.abs _section_cstart, $3  }
0xc0: {  	[dreg:$0x1] =	wrdreg $0xFFFFFFFF  }
0xc1: {  	_ =	task.clear_ibuf [dreg:s7], $0x2FFFF;
	_ =	strace $0x9FFFFFFF  }
0xc2: {  	(tm) =	ssettm $0x7FFFFFFF  }
0xc3: {  	_ =	shalt  }
tec
execute0_lowered:
.L_overlay_start_1:
0x0: {  	(tag) =	ssettag $0x1  }
0x1: {  	s1 =	srdreg.scid;
	s0 =	stileid.u32  }
0x2: {  	s19 =	sand.u32 $0x1, s1;
	s31 =	sshll.u32 s0, $0x1  }
0x3: {  	s5 =	rddreg [dreg:$0x0];
	s6 =	sor.u32 s19, s31  }
0x4: {  	s7 =	rddreg [dreg:$0x1];
	s2 =	simm.s32 $0x0;
	s3 =	sshll.u32 s6, $0x7  }
0x5: {  	s4 =	simm.s32 $0x2;
	[smem:$0x7FF] =	sst s2;
	s3 =	sadd.s32 s3, s7  }
0x6: {  	s1 =	rddreg [dreg:$0x2];
	_ =	strace $0x80000047;
	s3 =	sadd.s32 $0x1E00, s3  }
0x7: {  	[tilespmem:s2], [sflag:$0x2] =	stream.linear.gather [hbm4b:s3+s2], $0x300, $0x38;
	[tilespmem:$0x18400] =	vst v63  }
0x8: {  	s6 =	smul.u32 $0x3000, s6;
	_ =	swait.ge [sflag:s4], $0x300  }
0x9: {  	[sflag:s4] =	ssyncset.done $0x0  }
0xa: {  	s5 =	sadd.s32 s5, s6;
	s6 =	simm.s32 $0x400;
	[sflag:s4] =	ssyncadd.s32 $0xFFFFFD00  }
0xb: {  	[tilespmem:s6], [sflag:$0x2] =	stream.linear.gather [hbm4b:s5+s2], $0x18000, $0x38;
	[tilespmem:$0x18400] =	vst v63  }
0xc: {  	_ =	swait.ge [sflag:s4], $0x18000  }
0xd: {  	[sflag:s4] =	ssyncset.done $0x0  }
0xe: {  	s8 =	simm.s32 $0x80;
	s7 =	sadd.s32 $0x2E00, s7;
	[sflag:s4] =	ssyncadd.s32 $0xFFFE8000  }
0xf: {  	[hbm4b:s7+s8] =	stream.indirect.scatter [tilespmem:s6], [sflag:$0x1], $0x80, s2, s8, $0xb8;
	[tilespmem:$0x18400] =	vst v63  }
0x10: {  	s9 =	simm.s32 $0x4400  }
0x11: {  	[hbm4b:s7+s8] =	stream.indirect.scatter [tilespmem:s9], [sflag:$0x1], $0x80, s8, s8, $0xb8;
	[tilespmem:$0x18400] =	vst v63  }
0x12: {  	s10 =	simm.s32 $0x100;
	s11 =	simm.s32 $0x8400  }
0x13: {  	[hbm4b:s7+s8] =	stream.indirect.scatter [tilespmem:s11], [sflag:$0x1], $0x80, s10, s8, $0xb8;
	[tilespmem:$0x18400] =	vst v63  }
0x14: {  	s12 =	simm.s32 $0x180;
	s13 =	simm.s32 $0xC400  }
0x15: {  	[hbm4b:s7+s8] =	stream.indirect.scatter [tilespmem:s13], [sflag:$0x1], $0x80, s12, s8, $0xb8;
	[tilespmem:$0x18400] =	vst v63  }
0x16: {  	s14 =	simm.s32 $0x200;
	s15 =	simm.s32 $0x10400  }
0x17: {  	[hbm4b:s7+s8] =	stream.indirect.scatter [tilespmem:s15], [sflag:$0x1], $0x80, s14, s8, $0xb8;
	[tilespmem:$0x18400] =	vst v63  }
0x18: {  	s16 =	simm.s32 $0x280;
	s18 =	simm.s32 $0x14400;
	s17 =	simm.s32 $0x1  }
0x19: {  	[hbm4b:s7+s8] =	stream.indirect.scatter [tilespmem:s18], [sflag:$0x1], $0x80, s16, s8, $0xb8;
	[tilespmem:$0x18400] =	vst v63  }
0x1a: {  	_ =	swait.ge [sflag:s17], $0x4000  }
0x1b: {  	[sflag:s17] =	ssyncset.done $0x0  }
0x1c: {  	[sflag:s17] =	ssyncadd.s32 $0xFFFFC000  }
0x1d: {  	_ =	swait.ge [sflag:s17], $0x4000  }
0x1e: {  	[sflag:s17] =	ssyncset.done $0x0  }
0x1f: {  	[sflag:s17] =	ssyncadd.s32 $0xFFFFC000  }
0x20: {  	_ =	swait.ge [sflag:s17], $0x4000  }
0x21: {  	s19 =	ssub.s32 $0x2, s19;
	[sflag:s17] =	ssyncset.done $0x0  }
0x22: {  	s20 =	sshrl.u32 s19, $0x1;
	[sflag:s17] =	ssyncadd.s32 $0xFFFFC000  }
0x23: {  	s19 =	ssub.s32 s19, s20;
	_ =	swait.ge [sflag:s17], $0x4000  }
0x24: {  	s19 =	smax.u32 s19, $0x1;
	[sflag:s17] =	ssyncset.done $0x0  }
0x25: {  	p0 =	sne.s32 s19, $0x1;
	[sflag:s17] =	ssyncadd.s32 $0xFFFFC000  }
.Ltmp0:
0x26: {  	_ =	swait.ge [sflag:s17], $0x4000;
	(pc) =	sbr.rel @!p0 .LBB2_2-.Ltmp0, $4  }
0x27: {  	[sflag:s17] =	ssyncset.done $0x0  }
0x28: {  	[sflag:s17] =	ssyncadd.s32 $0xFFFFC000  }
0x29: {  	_ =	swait.ge [sflag:s17], $0x4000  }
0x2a: {  	s19 =	sadd.s32 $0xFFFFFFFF, s19;
	[sflag:s17] =	ssyncset.done $0x0  }
.LBB2_1:
0x2b: {  	p0 =	sne.s32 s19, $0x1;
	s19 =	sadd.s32 $0xFFFFFFFF, s19;
	[sflag:s17] =	ssyncadd.s32 $0xFFFFC000  }
0x2c: {  	[tilespmem:s2], [sflag:$0x2] =	stream.linear.gather [hbm4b:s3+s2], $0x300, $0x38;
	[tilespmem:$0x18400] =	vst v63  }
0x2d: {  	_ =	swait.ge [sflag:s4], $0x300  }
0x2e: {  	[sflag:s4] =	ssyncset.done $0x0  }
0x2f: {  	[sflag:s4] =	ssyncadd.s32 $0xFFFFFD00  }
0x30: {  	[tilespmem:s6], [sflag:$0x2] =	stream.linear.gather [hbm4b:s5+s2], $0x18000, $0x38;
	[tilespmem:$0x18400] =	vst v63  }
0x31: {  	_ =	swait.ge [sflag:s4], $0x18000  }
0x32: {  	[sflag:s4] =	ssyncset.done $0x0  }
0x33: {  	[sflag:s4] =	ssyncadd.s32 $0xFFFE8000  }
0x34: {  	[hbm4b:s7+s8] =	stream.indirect.scatter [tilespmem:s6], [sflag:$0x1], $0x80, s2, s8, $0xb8;
	[tilespmem:$0x18400] =	vst v63  }
0x35: {  	_ = 	snop  }
0x36: {  	[hbm4b:s7+s8] =	stream.indirect.scatter [tilespmem:s9], [sflag:$0x1], $0x80, s8, s8, $0xb8;
	[tilespmem:$0x18400] =	vst v63  }
0x37: {  	_ = 	snop  }
0x38: {  	[hbm4b:s7+s8] =	stream.indirect.scatter [tilespmem:s11], [sflag:$0x1], $0x80, s10, s8, $0xb8;
	[tilespmem:$0x18400] =	vst v63  }
0x39: {  	_ = 	snop  }
0x3a: {  	[hbm4b:s7+s8] =	stream.indirect.scatter [tilespmem:s13], [sflag:$0x1], $0x80, s12, s8, $0xb8;
	[tilespmem:$0x18400] =	vst v63  }
0x3b: {  	_ = 	snop  }
0x3c: {  	[hbm4b:s7+s8] =	stream.indirect.scatter [tilespmem:s15], [sflag:$0x1], $0x80, s14, s8, $0xb8;
	[tilespmem:$0x18400] =	vst v63  }
0x3d: {  	_ = 	snop  }
0x3e: {  	[hbm4b:s7+s8] =	stream.indirect.scatter [tilespmem:s18], [sflag:$0x1], $0x80, s16, s8, $0xb8;
	[tilespmem:$0x18400] =	vst v63  }
0x3f: {  	_ =	swait.ge [sflag:s17], $0x4000  }
0x40: {  	[sflag:s17] =	ssyncset.done $0x0  }
0x41: {  	[sflag:s17] =	ssyncadd.s32 $0xFFFFC000  }
0x42: {  	_ =	swait.ge [sflag:s17], $0x4000  }
0x43: {  	[sflag:s17] =	ssyncset.done $0x0  }
0x44: {  	[sflag:s17] =	ssyncadd.s32 $0xFFFFC000  }
0x45: {  	_ =	swait.ge [sflag:s17], $0x4000  }
0x46: {  	[sflag:s17] =	ssyncset.done $0x0  }
0x47: {  	[sflag:s17] =	ssyncadd.s32 $0xFFFFC000  }
0x48: {  	_ =	swait.ge [sflag:s17], $0x4000  }
0x49: {  	[sflag:s17] =	ssyncset.done $0x0  }
0x4a: {  	[sflag:s17] =	ssyncadd.s32 $0xFFFFC000  }
.Ltmp1:
0x4b: {  	_ =	swait.ge [sflag:s17], $0x4000;
	(pc) =	sbr.rel @p0 .LBB2_1-.Ltmp1, $4  }
0x4c: {  	[sflag:s17] =	ssyncset.done $0x0  }
0x4d: {  	[sflag:s17] =	ssyncadd.s32 $0xFFFFC000  }
0x4e: {  	_ =	swait.ge [sflag:s17], $0x4000  }
0x4f: {  	[sflag:s17] =	ssyncset.done $0x0  }
.LBB2_2:
0x50: {  	[sflag:s17] =	ssyncadd.s32 $0xFFFFC000  }
0x51: {  	_ =	sfence.sel $0x180000  }
0x52: {  	[bflag:$0x0] =	sbarrier.arrive $0xFFFF  }
0x53: {  	p0 =	sne.s32 s0, $0x0;
	_ =	strace $0x90000047  }
0x54: {  	s0 =	sadd.s32 @!p0 $0x100000, s1;
	[bflag:$0x2] =	sbarrier.arrive $0xFFFF  }
0x55: {  	[sflag:s0] =	ssyncadd.tile.s32 @!p0 $0x1;
	_ =	shalt  }
.Lfunc_end2:
_tile_overlayer_lowered:
.L_overlay_start_2:
0x56: {  	(tag) =	ssettag $0x2  }
0x57: {  	s0 =	rddreg [dreg:$0x0];
	s2 =	stileid.u32  }
0x58: {  	s1 =	rddreg [dreg:$0x1];
	p0 =	sne.s32 s2, $0x0  }
0x59: {  	s3 =	rddreg [dreg:$0x2];
	[bflag:$0x3] =	sbarrier.arrive $0xFFFF;
	s2 =	simm.s32 @!p0 $0x1C02  }
0x5a: {  	[timem:s3], [sflag:s2] =	dma.local @!p0 [hbm:s0], s1  }
0x5b: {  	s0 =	simm.s32 @!p0 $0x2  }
0x5c: {  	_ =	swait.ge @!p0 [sflag:s0], s1  }
0x5d: {  	s1 =	ssub.s32 @!p0 $0x0, s1;
	[sflag:s0] =	ssyncset.done @!p0 $0x0  }
0x5e: {  	[sflag:s0] =	ssyncadd.s32 @!p0 s1  }
0x5f: {  	[bflag:$0x3] =	sbarrier.arrive $0xFFFF  }
0x60: {  	_ =	shalt  }

</sc_bundles>
